<compile_context>
chip_gen: v7x
topology: tpu7x:2x2x1
jax: 0.10.2.dev20260603
libtpu: 0.0.44.dev20260713+nightly
codegen_flags: <defaults>
</compile_context>

<pallas_src>
import dataclasses
import functools

import jax
import jax.numpy as jnp
from jax import lax
from jax.experimental import pallas as pl
from jax.experimental.pallas import tpu as pltpu
from jax.experimental.pallas import tpu_sc as plsc

N = 10000
D = 128
E = 320000
EPS = 1e-5

NC = 2
NS = 16
NW = NC * NS
CHUNK = 128
CH = 80
EP = NW * CH * CHUNK
TOT_CH = EP // CHUNK
S = 40
CW0 = 120
CW1 = (TOT_CH - 16 * CW0) // 16
NN = 10240
RPT = NN // NS
NB = 5
RB = NN // NB

_mesh = plsc.VectorSubcoreMesh(core_axis_name="c", subcore_axis_name="s")

_cp_no_layout = pltpu.CompilerParams()
if "needs_layout_passes" in pltpu.CompilerParams.__dataclass_fields__:
    _cp_no_layout = dataclasses.replace(_cp_no_layout, needs_layout_passes=False)


@functools.partial(
    pl.kernel,
    mesh=_mesh,
    out_type=jax.ShapeDtypeStruct((NW, NN), jnp.float32),
    compiler_params=_cp_no_layout,
    scratch_types=[
        pltpu.VMEM((CH, CHUNK), jnp.int32),
        pltpu.VMEM((NN,), jnp.float32),
    ],
)
def _sc_degree(dst_hbm, out_hbm, idx_v, hist_v):
    wid = lax.axis_index("s") * NC + lax.axis_index("c")
    pltpu.sync_copy(dst_hbm.at[wid], idx_v)

    @pl.loop(0, NN, step=16)
    def _(i):
        hist_v[pl.ds(i, 16)] = jnp.zeros((16,), jnp.float32)

    ones = jnp.full((16,), 1.0, jnp.float32)

    @pl.loop(0, CH)
    def _(j):
        row = idx_v.at[j]
        for k in range(CHUNK // 16):
            plsc.addupdate_scatter(hist_v, [row[pl.ds(k * 16, 16)]], ones)

    pltpu.sync_copy(hist_v, out_hbm.at[wid])


@functools.partial(
    pl.kernel,
    mesh=_mesh,
    out_type=jax.ShapeDtypeStruct((NC, NN, D), jnp.float32),
    scratch_types=[
        pltpu.VMEM((S, CHUNK), jnp.int32),
        pltpu.VMEM((S, CHUNK), jnp.int32),
        pltpu.VMEM((CHUNK, D), jnp.float32),
        pltpu.VMEM((CHUNK, D), jnp.float32),
        pltpu.VMEM_SHARED((NN, D), jnp.float32),
        pltpu.SemaphoreType.DMA,
        pltpu.SemaphoreType.DMA,
        pltpu.SemaphoreType.DMA,
        pltpu.SemaphoreType.DMA,
    ],
)
def _sc_edge(xs_hbm, src_hbm, dst_hbm, zeros_hbm, out_hbm,
             src_v, dst_v, rows0_v, rows1_v, acc_sh,
             gsem0, gsem1, ssem0, ssem1):
    c = lax.axis_index("c")
    s = lax.axis_index("s")
    rows = (rows0_v, rows1_v)
    gsem = (gsem0, gsem1)
    ssem = (ssem0, ssem1)

    pltpu.sync_copy(zeros_hbm, acc_sh.at[pl.ds(s * RPT, RPT)])
    plsc.subcore_barrier()

    def _process(j, b):
        @pl.when(j + 1 < S)
        def _():
            pltpu.async_copy(xs_hbm.at[src_v.at[j + 1]], rows[1 - b],
                             gsem[1 - b])

        pltpu.make_async_copy(xs_hbm.at[src_v.at[j]], rows[b], gsem[b]).wait()
        pltpu.sync_copy(rows[b], acc_sh.at[dst_v.at[j]], add=True)

    def _run(cw, base):
        for r in range(cw // S):
            off = base + r * S
            pltpu.sync_copy(src_hbm.at[pl.ds(off, S)], src_v)
            pltpu.sync_copy(dst_hbm.at[pl.ds(off, S)], dst_v)
            pltpu.async_copy(xs_hbm.at[src_v.at[0]], rows[0], gsem[0])

            @pl.loop(0, S, step=2)
            def _(b2):
                _process(b2, 0)
                _process(b2 + 1, 1)

    @pl.when(c == 0)
    def _():
        _run(CW0, s * CW0)

    @pl.when(c == 1)
    def _():
        _run(CW1, 16 * CW0 + s * CW1)

    plsc.subcore_barrier()
    pltpu.sync_copy(acc_sh.at[pl.ds(s * RPT, RPT)],
                    out_hbm.at[c, pl.ds(s * RPT, RPT)])


def _tc_pre_body(x_ref, w_ref, hist_ref, xs_ref, dinv_ref):
    deg = jnp.sum(hist_ref[...], axis=0, keepdims=True)
    dinv = lax.rsqrt(1.0 + deg).reshape(RB, 1)
    hw = jnp.dot(x_ref[...], w_ref[...],
                 preferred_element_type=jnp.float32,
                 precision=lax.Precision.HIGHEST)
    xs_ref[...] = hw * dinv
    dinv_ref[...] = dinv


def _tc_pre(x, w1, hist):
    return pl.pallas_call(
        _tc_pre_body,
        grid=(NB,),
        in_specs=[
            pl.BlockSpec((RB, D), lambda i: (i, 0)),
            pl.BlockSpec((D, D), lambda i: (0, 0)),
            pl.BlockSpec((NW, RB), lambda i: (0, i)),
        ],
        out_specs=[
            pl.BlockSpec((RB, D), lambda i: (i, 0)),
            pl.BlockSpec((RB, 1), lambda i: (i, 0)),
        ],
        out_shape=[
            jax.ShapeDtypeStruct((NN, D), jnp.float32),
            jax.ShapeDtypeStruct((NN, 1), jnp.float32),
        ],
    )(x, w1, hist)


def _post_math(p, xs, dinv, b, g, be, res):
    acc = p[0] + p[1] + xs
    agg = acc * dinv + b
    mu = jnp.mean(agg, axis=1, keepdims=True)
    dev = agg - mu
    var = jnp.mean(dev * dev, axis=1, keepdims=True)
    hn = dev * lax.rsqrt(var + EPS) * g + be
    e = jnp.where(hn > 0, hn, jnp.exp(jnp.minimum(hn, 0.0)) - 1.0)
    return e + res


def _tc_mid_body(p_ref, xs_ref, x_ref, dinv_ref, b_ref, g_ref, be_ref,
                 w2_ref, h_ref, xs2_ref):
    h = _post_math(p_ref[...], xs_ref[...], dinv_ref[...],
                   b_ref[...], g_ref[...], be_ref[...], x_ref[...])
    h_ref[...] = h
    xs2_ref[...] = jnp.dot(h, w2_ref[...],
                           preferred_element_type=jnp.float32,
                           precision=lax.Precision.HIGHEST) * dinv_ref[...]


def _tc_mid(p, xs, x, dinv, b1, g1, be1, w2):
    return pl.pallas_call(
        _tc_mid_body,
        grid=(NB,),
        in_specs=[
            pl.BlockSpec((2, RB, D), lambda i: (0, i, 0)),
            pl.BlockSpec((RB, D), lambda i: (i, 0)),
            pl.BlockSpec((RB, D), lambda i: (i, 0)),
            pl.BlockSpec((RB, 1), lambda i: (i, 0)),
            pl.BlockSpec((1, D), lambda i: (0, 0)),
            pl.BlockSpec((1, D), lambda i: (0, 0)),
            pl.BlockSpec((1, D), lambda i: (0, 0)),
            pl.BlockSpec((D, D), lambda i: (0, 0)),
        ],
        out_specs=[
            pl.BlockSpec((RB, D), lambda i: (i, 0)),
            pl.BlockSpec((RB, D), lambda i: (i, 0)),
        ],
        out_shape=[
            jax.ShapeDtypeStruct((NN, D), jnp.float32),
            jax.ShapeDtypeStruct((NN, D), jnp.float32),
        ],
    )(p, xs, x, dinv, b1, g1, be1, w2)


def _tc_post_body(p_ref, xs_ref, h1_ref, dinv_ref, b_ref, g_ref, be_ref,
                  out_ref):
    out_ref[...] = _post_math(p_ref[...], xs_ref[...], dinv_ref[...],
                              b_ref[...], g_ref[...], be_ref[...], h1_ref[...])


def _tc_post(p, xs, h1, dinv, b2, g2, be2):
    return pl.pallas_call(
        _tc_post_body,
        grid=(NB,),
        in_specs=[
            pl.BlockSpec((2, RB, D), lambda i: (0, i, 0)),
            pl.BlockSpec((RB, D), lambda i: (i, 0)),
            pl.BlockSpec((RB, D), lambda i: (i, 0)),
            pl.BlockSpec((RB, 1), lambda i: (i, 0)),
            pl.BlockSpec((1, D), lambda i: (0, 0)),
            pl.BlockSpec((1, D), lambda i: (0, 0)),
            pl.BlockSpec((1, D), lambda i: (0, 0)),
        ],
        out_specs=pl.BlockSpec((RB, D), lambda i: (i, 0)),
        out_shape=jax.ShapeDtypeStruct((NN, D), jnp.float32),
    )(p, xs, h1, dinv, b2, g2, be2)


def kernel(x, edge_index, W1, b1, g1, be1, W2, b2, g2, be2):
    pad = EP - E
    src = jnp.concatenate([edge_index[0], jnp.zeros((pad,), jnp.int32)])
    dst = jnp.concatenate([edge_index[1], jnp.full((pad,), N, jnp.int32)])
    srcp = src.reshape(NW, CH, CHUNK)
    dstp = dst.reshape(NW, CH, CHUNK)
    srcf = src.reshape(TOT_CH, CHUNK)
    dstf = dst.reshape(TOT_CH, CHUNK)
    zeros = jnp.zeros((RPT, D), jnp.float32)
    xp = jnp.concatenate([x, jnp.zeros((NN - N, D), jnp.float32)])

    hist = _sc_degree(dstp)

    xs1, dinv = _tc_pre(xp, W1, hist)
    p1 = _sc_edge(xs1, srcf, dstf, zeros)
    h1, xs2 = _tc_mid(p1, xs1, xp, dinv,
                      b1.reshape(1, D), g1.reshape(1, D), be1.reshape(1, D),
                      W2)
    p2 = _sc_edge(xs2, srcf, dstf, zeros)
    h2 = _tc_post(p2, xs2, h1, dinv,
                  b2.reshape(1, D), g2.reshape(1, D), be2.reshape(1, D))
    return h2[:N]

# --- scband reference (transcript-rebuilt; emitter-appended) ---
"""Pipeline reference for scband-gcnencoder-25486335934641 (READ-ONLY COPY).

The authoritative reference and input builder live on the scoring server;
editing this copy changes nothing except your own understanding.
"""

import jax, jax.numpy as jnp
import numpy as np

N = 10000
E = 320000
D = 128
EPS = 1e-5


def setup_inputs(seed: int = 0) -> dict:
    key = jax.random.key(seed)
    ks = jax.random.split(key, 12)
    x = jax.random.normal(ks[0], (N, D), dtype=jnp.float32)
    edge_index = jax.random.randint(ks[1], (2, E), 0, N, dtype=jnp.int32)
    s = 1.0 / np.sqrt(D)
    W1 = jax.random.normal(ks[2], (D, D), dtype=jnp.float32) * s
    b1 = jnp.zeros((D,), dtype=jnp.float32)
    g1 = jnp.ones((D,), dtype=jnp.float32)
    be1 = jnp.zeros((D,), dtype=jnp.float32)
    W2 = jax.random.normal(ks[3], (D, D), dtype=jnp.float32) * s
    b2 = jnp.zeros((D,), dtype=jnp.float32)
    g2 = jnp.ones((D,), dtype=jnp.float32)
    be2 = jnp.zeros((D,), dtype=jnp.float32)
    return {"x": x, "edge_index": edge_index, "W1": W1, "b1": b1, "g1": g1, "be1": be1, "W2": W2, "b2": b2, "g2": g2, "be2": be2}


def _layer(h, src, dst, norm, W, b, g, be):
    # GCNConv: x' = D^{-1/2}(A+I)D^{-1/2} X W + b
    res = h  # input_dim == embed_dim, so residual is active in every layer
    hw = h @ W
    msg = hw[src] * norm
    agg = jnp.zeros((N, W.shape[1]), dtype=jnp.float32).at[dst].add(msg) + b
    # LayerNorm
    mu = agg.mean(axis=-1, keepdims=True)
    var = ((agg - mu) ** 2).mean(axis=-1, keepdims=True)
    hn = (agg - mu) / jnp.sqrt(var + EPS) * g + be
    # ELU (dropout is identity in eval mode)
    hn = jax.nn.elu(hn)
    return hn + res


def reference(x, edge_index, W1, b1, g1, be1, W2, b2, g2, be2):
    loop = jnp.arange(N, dtype=edge_index.dtype)
    src = jnp.concatenate([edge_index[0], loop])
    dst = jnp.concatenate([edge_index[1], loop])
    deg = jnp.zeros((N,), dtype=jnp.float32).at[dst].add(1.0)
    dinv = jnp.where(deg > 0, 1.0 / jnp.sqrt(deg), 0.0)
    norm = (dinv[src] * dinv[dst])[:, None]
    h = _layer(x, src, dst, norm, W1, b1, g1, be1)
    h = _layer(h, src, dst, norm, W2, b2, g2, be2)
    return h

if __name__ == "__main__":
    import jax
    _d = setup_inputs()
    print(jax.jit(kernel)(*tuple(_d.values())))

</pallas_src>

<mosaic_0001>
#map = affine_map<(d0, d1) -> (0, 0)>
#map1 = affine_map<(d0, d1) -> (0, 0, 0)>
module attributes {stable_mosaic.version = 14 : i64} {
  func.func @_sc_edge(%arg0: i32, %arg1: i32, %arg2: memref<10240x128xf32, #tpu.memory_space<hbm>>, %arg3: memref<2560x128xi32, #tpu.memory_space<hbm>>, %arg4: memref<2560x128xi32, #tpu.memory_space<hbm>>, %arg5: memref<640x128xf32, #tpu.memory_space<hbm>>, %arg6: memref<2x10240x128xf32, #tpu.memory_space<hbm>>, %arg7: memref<40x128xi32, #tpu.memory_space<vmem>>, %arg8: memref<40x128xi32, #tpu.memory_space<vmem>>, %arg9: memref<128x128xf32, #tpu.memory_space<vmem>>, %arg10: memref<128x128xf32, #tpu.memory_space<vmem>>, %arg11: memref<10240x128xf32, #tpu.memory_space<vmem_shared>>, %arg12: memref<!tpu.dma_semaphore, #tpu.memory_space<semaphore_mem>>, %arg13: memref<!tpu.dma_semaphore, #tpu.memory_space<semaphore_mem>>, %arg14: memref<!tpu.dma_semaphore, #tpu.memory_space<semaphore_mem>>, %arg15: memref<!tpu.dma_semaphore, #tpu.memory_space<semaphore_mem>>) attributes {dimension_semantics = [#tpu.dimension_semantics<core_parallel>, #tpu.dimension_semantics<subcore_parallel>], iteration_bounds = array<i64: 2, 16>, scalar_prefetch = 0 : i64, scratch_operands = 9 : i64, tpu.core_type = #tpu.core_type<sc_vector_subcore>, window_params = [{transform_indices = #map}, {transform_indices = #map}, {transform_indices = #map}, {transform_indices = #map}, {transform_indices = #map1}]} {
    %mul3A = arith.constant 640 : i32
    %mul3A_0 = arith.muli %arg1, %mul3A : i32
    "tpu.region"() ({
      %run_scoped3A = tpu.sem_alloc : memref<!tpu.dma_semaphore, #tpu.memory_space<semaphore_mem>>
      %dma_start3A = arith.constant 0 : i32
      %dma_start3A_13 = tpu.memref_slice %arg11[%mul3A_0, %dma_start3A] : memref<10240x128xf32, #tpu.memory_space<vmem_shared>> -> memref<640x128xf32, #tpu.memory_space<vmem_shared>>
      tpu.enqueue_dma source(%arg5 : memref<640x128xf32, #tpu.memory_space<hbm>>) target(%dma_start3A_13 : memref<640x128xf32, #tpu.memory_space<vmem_shared>>) target_semaphore(%run_scoped3A : memref<!tpu.dma_semaphore, #tpu.memory_space<semaphore_mem>>)
      %dma_wait3A = arith.constant 0 : i32
      %dma_wait3A_14 = tpu.memref_slice %arg11[%mul3A_0, %dma_wait3A] : memref<10240x128xf32, #tpu.memory_space<vmem_shared>> -> memref<640x128xf32, #tpu.memory_space<vmem_shared>>
      tpu.wait_dma2 semaphore(%run_scoped3A : memref<!tpu.dma_semaphore, #tpu.memory_space<semaphore_mem>>) src(%arg5 : memref<640x128xf32, #tpu.memory_space<hbm>>) dst(%dma_wait3A_14 : memref<640x128xf32, #tpu.memory_space<vmem_shared>>)
      tpu.yield
    }) : () -> ()
    %barrier3A = arith.constant 0 : index
    tpu.barrier barrier_id(%barrier3A)
    %eq3A = arith.constant 0 : i32
    %eq3A_1 = arith.cmpi eq, %arg0, %eq3A : i32
    %convert_element_type3A = arith.extui %eq3A_1 : i1 to i32
    %cond3A = arith.constant 0 : i32
    %cond3A_2 = arith.cmpi ne, %convert_element_type3A, %cond3A : i32
    scf.if %cond3A_2 {
      %mul3A_13 = arith.constant 120 : i32
      %mul3A_14 = arith.muli %arg1, %mul3A_13 : i32
      %add3A = arith.constant 0 : i32
      %add3A_15 = arith.addi %mul3A_14, %add3A : i32
      "tpu.region"() ({
        %run_scoped3A = tpu.sem_alloc : memref<!tpu.dma_semaphore, #tpu.memory_space<semaphore_mem>>
        %dma_start3A_54 = arith.constant 0 : i32
        %dma_start3A_55 = tpu.memref_slice %arg3[%add3A_15, %dma_start3A_54] : memref<2560x128xi32, #tpu.memory_space<hbm>> -> memref<40x128xi32, #tpu.memory_space<hbm>>
        %dma_start3A_56 = arith.constant 0 : i32
        %dma_start3A_57 = tpu.memref_slice %arg3[%add3A_15, %dma_start3A_56] : memref<2560x128xi32, #tpu.memory_space<hbm>> -> memref<40x128xi32, #tpu.memory_space<hbm>>
        tpu.enqueue_dma source(%dma_start3A_57 : memref<40x128xi32, #tpu.memory_space<hbm>>) target(%arg7 : memref<40x128xi32, #tpu.memory_space<vmem>>) target_semaphore(%run_scoped3A : memref<!tpu.dma_semaphore, #tpu.memory_space<semaphore_mem>>)
        %dma_wait3A = arith.constant 0 : i32
        %dma_wait3A_58 = tpu.memref_slice %arg3[%add3A_15, %dma_wait3A] : memref<2560x128xi32, #tpu.memory_space<hbm>> -> memref<40x128xi32, #tpu.memory_space<hbm>>
        %dma_wait3A_59 = arith.constant 0 : i32
        %dma_wait3A_60 = tpu.memref_slice %arg3[%add3A_15, %dma_wait3A_59] : memref<2560x128xi32, #tpu.memory_space<hbm>> -> memref<40x128xi32, #tpu.memory_space<hbm>>
        tpu.wait_dma2 semaphore(%run_scoped3A : memref<!tpu.dma_semaphore, #tpu.memory_space<semaphore_mem>>) src(%dma_wait3A_60 : memref<40x128xi32, #tpu.memory_space<hbm>>) dst(%arg7 : memref<40x128xi32, #tpu.memory_space<vmem>>)
        tpu.yield
      }) : () -> ()
      "tpu.region"() ({
        %run_scoped3A = tpu.sem_alloc : memref<!tpu.dma_semaphore, #tpu.memory_space<semaphore_mem>>
        %dma_start3A_54 = arith.constant 0 : i32
        %dma_start3A_55 = tpu.memref_slice %arg4[%add3A_15, %dma_start3A_54] : memref<2560x128xi32, #tpu.memory_space<hbm>> -> memref<40x128xi32, #tpu.memory_space<hbm>>
        %dma_start3A_56 = arith.constant 0 : i32
        %dma_start3A_57 = tpu.memref_slice %arg4[%add3A_15, %dma_start3A_56] : memref<2560x128xi32, #tpu.memory_space<hbm>> -> memref<40x128xi32, #tpu.memory_space<hbm>>
        tpu.enqueue_dma source(%dma_start3A_57 : memref<40x128xi32, #tpu.memory_space<hbm>>) target(%arg8 : memref<40x128xi32, #tpu.memory_space<vmem>>) target_semaphore(%run_scoped3A : memref<!tpu.dma_semaphore, #tpu.memory_space<semaphore_mem>>)
        %dma_wait3A = arith.constant 0 : i32
        %dma_wait3A_58 = tpu.memref_slice %arg4[%add3A_15, %dma_wait3A] : memref<2560x128xi32, #tpu.memory_space<hbm>> -> memref<40x128xi32, #tpu.memory_space<hbm>>
        %dma_wait3A_59 = arith.constant 0 : i32
        %dma_wait3A_60 = tpu.memref_slice %arg4[%add3A_15, %dma_wait3A_59] : memref<2560x128xi32, #tpu.memory_space<hbm>> -> memref<40x128xi32, #tpu.memory_space<hbm>>
        tpu.wait_dma2 semaphore(%run_scoped3A : memref<!tpu.dma_semaphore, #tpu.memory_space<semaphore_mem>>) src(%dma_wait3A_60 : memref<40x128xi32, #tpu.memory_space<hbm>>) dst(%arg8 : memref<40x128xi32, #tpu.memory_space<vmem>>)
        tpu.yield
      }) : () -> ()
      %dma_start3A = arith.constant 0 : i32
      %dma_start3A_16 = arith.constant 0 : i32
      %dma_start3A_17 = tpu.memref_slice %arg7[%dma_start3A, %dma_start3A_16] : memref<40x128xi32, #tpu.memory_space<vmem>> -> memref<1x128xi32, #tpu.memory_space<vmem>>
      %dma_start3A_18 = tpu.memref_squeeze %dma_start3A_17 : memref<1x128xi32, #tpu.memory_space<vmem>> -> memref<128xi32, #tpu.memory_space<vmem>>
      %dma_start3A_19 = arith.constant 0 : i32
      %dma_start3A_20 = arith.constant 0 : i32
      %dma_start3A_21 = tpu.memref_slice %arg2[%dma_start3A_19, %dma_start3A_20] : memref<10240x128xf32, #tpu.memory_space<hbm>> -> memref<10240x128xf32, #tpu.memory_space<hbm>>
      tpu.enqueue_indirect_dma source(%dma_start3A_21 : memref<10240x128xf32, #tpu.memory_space<hbm>>) target(%arg9 : memref<128x128xf32, #tpu.memory_space<vmem>>) offsets(%dma_start3A_18 : memref<128xi32, #tpu.memory_space<vmem>>) semaphore(%arg12 : memref<!tpu.dma_semaphore, #tpu.memory_space<semaphore_mem>>)
      %scan3A = arith.constant 0 : i32
      %scan3A_22 = arith.constant 20 : i32
      %scan3A_23 = arith.addi %scan3A, %scan3A_22 : i32
      %scan3A_24 = arith.constant 1 : i32
      scf.for %scan3A_54 = %scan3A to %scan3A_23 step %scan3A_24  : i32 {
        %mul3A_55 = arith.constant 2 : i32
        %mul3A_56 = arith.muli %scan3A_54, %mul3A_55 : i32
        %add3A_57 = arith.constant 0 : i32
        %add3A_58 = arith.addi %add3A_57, %mul3A_56 : i32
        %add3A_59 = arith.constant 1 : i32
        %add3A_60 = arith.addi %add3A_58, %add3A_59 : i32
        %lt3A = arith.constant 40 : i32
        %lt3A_61 = arith.cmpi slt, %add3A_60, %lt3A : i32
        %convert_element_type3A_62 = arith.extui %lt3A_61 : i1 to i32
        %cond3A_63 = arith.constant 0 : i32
        %cond3A_64 = arith.cmpi ne, %convert_element_type3A_62, %cond3A_63 : i32
        scf.if %cond3A_64 {
          %add3A_85 = arith.constant 1 : i32
          %add3A_86 = arith.addi %add3A_58, %add3A_85 : i32
          %dma_start3A_87 = arith.constant 0 : i32
          %dma_start3A_88 = tpu.memref_slice %arg7[%add3A_86, %dma_start3A_87] : memref<40x128xi32, #tpu.memory_space<vmem>> -> memref<1x128xi32, #tpu.memory_space<vmem>>
          %dma_start3A_89 = tpu.memref_squeeze %dma_start3A_88 : memref<1x128xi32, #tpu.memory_space<vmem>> -> memref<128xi32, #tpu.memory_space<vmem>>
          %dma_start3A_90 = arith.constant 0 : i32
          %dma_start3A_91 = arith.constant 0 : i32
          %dma_start3A_92 = tpu.memref_slice %arg2[%dma_start3A_90, %dma_start3A_91] : memref<10240x128xf32, #tpu.memory_space<hbm>> -> memref<10240x128xf32, #tpu.memory_space<hbm>>
          tpu.enqueue_indirect_dma source(%dma_start3A_92 : memref<10240x128xf32, #tpu.memory_space<hbm>>) target(%arg10 : memref<128x128xf32, #tpu.memory_space<vmem>>) offsets(%dma_start3A_89 : memref<128xi32, #tpu.memory_space<vmem>>) semaphore(%arg13 : memref<!tpu.dma_semaphore, #tpu.memory_space<semaphore_mem>>)
        } else {
        }
        %dma_wait3A = arith.constant 0 : i32
        %dma_wait3A_65 = tpu.memref_slice %arg7[%add3A_58, %dma_wait3A] : memref<40x128xi32, #tpu.memory_space<vmem>> -> memref<1x128xi32, #tpu.memory_space<vmem>>
        %dma_wait3A_66 = tpu.memref_squeeze %dma_wait3A_65 : memref<1x128xi32, #tpu.memory_space<vmem>> -> memref<128xi32, #tpu.memory_space<vmem>>
        %dma_wait3A_67 = arith.constant 0 : i32
        %dma_wait3A_68 = arith.constant 0 : i32
        %dma_wait3A_69 = tpu.memref_slice %arg2[%dma_wait3A_67, %dma_wait3A_68] : memref<10240x128xf32, #tpu.memory_space<hbm>> -> memref<10240x128xf32, #tpu.memory_space<hbm>>
        tpu.wait_indirect_dma semaphore(%arg12 : memref<!tpu.dma_semaphore, #tpu.memory_space<semaphore_mem>>) src(%dma_wait3A_69 : memref<10240x128xf32, #tpu.memory_space<hbm>>) dst(%arg9 : memref<128x128xf32, #tpu.memory_space<vmem>>)
        "tpu.region"() ({
          %run_scoped3A = tpu.sem_alloc : memref<!tpu.dma_semaphore, #tpu.memory_space<semaphore_mem>>
          %dma_start3A_85 = arith.constant 0 : i32
          %dma_start3A_86 = tpu.memref_slice %arg8[%add3A_58, %dma_start3A_85] : memref<40x128xi32, #tpu.memory_space<vmem>> -> memref<1x128xi32, #tpu.memory_space<vmem>>
          %dma_start3A_87 = tpu.memref_squeeze %dma_start3A_86 : memref<1x128xi32, #tpu.memory_space<vmem>> -> memref<128xi32, #tpu.memory_space<vmem>>
          %dma_start3A_88 = arith.constant 0 : i32
          %dma_start3A_89 = arith.constant 0 : i32
          %dma_start3A_90 = tpu.memref_slice %arg11[%dma_start3A_88, %dma_start3A_89] : memref<10240x128xf32, #tpu.memory_space<vmem_shared>> -> memref<10240x128xf32, #tpu.memory_space<vmem_shared>>
          tpu.enqueue_indirect_dma source(%arg9 : memref<128x128xf32, #tpu.memory_space<vmem>>) target(%dma_start3A_90 : memref<10240x128xf32, #tpu.memory_space<vmem_shared>>) offsets(%dma_start3A_87 : memref<128xi32, #tpu.memory_space<vmem>>) semaphore(%run_scoped3A : memref<!tpu.dma_semaphore, #tpu.memory_space<semaphore_mem>>) {add = true}
          %dma_wait3A_91 = arith.constant 0 : i32
          %dma_wait3A_92 = tpu.memref_slice %arg8[%add3A_58, %dma_wait3A_91] : memref<40x128xi32, #tpu.memory_space<vmem>> -> memref<1x128xi32, #tpu.memory_space<vmem>>
          %dma_wait3A_93 = tpu.memref_squeeze %dma_wait3A_92 : memref<1x128xi32, #tpu.memory_space<vmem>> -> memref<128xi32, #tpu.memory_space<vmem>>
          %dma_wait3A_94 = arith.constant 0 : i32
          %dma_wait3A_95 = arith.constant 0 : i32
          %dma_wait3A_96 = tpu.memref_slice %arg11[%dma_wait3A_94, %dma_wait3A_95] : memref<10240x128xf32, #tpu.memory_space<vmem_shared>> -> memref<10240x128xf32, #tpu.memory_space<vmem_shared>>
          tpu.wait_indirect_dma semaphore(%run_scoped3A : memref<!tpu.dma_semaphore, #tpu.memory_space<semaphore_mem>>) src(%arg9 : memref<128x128xf32, #tpu.memory_space<vmem>>) dst(%dma_wait3A_96 : memref<10240x128xf32, #tpu.memory_space<vmem_shared>>)
          tpu.yield
        }) : () -> ()
        %add3A_70 = arith.constant 1 : i32
        %add3A_71 = arith.addi %add3A_58, %add3A_70 : i32
        %add3A_72 = arith.constant 1 : i32
        %add3A_73 = arith.addi %add3A_71, %add3A_72 : i32
        %lt3A_74 = arith.constant 40 : i32
        %lt3A_75 = arith.cmpi slt, %add3A_73, %lt3A_74 : i32
        %convert_element_type3A_76 = arith.extui %lt3A_75 : i1 to i32
        %cond3A_77 = arith.constant 0 : i32
        %cond3A_78 = arith.cmpi ne, %convert_element_type3A_76, %cond3A_77 : i32
        scf.if %cond3A_78 {
          %add3A_85 = arith.constant 1 : i32
          %add3A_86 = arith.addi %add3A_71, %add3A_85 : i32
          %dma_start3A_87 = arith.constant 0 : i32
          %dma_start3A_88 = tpu.memref_slice %arg7[%add3A_86, %dma_start3A_87] : memref<40x128xi32, #tpu.memory_space<vmem>> -> memref<1x128xi32, #tpu.memory_space<vmem>>
          %dma_start3A_89 = tpu.memref_squeeze %dma_start3A_88 : memref<1x128xi32, #tpu.memory_space<vmem>> -> memref<128xi32, #tpu.memory_space<vmem>>
          %dma_start3A_90 = arith.constant 0 : i32
          %dma_start3A_91 = arith.constant 0 : i32
          %dma_start3A_92 = tpu.memref_slice %arg2[%dma_start3A_90, %dma_start3A_91] : memref<10240x128xf32, #tpu.memory_space<hbm>> -> memref<10240x128xf32, #tpu.memory_space<hbm>>
          tpu.enqueue_indirect_dma source(%dma_start3A_92 : memref<10240x128xf32, #tpu.memory_space<hbm>>) target(%arg9 : memref<128x128xf32, #tpu.memory_space<vmem>>) offsets(%dma_start3A_89 : memref<128xi32, #tpu.memory_space<vmem>>) semaphore(%arg12 : memref<!tpu.dma_semaphore, #tpu.memory_space<semaphore_mem>>)
        } else {
        }
        %dma_wait3A_79 = arith.constant 0 : i32
        %dma_wait3A_80 = tpu.memref_slice %arg7[%add3A_71, %dma_wait3A_79] : memref<40x128xi32, #tpu.memory_space<vmem>> -> memref<1x128xi32, #tpu.memory_space<vmem>>
        %dma_wait3A_81 = tpu.memref_squeeze %dma_wait3A_80 : memref<1x128xi32, #tpu.memory_space<vmem>> -> memref<128xi32, #tpu.memory_space<vmem>>
        %dma_wait3A_82 = arith.constant 0 : i32
        %dma_wait3A_83 = arith.constant 0 : i32
        %dma_wait3A_84 = tpu.memref_slice %arg2[%dma_wait3A_82, %dma_wait3A_83] : memref<10240x128xf32, #tpu.memory_space<hbm>> -> memref<10240x128xf32, #tpu.memory_space<hbm>>
        tpu.wait_indirect_dma semaphore(%arg13 : memref<!tpu.dma_semaphore, #tpu.memory_space<semaphore_mem>>) src(%dma_wait3A_84 : memref<10240x128xf32, #tpu.memory_space<hbm>>) dst(%arg10 : memref<128x128xf32, #tpu.memory_space<vmem>>)
        "tpu.region"() ({
          %run_scoped3A = tpu.sem_alloc : memref<!tpu.dma_semaphore, #tpu.memory_space<semaphore_mem>>
          %dma_start3A_85 = arith.constant 0 : i32
          %dma_start3A_86 = tpu.memref_slice %arg8[%add3A_71, %dma_start3A_85] : memref<40x128xi32, #tpu.memory_space<vmem>> -> memref<1x128xi32, #tpu.memory_space<vmem>>
          %dma_start3A_87 = tpu.memref_squeeze %dma_start3A_86 : memref<1x128xi32, #tpu.memory_space<vmem>> -> memref<128xi32, #tpu.memory_space<vmem>>
          %dma_start3A_88 = arith.constant 0 : i32
          %dma_start3A_89 = arith.constant 0 : i32
          %dma_start3A_90 = tpu.memref_slice %arg11[%dma_start3A_88, %dma_start3A_89] : memref<10240x128xf32, #tpu.memory_space<vmem_shared>> -> memref<10240x128xf32, #tpu.memory_space<vmem_shared>>
          tpu.enqueue_indirect_dma source(%arg10 : memref<128x128xf32, #tpu.memory_space<vmem>>) target(%dma_start3A_90 : memref<10240x128xf32, #tpu.memory_space<vmem_shared>>) offsets(%dma_start3A_87 : memref<128xi32, #tpu.memory_space<vmem>>) semaphore(%run_scoped3A : memref<!tpu.dma_semaphore, #tpu.memory_space<semaphore_mem>>) {add = true}
          %dma_wait3A_91 = arith.constant 0 : i32
          %dma_wait3A_92 = tpu.memref_slice %arg8[%add3A_71, %dma_wait3A_91] : memref<40x128xi32, #tpu.memory_space<vmem>> -> memref<1x128xi32, #tpu.memory_space<vmem>>
          %dma_wait3A_93 = tpu.memref_squeeze %dma_wait3A_92 : memref<1x128xi32, #tpu.memory_space<vmem>> -> memref<128xi32, #tpu.memory_space<vmem>>
          %dma_wait3A_94 = arith.constant 0 : i32
          %dma_wait3A_95 = arith.constant 0 : i32
          %dma_wait3A_96 = tpu.memref_slice %arg11[%dma_wait3A_94, %dma_wait3A_95] : memref<10240x128xf32, #tpu.memory_space<vmem_shared>> -> memref<10240x128xf32, #tpu.memory_space<vmem_shared>>
          tpu.wait_indirect_dma semaphore(%run_scoped3A : memref<!tpu.dma_semaphore, #tpu.memory_space<semaphore_mem>>) src(%arg10 : memref<128x128xf32, #tpu.memory_space<vmem>>) dst(%dma_wait3A_96 : memref<10240x128xf32, #tpu.memory_space<vmem_shared>>)
          tpu.yield
        }) : () -> ()
      }
      %scan3A_25 = arith.constant 20 : i32
      %add3A_26 = arith.constant 40 : i32
      %add3A_27 = arith.addi %mul3A_14, %add3A_26 : i32
      "tpu.region"() ({
        %run_scoped3A = tpu.sem_alloc : memref<!tpu.dma_semaphore, #tpu.memory_space<semaphore_mem>>
        %dma_start3A_54 = arith.constant 0 : i32
        %dma_start3A_55 = tpu.memref_slice %arg3[%add3A_27, %dma_start3A_54] : memref<2560x128xi32, #tpu.memory_space<hbm>> -> memref<40x128xi32, #tpu.memory_space<hbm>>
        %dma_start3A_56 = arith.constant 0 : i32
        %dma_start3A_57 = tpu.memref_slice %arg3[%add3A_27, %dma_start3A_56] : memref<2560x128xi32, #tpu.memory_space<hbm>> -> memref<40x128xi32, #tpu.memory_space<hbm>>
        tpu.enqueue_dma source(%dma_start3A_57 : memref<40x128xi32, #tpu.memory_space<hbm>>) target(%arg7 : memref<40x128xi32, #tpu.memory_space<vmem>>) target_semaphore(%run_scoped3A : memref<!tpu.dma_semaphore, #tpu.memory_space<semaphore_mem>>)
        %dma_wait3A = arith.constant 0 : i32
        %dma_wait3A_58 = tpu.memref_slice %arg3[%add3A_27, %dma_wait3A] : memref<2560x128xi32, #tpu.memory_space<hbm>> -> memref<40x128xi32, #tpu.memory_space<hbm>>
        %dma_wait3A_59 = arith.constant 0 : i32
        %dma_wait3A_60 = tpu.memref_slice %arg3[%add3A_27, %dma_wait3A_59] : memref<2560x128xi32, #tpu.memory_space<hbm>> -> memref<40x128xi32, #tpu.memory_space<hbm>>
        tpu.wait_dma2 semaphore(%run_scoped3A : memref<!tpu.dma_semaphore, #tpu.memory_space<semaphore_mem>>) src(%dma_wait3A_60 : memref<40x128xi32, #tpu.memory_space<hbm>>) dst(%arg7 : memref<40x128xi32, #tpu.memory_space<vmem>>)
        tpu.yield
      }) : () -> ()
      "tpu.region"() ({
        %run_scoped3A = tpu.sem_alloc : memref<!tpu.dma_semaphore, #tpu.memory_space<semaphore_mem>>
        %dma_start3A_54 = arith.constant 0 : i32
        %dma_start3A_55 = tpu.memref_slice %arg4[%add3A_27, %dma_start3A_54] : memref<2560x128xi32, #tpu.memory_space<hbm>> -> memref<40x128xi32, #tpu.memory_space<hbm>>
        %dma_start3A_56 = arith.constant 0 : i32
        %dma_start3A_57 = tpu.memref_slice %arg4[%add3A_27, %dma_start3A_56] : memref<2560x128xi32, #tpu.memory_space<hbm>> -> memref<40x128xi32, #tpu.memory_space<hbm>>
        tpu.enqueue_dma source(%dma_start3A_57 : memref<40x128xi32, #tpu.memory_space<hbm>>) target(%arg8 : memref<40x128xi32, #tpu.memory_space<vmem>>) target_semaphore(%run_scoped3A : memref<!tpu.dma_semaphore, #tpu.memory_space<semaphore_mem>>)
        %dma_wait3A = arith.constant 0 : i32
        %dma_wait3A_58 = tpu.memref_slice %arg4[%add3A_27, %dma_wait3A] : memref<2560x128xi32, #tpu.memory_space<hbm>> -> memref<40x128xi32, #tpu.memory_space<hbm>>
        %dma_wait3A_59 = arith.constant 0 : i32
        %dma_wait3A_60 = tpu.memref_slice %arg4[%add3A_27, %dma_wait3A_59] : memref<2560x128xi32, #tpu.memory_space<hbm>> -> memref<40x128xi32, #tpu.memory_space<hbm>>
        tpu.wait_dma2 semaphore(%run_scoped3A : memref<!tpu.dma_semaphore, #tpu.memory_space<semaphore_mem>>) src(%dma_wait3A_60 : memref<40x128xi32, #tpu.memory_space<hbm>>) dst(%arg8 : memref<40x128xi32, #tpu.memory_space<vmem>>)
        tpu.yield
      }) : () -> ()
      %dma_start3A_28 = arith.constant 0 : i32
      %dma_start3A_29 = arith.constant 0 : i32
      %dma_start3A_30 = tpu.memref_slice %arg7[%dma_start3A_28, %dma_start3A_29] : memref<40x128xi32, #tpu.memory_space<vmem>> -> memref<1x128xi32, #tpu.memory_space<vmem>>
      %dma_start3A_31 = tpu.memref_squeeze %dma_start3A_30 : memref<1x128xi32, #tpu.memory_space<vmem>> -> memref<128xi32, #tpu.memory_space<vmem>>
      %dma_start3A_32 = arith.constant 0 : i32
      %dma_start3A_33 = arith.constant 0 : i32
      %dma_start3A_34 = tpu.memref_slice %arg2[%dma_start3A_32, %dma_start3A_33] : memref<10240x128xf32, #tpu.memory_space<hbm>> -> memref<10240x128xf32, #tpu.memory_space<hbm>>
      tpu.enqueue_indirect_dma source(%dma_start3A_34 : memref<10240x128xf32, #tpu.memory_space<hbm>>) target(%arg9 : memref<128x128xf32, #tpu.memory_space<vmem>>) offsets(%dma_start3A_31 : memref<128xi32, #tpu.memory_space<vmem>>) semaphore(%arg12 : memref<!tpu.dma_semaphore, #tpu.memory_space<semaphore_mem>>)
      %scan3A_35 = arith.constant 0 : i32
      %scan3A_36 = arith.constant 20 : i32
      %scan3A_37 = arith.addi %scan3A_35, %scan3A_36 : i32
      %scan3A_38 = arith.constant 1 : i32
      scf.for %scan3A_54 = %scan3A_35 to %scan3A_37 step %scan3A_38  : i32 {
        %mul3A_55 = arith.constant 2 : i32
        %mul3A_56 = arith.muli %scan3A_54, %mul3A_55 : i32
        %add3A_57 = arith.constant 0 : i32
        %add3A_58 = arith.addi %add3A_57, %mul3A_56 : i32
        %add3A_59 = arith.constant 1 : i32
        %add3A_60 = arith.addi %add3A_58, %add3A_59 : i32
        %lt3A = arith.constant 40 : i32
        %lt3A_61 = arith.cmpi slt, %add3A_60, %lt3A : i32
        %convert_element_type3A_62 = arith.extui %lt3A_61 : i1 to i32
        %cond3A_63 = arith.constant 0 : i32
        %cond3A_64 = arith.cmpi ne, %convert_element_type3A_62, %cond3A_63 : i32
        scf.if %cond3A_64 {
          %add3A_85 = arith.constant 1 : i32
          %add3A_86 = arith.addi %add3A_58, %add3A_85 : i32
          %dma_start3A_87 = arith.constant 0 : i32
          %dma_start3A_88 = tpu.memref_slice %arg7[%add3A_86, %dma_start3A_87] : memref<40x128xi32, #tpu.memory_space<vmem>> -> memref<1x128xi32, #tpu.memory_space<vmem>>
          %dma_start3A_89 = tpu.memref_squeeze %dma_start3A_88 : memref<1x128xi32, #tpu.memory_space<vmem>> -> memref<128xi32, #tpu.memory_space<vmem>>
          %dma_start3A_90 = arith.constant 0 : i32
          %dma_start3A_91 = arith.constant 0 : i32
          %dma_start3A_92 = tpu.memref_slice %arg2[%dma_start3A_90, %dma_start3A_91] : memref<10240x128xf32, #tpu.memory_space<hbm>> -> memref<10240x128xf32, #tpu.memory_space<hbm>>
          tpu.enqueue_indirect_dma source(%dma_start3A_92 : memref<10240x128xf32, #tpu.memory_space<hbm>>) target(%arg10 : memref<128x128xf32, #tpu.memory_space<vmem>>) offsets(%dma_start3A_89 : memref<128xi32, #tpu.memory_space<vmem>>) semaphore(%arg13 : memref<!tpu.dma_semaphore, #tpu.memory_space<semaphore_mem>>)
        } else {
        }
        %dma_wait3A = arith.constant 0 : i32
        %dma_wait3A_65 = tpu.memref_slice %arg7[%add3A_58, %dma_wait3A] : memref<40x128xi32, #tpu.memory_space<vmem>> -> memref<1x128xi32, #tpu.memory_space<vmem>>
        %dma_wait3A_66 = tpu.memref_squeeze %dma_wait3A_65 : memref<1x128xi32, #tpu.memory_space<vmem>> -> memref<128xi32, #tpu.memory_space<vmem>>
        %dma_wait3A_67 = arith.constant 0 : i32
        %dma_wait3A_68 = arith.constant 0 : i32
        %dma_wait3A_69 = tpu.memref_slice %arg2[%dma_wait3A_67, %dma_wait3A_68] : memref<10240x128xf32, #tpu.memory_space<hbm>> -> memref<10240x128xf32, #tpu.memory_space<hbm>>
        tpu.wait_indirect_dma semaphore(%arg12 : memref<!tpu.dma_semaphore, #tpu.memory_space<semaphore_mem>>) src(%dma_wait3A_69 : memref<10240x128xf32, #tpu.memory_space<hbm>>) dst(%arg9 : memref<128x128xf32, #tpu.memory_space<vmem>>)
        "tpu.region"() ({
          %run_scoped3A = tpu.sem_alloc : memref<!tpu.dma_semaphore, #tpu.memory_space<semaphore_mem>>
          %dma_start3A_85 = arith.constant 0 : i32
          %dma_start3A_86 = tpu.memref_slice %arg8[%add3A_58, %dma_start3A_85] : memref<40x128xi32, #tpu.memory_space<vmem>> -> memref<1x128xi32, #tpu.memory_space<vmem>>
          %dma_start3A_87 = tpu.memref_squeeze %dma_start3A_86 : memref<1x128xi32, #tpu.memory_space<vmem>> -> memref<128xi32, #tpu.memory_space<vmem>>
          %dma_start3A_88 = arith.constant 0 : i32
          %dma_start3A_89 = arith.constant 0 : i32
          %dma_start3A_90 = tpu.memref_slice %arg11[%dma_start3A_88, %dma_start3A_89] : memref<10240x128xf32, #tpu.memory_space<vmem_shared>> -> memref<10240x128xf32, #tpu.memory_space<vmem_shared>>
          tpu.enqueue_indirect_dma source(%arg9 : memref<128x128xf32, #tpu.memory_space<vmem>>) target(%dma_start3A_90 : memref<10240x128xf32, #tpu.memory_space<vmem_shared>>) offsets(%dma_start3A_87 : memref<128xi32, #tpu.memory_space<vmem>>) semaphore(%run_scoped3A : memref<!tpu.dma_semaphore, #tpu.memory_space<semaphore_mem>>) {add = true}
          %dma_wait3A_91 = arith.constant 0 : i32
          %dma_wait3A_92 = tpu.memref_slice %arg8[%add3A_58, %dma_wait3A_91] : memref<40x128xi32, #tpu.memory_space<vmem>> -> memref<1x128xi32, #tpu.memory_space<vmem>>
          %dma_wait3A_93 = tpu.memref_squeeze %dma_wait3A_92 : memref<1x128xi32, #tpu.memory_space<vmem>> -> memref<128xi32, #tpu.memory_space<vmem>>
          %dma_wait3A_94 = arith.constant 0 : i32
          %dma_wait3A_95 = arith.constant 0 : i32
          %dma_wait3A_96 = tpu.memref_slice %arg11[%dma_wait3A_94, %dma_wait3A_95] : memref<10240x128xf32, #tpu.memory_space<vmem_shared>> -> memref<10240x128xf32, #tpu.memory_space<vmem_shared>>
          tpu.wait_indirect_dma semaphore(%run_scoped3A : memref<!tpu.dma_semaphore, #tpu.memory_space<semaphore_mem>>) src(%arg9 : memref<128x128xf32, #tpu.memory_space<vmem>>) dst(%dma_wait3A_96 : memref<10240x128xf32, #tpu.memory_space<vmem_shared>>)
          tpu.yield
        }) : () -> ()
        %add3A_70 = arith.constant 1 : i32
        %add3A_71 = arith.addi %add3A_58, %add3A_70 : i32
        %add3A_72 = arith.constant 1 : i32
        %add3A_73 = arith.addi %add3A_71, %add3A_72 : i32
        %lt3A_74 = arith.constant 40 : i32
        %lt3A_75 = arith.cmpi slt, %add3A_73, %lt3A_74 : i32
        %convert_element_type3A_76 = arith.extui %lt3A_75 : i1 to i32
        %cond3A_77 = arith.constant 0 : i32
        %cond3A_78 = arith.cmpi ne, %convert_element_type3A_76, %cond3A_77 : i32
        scf.if %cond3A_78 {
          %add3A_85 = arith.constant 1 : i32
          %add3A_86 = arith.addi %add3A_71, %add3A_85 : i32
          %dma_start3A_87 = arith.constant 0 : i32
          %dma_start3A_88 = tpu.memref_slice %arg7[%add3A_86, %dma_start3A_87] : memref<40x128xi32, #tpu.memory_space<vmem>> -> memref<1x128xi32, #tpu.memory_space<vmem>>
          %dma_start3A_89 = tpu.memref_squeeze %dma_start3A_88 : memref<1x128xi32, #tpu.memory_space<vmem>> -> memref<128xi32, #tpu.memory_space<vmem>>
          %dma_start3A_90 = arith.constant 0 : i32
          %dma_start3A_91 = arith.constant 0 : i32
          %dma_start3A_92 = tpu.memref_slice %arg2[%dma_start3A_90, %dma_start3A_91] : memref<10240x128xf32, #tpu.memory_space<hbm>> -> memref<10240x128xf32, #tpu.memory_space<hbm>>
          tpu.enqueue_indirect_dma source(%dma_start3A_92 : memref<10240x128xf32, #tpu.memory_space<hbm>>) target(%arg9 : memref<128x128xf32, #tpu.memory_space<vmem>>) offsets(%dma_start3A_89 : memref<128xi32, #tpu.memory_space<vmem>>) semaphore(%arg12 : memref<!tpu.dma_semaphore, #tpu.memory_space<semaphore_mem>>)
        } else {
        }
        %dma_wait3A_79 = arith.constant 0 : i32
        %dma_wait3A_80 = tpu.memref_slice %arg7[%add3A_71, %dma_wait3A_79] : memref<40x128xi32, #tpu.memory_space<vmem>> -> memref<1x128xi32, #tpu.memory_space<vmem>>
        %dma_wait3A_81 = tpu.memref_squeeze %dma_wait3A_80 : memref<1x128xi32, #tpu.memory_space<vmem>> -> memref<128xi32, #tpu.memory_space<vmem>>
        %dma_wait3A_82 = arith.constant 0 : i32
        %dma_wait3A_83 = arith.constant 0 : i32
        %dma_wait3A_84 = tpu.memref_slice %arg2[%dma_wait3A_82, %dma_wait3A_83] : memref<10240x128xf32, #tpu.memory_space<hbm>> -> memref<10240x128xf32, #tpu.memory_space<hbm>>
        tpu.wait_indirect_dma semaphore(%arg13 : memref<!tpu.dma_semaphore, #tpu.memory_space<semaphore_mem>>) src(%dma_wait3A_84 : memref<10240x128xf32, #tpu.memory_space<hbm>>) dst(%arg10 : memref<128x128xf32, #tpu.memory_space<vmem>>)
        "tpu.region"() ({
          %run_scoped3A = tpu.sem_alloc : memref<!tpu.dma_semaphore, #tpu.memory_space<semaphore_mem>>
          %dma_start3A_85 = arith.constant 0 : i32
          %dma_start3A_86 = tpu.memref_slice %arg8[%add3A_71, %dma_start3A_85] : memref<40x128xi32, #tpu.memory_space<vmem>> -> memref<1x128xi32, #tpu.memory_space<vmem>>
          %dma_start3A_87 = tpu.memref_squeeze %dma_start3A_86 : memref<1x128xi32, #tpu.memory_space<vmem>> -> memref<128xi32, #tpu.memory_space<vmem>>
          %dma_start3A_88 = arith.constant 0 : i32
          %dma_start3A_89 = arith.constant 0 : i32
          %dma_start3A_90 = tpu.memref_slice %arg11[%dma_start3A_88, %dma_start3A_89] : memref<10240x128xf32, #tpu.memory_space<vmem_shared>> -> memref<10240x128xf32, #tpu.memory_space<vmem_shared>>
          tpu.enqueue_indirect_dma source(%arg10 : memref<128x128xf32, #tpu.memory_space<vmem>>) target(%dma_start3A_90 : memref<10240x128xf32, #tpu.memory_space<vmem_shared>>) offsets(%dma_start3A_87 : memref<128xi32, #tpu.memory_space<vmem>>) semaphore(%run_scoped3A : memref<!tpu.dma_semaphore, #tpu.memory_space<semaphore_mem>>) {add = true}
          %dma_wait3A_91 = arith.constant 0 : i32
          %dma_wait3A_92 = tpu.memref_slice %arg8[%add3A_71, %dma_wait3A_91] : memref<40x128xi32, #tpu.memory_space<vmem>> -> memref<1x128xi32, #tpu.memory_space<vmem>>
          %dma_wait3A_93 = tpu.memref_squeeze %dma_wait3A_92 : memref<1x128xi32, #tpu.memory_space<vmem>> -> memref<128xi32, #tpu.memory_space<vmem>>
          %dma_wait3A_94 = arith.constant 0 : i32
          %dma_wait3A_95 = arith.constant 0 : i32
          %dma_wait3A_96 = tpu.memref_slice %arg11[%dma_wait3A_94, %dma_wait3A_95] : memref<10240x128xf32, #tpu.memory_space<vmem_shared>> -> memref<10240x128xf32, #tpu.memory_space<vmem_shared>>
          tpu.wait_indirect_dma semaphore(%run_scoped3A : memref<!tpu.dma_semaphore, #tpu.memory_space<semaphore_mem>>) src(%arg10 : memref<128x128xf32, #tpu.memory_space<vmem>>) dst(%dma_wait3A_96 : memref<10240x128xf32, #tpu.memory_space<vmem_shared>>)
          tpu.yield
        }) : () -> ()
      }
      %scan3A_39 = arith.constant 20 : i32
      %add3A_40 = arith.constant 80 : i32
      %add3A_41 = arith.addi %mul3A_14, %add3A_40 : i32
      "tpu.region"() ({
        %run_scoped3A = tpu.sem_alloc : memref<!tpu.dma_semaphore, #tpu.memory_space<semaphore_mem>>
        %dma_start3A_54 = arith.constant 0 : i32
        %dma_start3A_55 = tpu.memref_slice %arg3[%add3A_41, %dma_start3A_54] : memref<2560x128xi32, #tpu.memory_space<hbm>> -> memref<40x128xi32, #tpu.memory_space<hbm>>
        %dma_start3A_56 = arith.constant 0 : i32
        %dma_start3A_57 = tpu.memref_slice %arg3[%add3A_41, %dma_start3A_56] : memref<2560x128xi32, #tpu.memory_space<hbm>> -> memref<40x128xi32, #tpu.memory_space<hbm>>
        tpu.enqueue_dma source(%dma_start3A_57 : memref<40x128xi32, #tpu.memory_space<hbm>>) target(%arg7 : memref<40x128xi32, #tpu.memory_space<vmem>>) target_semaphore(%run_scoped3A : memref<!tpu.dma_semaphore, #tpu.memory_space<semaphore_mem>>)
        %dma_wait3A = arith.constant 0 : i32
        %dma_wait3A_58 = tpu.memref_slice %arg3[%add3A_41, %dma_wait3A] : memref<2560x128xi32, #tpu.memory_space<hbm>> -> memref<40x128xi32, #tpu.memory_space<hbm>>
        %dma_wait3A_59 = arith.constant 0 : i32
        %dma_wait3A_60 = tpu.memref_slice %arg3[%add3A_41, %dma_wait3A_59] : memref<2560x128xi32, #tpu.memory_space<hbm>> -> memref<40x128xi32, #tpu.memory_space<hbm>>
        tpu.wait_dma2 semaphore(%run_scoped3A : memref<!tpu.dma_semaphore, #tpu.memory_space<semaphore_mem>>) src(%dma_wait3A_60 : memref<40x128xi32, #tpu.memory_space<hbm>>) dst(%arg7 : memref<40x128xi32, #tpu.memory_space<vmem>>)
        tpu.yield
      }) : () -> ()
      "tpu.region"() ({
        %run_scoped3A = tpu.sem_alloc : memref<!tpu.dma_semaphore, #tpu.memory_space<semaphore_mem>>
        %dma_start3A_54 = arith.constant 0 : i32
        %dma_start3A_55 = tpu.memref_slice %arg4[%add3A_41, %dma_start3A_54] : memref<2560x128xi32, #tpu.memory_space<hbm>> -> memref<40x128xi32, #tpu.memory_space<hbm>>
        %dma_start3A_56 = arith.constant 0 : i32
        %dma_start3A_57 = tpu.memref_slice %arg4[%add3A_41, %dma_start3A_56] : memref<2560x128xi32, #tpu.memory_space<hbm>> -> memref<40x128xi32, #tpu.memory_space<hbm>>
        tpu.enqueue_dma source(%dma_start3A_57 : memref<40x128xi32, #tpu.memory_space<hbm>>) target(%arg8 : memref<40x128xi32, #tpu.memory_space<vmem>>) target_semaphore(%run_scoped3A : memref<!tpu.dma_semaphore, #tpu.memory_space<semaphore_mem>>)
        %dma_wait3A = arith.constant 0 : i32
        %dma_wait3A_58 = tpu.memref_slice %arg4[%add3A_41, %dma_wait3A] : memref<2560x128xi32, #tpu.memory_space<hbm>> -> memref<40x128xi32, #tpu.memory_space<hbm>>
        %dma_wait3A_59 = arith.constant 0 : i32
        %dma_wait3A_60 = tpu.memref_slice %arg4[%add3A_41, %dma_wait3A_59] : memref<2560x128xi32, #tpu.memory_space<hbm>> -> memref<40x128xi32, #tpu.memory_space<hbm>>
        tpu.wait_dma2 semaphore(%run_scoped3A : memref<!tpu.dma_semaphore, #tpu.memory_space<semaphore_mem>>) src(%dma_wait3A_60 : memref<40x128xi32, #tpu.memory_space<hbm>>) dst(%arg8 : memref<40x128xi32, #tpu.memory_space<vmem>>)
        tpu.yield
      }) : () -> ()
      %dma_start3A_42 = arith.constant 0 : i32
      %dma_start3A_43 = arith.constant 0 : i32
      %dma_start3A_44 = tpu.memref_slice %arg7[%dma_start3A_42, %dma_start3A_43] : memref<40x128xi32, #tpu.memory_space<vmem>> -> memref<1x128xi32, #tpu.memory_space<vmem>>
      %dma_start3A_45 = tpu.memref_squeeze %dma_start3A_44 : memref<1x128xi32, #tpu.memory_space<vmem>> -> memref<128xi32, #tpu.memory_space<vmem>>
      %dma_start3A_46 = arith.constant 0 : i32
      %dma_start3A_47 = arith.constant 0 : i32
      %dma_start3A_48 = tpu.memref_slice %arg2[%dma_start3A_46, %dma_start3A_47] : memref<10240x128xf32, #tpu.memory_space<hbm>> -> memref<10240x128xf32, #tpu.memory_space<hbm>>
      tpu.enqueue_indirect_dma source(%dma_start3A_48 : memref<10240x128xf32, #tpu.memory_space<hbm>>) target(%arg9 : memref<128x128xf32, #tpu.memory_space<vmem>>) offsets(%dma_start3A_45 : memref<128xi32, #tpu.memory_space<vmem>>) semaphore(%arg12 : memref<!tpu.dma_semaphore, #tpu.memory_space<semaphore_mem>>)
      %scan3A_49 = arith.constant 0 : i32
      %scan3A_50 = arith.constant 20 : i32
      %scan3A_51 = arith.addi %scan3A_49, %scan3A_50 : i32
      %scan3A_52 = arith.constant 1 : i32
      scf.for %scan3A_54 = %scan3A_49 to %scan3A_51 step %scan3A_52  : i32 {
        %mul3A_55 = arith.constant 2 : i32
        %mul3A_56 = arith.muli %scan3A_54, %mul3A_55 : i32
        %add3A_57 = arith.constant 0 : i32
        %add3A_58 = arith.addi %add3A_57, %mul3A_56 : i32
        %add3A_59 = arith.constant 1 : i32
        %add3A_60 = arith.addi %add3A_58, %add3A_59 : i32
        %lt3A = arith.constant 40 : i32
        %lt3A_61 = arith.cmpi slt, %add3A_60, %lt3A : i32
        %convert_element_type3A_62 = arith.extui %lt3A_61 : i1 to i32
        %cond3A_63 = arith.constant 0 : i32
        %cond3A_64 = arith.cmpi ne, %convert_element_type3A_62, %cond3A_63 : i32
        scf.if %cond3A_64 {
          %add3A_85 = arith.constant 1 : i32
          %add3A_86 = arith.addi %add3A_58, %add3A_85 : i32
          %dma_start3A_87 = arith.constant 0 : i32
          %dma_start3A_88 = tpu.memref_slice %arg7[%add3A_86, %dma_start3A_87] : memref<40x128xi32, #tpu.memory_space<vmem>> -> memref<1x128xi32, #tpu.memory_space<vmem>>
          %dma_start3A_89 = tpu.memref_squeeze %dma_start3A_88 : memref<1x128xi32, #tpu.memory_space<vmem>> -> memref<128xi32, #tpu.memory_space<vmem>>
          %dma_start3A_90 = arith.constant 0 : i32
          %dma_start3A_91 = arith.constant 0 : i32
          %dma_start3A_92 = tpu.memref_slice %arg2[%dma_start3A_90, %dma_start3A_91] : memref<10240x128xf32, #tpu.memory_space<hbm>> -> memref<10240x128xf32, #tpu.memory_space<hbm>>
          tpu.enqueue_indirect_dma source(%dma_start3A_92 : memref<10240x128xf32, #tpu.memory_space<hbm>>) target(%arg10 : memref<128x128xf32, #tpu.memory_space<vmem>>) offsets(%dma_start3A_89 : memref<128xi32, #tpu.memory_space<vmem>>) semaphore(%arg13 : memref<!tpu.dma_semaphore, #tpu.memory_space<semaphore_mem>>)
        } else {
        }
        %dma_wait3A = arith.constant 0 : i32
        %dma_wait3A_65 = tpu.memref_slice %arg7[%add3A_58, %dma_wait3A] : memref<40x128xi32, #tpu.memory_space<vmem>> -> memref<1x128xi32, #tpu.memory_space<vmem>>
        %dma_wait3A_66 = tpu.memref_squeeze %dma_wait3A_65 : memref<1x128xi32, #tpu.memory_space<vmem>> -> memref<128xi32, #tpu.memory_space<vmem>>
        %dma_wait3A_67 = arith.constant 0 : i32
        %dma_wait3A_68 = arith.constant 0 : i32
        %dma_wait3A_69 = tpu.memref_slice %arg2[%dma_wait3A_67, %dma_wait3A_68] : memref<10240x128xf32, #tpu.memory_space<hbm>> -> memref<10240x128xf32, #tpu.memory_space<hbm>>
        tpu.wait_indirect_dma semaphore(%arg12 : memref<!tpu.dma_semaphore, #tpu.memory_space<semaphore_mem>>) src(%dma_wait3A_69 : memref<10240x128xf32, #tpu.memory_space<hbm>>) dst(%arg9 : memref<128x128xf32, #tpu.memory_space<vmem>>)
        "tpu.region"() ({
          %run_scoped3A = tpu.sem_alloc : memref<!tpu.dma_semaphore, #tpu.memory_space<semaphore_mem>>
          %dma_start3A_85 = arith.constant 0 : i32
          %dma_start3A_86 = tpu.memref_slice %arg8[%add3A_58, %dma_start3A_85] : memref<40x128xi32, #tpu.memory_space<vmem>> -> memref<1x128xi32, #tpu.memory_space<vmem>>
          %dma_start3A_87 = tpu.memref_squeeze %dma_start3A_86 : memref<1x128xi32, #tpu.memory_space<vmem>> -> memref<128xi32, #tpu.memory_space<vmem>>
          %dma_start3A_88 = arith.constant 0 : i32
          %dma_start3A_89 = arith.constant 0 : i32
          %dma_start3A_90 = tpu.memref_slice %arg11[%dma_start3A_88, %dma_start3A_89] : memref<10240x128xf32, #tpu.memory_space<vmem_shared>> -> memref<10240x128xf32, #tpu.memory_space<vmem_shared>>
          tpu.enqueue_indirect_dma source(%arg9 : memref<128x128xf32, #tpu.memory_space<vmem>>) target(%dma_start3A_90 : memref<10240x128xf32, #tpu.memory_space<vmem_shared>>) offsets(%dma_start3A_87 : memref<128xi32, #tpu.memory_space<vmem>>) semaphore(%run_scoped3A : memref<!tpu.dma_semaphore, #tpu.memory_space<semaphore_mem>>) {add = true}
          %dma_wait3A_91 = arith.constant 0 : i32
          %dma_wait3A_92 = tpu.memref_slice %arg8[%add3A_58, %dma_wait3A_91] : memref<40x128xi32, #tpu.memory_space<vmem>> -> memref<1x128xi32, #tpu.memory_space<vmem>>
          %dma_wait3A_93 = tpu.memref_squeeze %dma_wait3A_92 : memref<1x128xi32, #tpu.memory_space<vmem>> -> memref<128xi32, #tpu.memory_space<vmem>>
          %dma_wait3A_94 = arith.constant 0 : i32
          %dma_wait3A_95 = arith.constant 0 : i32
          %dma_wait3A_96 = tpu.memref_slice %arg11[%dma_wait3A_94, %dma_wait3A_95] : memref<10240x128xf32, #tpu.memory_space<vmem_shared>> -> memref<10240x128xf32, #tpu.memory_space<vmem_shared>>
          tpu.wait_indirect_dma semaphore(%run_scoped3A : memref<!tpu.dma_semaphore, #tpu.memory_space<semaphore_mem>>) src(%arg9 : memref<128x128xf32, #tpu.memory_space<vmem>>) dst(%dma_wait3A_96 : memref<10240x128xf32, #tpu.memory_space<vmem_shared>>)
          tpu.yield
        }) : () -> ()
        %add3A_70 = arith.constant 1 : i32
        %add3A_71 = arith.addi %add3A_58, %add3A_70 : i32
        %add3A_72 = arith.constant 1 : i32
        %add3A_73 = arith.addi %add3A_71, %add3A_72 : i32
        %lt3A_74 = arith.constant 40 : i32
        %lt3A_75 = arith.cmpi slt, %add3A_73, %lt3A_74 : i32
        %convert_element_type3A_76 = arith.extui %lt3A_75 : i1 to i32
        %cond3A_77 = arith.constant 0 : i32
        %cond3A_78 = arith.cmpi ne, %convert_element_type3A_76, %cond3A_77 : i32
        scf.if %cond3A_78 {
          %add3A_85 = arith.constant 1 : i32
          %add3A_86 = arith.addi %add3A_71, %add3A_85 : i32
          %dma_start3A_87 = arith.constant 0 : i32
          %dma_start3A_88 = tpu.memref_slice %arg7[%add3A_86, %dma_start3A_87] : memref<40x128xi32, #tpu.memory_space<vmem>> -> memref<1x128xi32, #tpu.memory_space<vmem>>
          %dma_start3A_89 = tpu.memref_squeeze %dma_start3A_88 : memref<1x128xi32, #tpu.memory_space<vmem>> -> memref<128xi32, #tpu.memory_space<vmem>>
          %dma_start3A_90 = arith.constant 0 : i32
          %dma_start3A_91 = arith.constant 0 : i32
          %dma_start3A_92 = tpu.memref_slice %arg2[%dma_start3A_90, %dma_start3A_91] : memref<10240x128xf32, #tpu.memory_space<hbm>> -> memref<10240x128xf32, #tpu.memory_space<hbm>>
          tpu.enqueue_indirect_dma source(%dma_start3A_92 : memref<10240x128xf32, #tpu.memory_space<hbm>>) target(%arg9 : memref<128x128xf32, #tpu.memory_space<vmem>>) offsets(%dma_start3A_89 : memref<128xi32, #tpu.memory_space<vmem>>) semaphore(%arg12 : memref<!tpu.dma_semaphore, #tpu.memory_space<semaphore_mem>>)
        } else {
        }
        %dma_wait3A_79 = arith.constant 0 : i32
        %dma_wait3A_80 = tpu.memref_slice %arg7[%add3A_71, %dma_wait3A_79] : memref<40x128xi32, #tpu.memory_space<vmem>> -> memref<1x128xi32, #tpu.memory_space<vmem>>
        %dma_wait3A_81 = tpu.memref_squeeze %dma_wait3A_80 : memref<1x128xi32, #tpu.memory_space<vmem>> -> memref<128xi32, #tpu.memory_space<vmem>>
        %dma_wait3A_82 = arith.constant 0 : i32
        %dma_wait3A_83 = arith.constant 0 : i32
        %dma_wait3A_84 = tpu.memref_slice %arg2[%dma_wait3A_82, %dma_wait3A_83] : memref<10240x128xf32, #tpu.memory_space<hbm>> -> memref<10240x128xf32, #tpu.memory_space<hbm>>
        tpu.wait_indirect_dma semaphore(%arg13 : memref<!tpu.dma_semaphore, #tpu.memory_space<semaphore_mem>>) src(%dma_wait3A_84 : memref<10240x128xf32, #tpu.memory_space<hbm>>) dst(%arg10 : memref<128x128xf32, #tpu.memory_space<vmem>>)
        "tpu.region"() ({
          %run_scoped3A = tpu.sem_alloc : memref<!tpu.dma_semaphore, #tpu.memory_space<semaphore_mem>>
          %dma_start3A_85 = arith.constant 0 : i32
          %dma_start3A_86 = tpu.memref_slice %arg8[%add3A_71, %dma_start3A_85] : memref<40x128xi32, #tpu.memory_space<vmem>> -> memref<1x128xi32, #tpu.memory_space<vmem>>
          %dma_start3A_87 = tpu.memref_squeeze %dma_start3A_86 : memref<1x128xi32, #tpu.memory_space<vmem>> -> memref<128xi32, #tpu.memory_space<vmem>>
          %dma_start3A_88 = arith.constant 0 : i32
          %dma_start3A_89 = arith.constant 0 : i32
          %dma_start3A_90 = tpu.memref_slice %arg11[%dma_start3A_88, %dma_start3A_89] : memref<10240x128xf32, #tpu.memory_space<vmem_shared>> -> memref<10240x128xf32, #tpu.memory_space<vmem_shared>>
          tpu.enqueue_indirect_dma source(%arg10 : memref<128x128xf32, #tpu.memory_space<vmem>>) target(%dma_start3A_90 : memref<10240x128xf32, #tpu.memory_space<vmem_shared>>) offsets(%dma_start3A_87 : memref<128xi32, #tpu.memory_space<vmem>>) semaphore(%run_scoped3A : memref<!tpu.dma_semaphore, #tpu.memory_space<semaphore_mem>>) {add = true}
          %dma_wait3A_91 = arith.constant 0 : i32
          %dma_wait3A_92 = tpu.memref_slice %arg8[%add3A_71, %dma_wait3A_91] : memref<40x128xi32, #tpu.memory_space<vmem>> -> memref<1x128xi32, #tpu.memory_space<vmem>>
          %dma_wait3A_93 = tpu.memref_squeeze %dma_wait3A_92 : memref<1x128xi32, #tpu.memory_space<vmem>> -> memref<128xi32, #tpu.memory_space<vmem>>
          %dma_wait3A_94 = arith.constant 0 : i32
          %dma_wait3A_95 = arith.constant 0 : i32
          %dma_wait3A_96 = tpu.memref_slice %arg11[%dma_wait3A_94, %dma_wait3A_95] : memref<10240x128xf32, #tpu.memory_space<vmem_shared>> -> memref<10240x128xf32, #tpu.memory_space<vmem_shared>>
          tpu.wait_indirect_dma semaphore(%run_scoped3A : memref<!tpu.dma_semaphore, #tpu.memory_space<semaphore_mem>>) src(%arg10 : memref<128x128xf32, #tpu.memory_space<vmem>>) dst(%dma_wait3A_96 : memref<10240x128xf32, #tpu.memory_space<vmem_shared>>)
          tpu.yield
        }) : () -> ()
      }
      %scan3A_53 = arith.constant 20 : i32
    } else {
    }
    %eq3A_3 = arith.constant 1 : i32
    %eq3A_4 = arith.cmpi eq, %arg0, %eq3A_3 : i32
    %convert_element_type3A_5 = arith.extui %eq3A_4 : i1 to i32
    %cond3A_6 = arith.constant 0 : i32
    %cond3A_7 = arith.cmpi ne, %convert_element_type3A_5, %cond3A_6 : i32
    scf.if %cond3A_7 {
      %mul3A_13 = arith.constant 40 : i32
      %mul3A_14 = arith.muli %arg1, %mul3A_13 : i32
      %add3A = arith.constant 1920 : i32
      %add3A_15 = arith.addi %add3A, %mul3A_14 : i32
      %add3A_16 = arith.constant 0 : i32
      %add3A_17 = arith.addi %add3A_15, %add3A_16 : i32
      "tpu.region"() ({
        %run_scoped3A = tpu.sem_alloc : memref<!tpu.dma_semaphore, #tpu.memory_space<semaphore_mem>>
        %dma_start3A_28 = arith.constant 0 : i32
        %dma_start3A_29 = tpu.memref_slice %arg3[%add3A_17, %dma_start3A_28] : memref<2560x128xi32, #tpu.memory_space<hbm>> -> memref<40x128xi32, #tpu.memory_space<hbm>>
        %dma_start3A_30 = arith.constant 0 : i32
        %dma_start3A_31 = tpu.memref_slice %arg3[%add3A_17, %dma_start3A_30] : memref<2560x128xi32, #tpu.memory_space<hbm>> -> memref<40x128xi32, #tpu.memory_space<hbm>>
        tpu.enqueue_dma source(%dma_start3A_31 : memref<40x128xi32, #tpu.memory_space<hbm>>) target(%arg7 : memref<40x128xi32, #tpu.memory_space<vmem>>) target_semaphore(%run_scoped3A : memref<!tpu.dma_semaphore, #tpu.memory_space<semaphore_mem>>)
        %dma_wait3A = arith.constant 0 : i32
        %dma_wait3A_32 = tpu.memref_slice %arg3[%add3A_17, %dma_wait3A] : memref<2560x128xi32, #tpu.memory_space<hbm>> -> memref<40x128xi32, #tpu.memory_space<hbm>>
        %dma_wait3A_33 = arith.constant 0 : i32
        %dma_wait3A_34 = tpu.memref_slice %arg3[%add3A_17, %dma_wait3A_33] : memref<2560x128xi32, #tpu.memory_space<hbm>> -> memref<40x128xi32, #tpu.memory_space<hbm>>
        tpu.wait_dma2 semaphore(%run_scoped3A : memref<!tpu.dma_semaphore, #tpu.memory_space<semaphore_mem>>) src(%dma_wait3A_34 : memref<40x128xi32, #tpu.memory_space<hbm>>) dst(%arg7 : memref<40x128xi32, #tpu.memory_space<vmem>>)
        tpu.yield
      }) : () -> ()
      "tpu.region"() ({
        %run_scoped3A = tpu.sem_alloc : memref<!tpu.dma_semaphore, #tpu.memory_space<semaphore_mem>>
        %dma_start3A_28 = arith.constant 0 : i32
        %dma_start3A_29 = tpu.memref_slice %arg4[%add3A_17, %dma_start3A_28] : memref<2560x128xi32, #tpu.memory_space<hbm>> -> memref<40x128xi32, #tpu.memory_space<hbm>>
        %dma_start3A_30 = arith.constant 0 : i32
        %dma_start3A_31 = tpu.memref_slice %arg4[%add3A_17, %dma_start3A_30] : memref<2560x128xi32, #tpu.memory_space<hbm>> -> memref<40x128xi32, #tpu.memory_space<hbm>>
        tpu.enqueue_dma source(%dma_start3A_31 : memref<40x128xi32, #tpu.memory_space<hbm>>) target(%arg8 : memref<40x128xi32, #tpu.memory_space<vmem>>) target_semaphore(%run_scoped3A : memref<!tpu.dma_semaphore, #tpu.memory_space<semaphore_mem>>)
        %dma_wait3A = arith.constant 0 : i32
        %dma_wait3A_32 = tpu.memref_slice %arg4[%add3A_17, %dma_wait3A] : memref<2560x128xi32, #tpu.memory_space<hbm>> -> memref<40x128xi32, #tpu.memory_space<hbm>>
        %dma_wait3A_33 = arith.constant 0 : i32
        %dma_wait3A_34 = tpu.memref_slice %arg4[%add3A_17, %dma_wait3A_33] : memref<2560x128xi32, #tpu.memory_space<hbm>> -> memref<40x128xi32, #tpu.memory_space<hbm>>
        tpu.wait_dma2 semaphore(%run_scoped3A : memref<!tpu.dma_semaphore, #tpu.memory_space<semaphore_mem>>) src(%dma_wait3A_34 : memref<40x128xi32, #tpu.memory_space<hbm>>) dst(%arg8 : memref<40x128xi32, #tpu.memory_space<vmem>>)
        tpu.yield
      }) : () -> ()
      %dma_start3A = arith.constant 0 : i32
      %dma_start3A_18 = arith.constant 0 : i32
      %dma_start3A_19 = tpu.memref_slice %arg7[%dma_start3A, %dma_start3A_18] : memref<40x128xi32, #tpu.memory_space<vmem>> -> memref<1x128xi32, #tpu.memory_space<vmem>>
      %dma_start3A_20 = tpu.memref_squeeze %dma_start3A_19 : memref<1x128xi32, #tpu.memory_space<vmem>> -> memref<128xi32, #tpu.memory_space<vmem>>
      %dma_start3A_21 = arith.constant 0 : i32
      %dma_start3A_22 = arith.constant 0 : i32
      %dma_start3A_23 = tpu.memref_slice %arg2[%dma_start3A_21, %dma_start3A_22] : memref<10240x128xf32, #tpu.memory_space<hbm>> -> memref<10240x128xf32, #tpu.memory_space<hbm>>
      tpu.enqueue_indirect_dma source(%dma_start3A_23 : memref<10240x128xf32, #tpu.memory_space<hbm>>) target(%arg9 : memref<128x128xf32, #tpu.memory_space<vmem>>) offsets(%dma_start3A_20 : memref<128xi32, #tpu.memory_space<vmem>>) semaphore(%arg12 : memref<!tpu.dma_semaphore, #tpu.memory_space<semaphore_mem>>)
      %scan3A = arith.constant 0 : i32
      %scan3A_24 = arith.constant 20 : i32
      %scan3A_25 = arith.addi %scan3A, %scan3A_24 : i32
      %scan3A_26 = arith.constant 1 : i32
      scf.for %scan3A_28 = %scan3A to %scan3A_25 step %scan3A_26  : i32 {
        %mul3A_29 = arith.constant 2 : i32
        %mul3A_30 = arith.muli %scan3A_28, %mul3A_29 : i32
        %add3A_31 = arith.constant 0 : i32
        %add3A_32 = arith.addi %add3A_31, %mul3A_30 : i32
        %add3A_33 = arith.constant 1 : i32
        %add3A_34 = arith.addi %add3A_32, %add3A_33 : i32
        %lt3A = arith.constant 40 : i32
        %lt3A_35 = arith.cmpi slt, %add3A_34, %lt3A : i32
        %convert_element_type3A_36 = arith.extui %lt3A_35 : i1 to i32
        %cond3A_37 = arith.constant 0 : i32
        %cond3A_38 = arith.cmpi ne, %convert_element_type3A_36, %cond3A_37 : i32
        scf.if %cond3A_38 {
          %add3A_59 = arith.constant 1 : i32
          %add3A_60 = arith.addi %add3A_32, %add3A_59 : i32
          %dma_start3A_61 = arith.constant 0 : i32
          %dma_start3A_62 = tpu.memref_slice %arg7[%add3A_60, %dma_start3A_61] : memref<40x128xi32, #tpu.memory_space<vmem>> -> memref<1x128xi32, #tpu.memory_space<vmem>>
          %dma_start3A_63 = tpu.memref_squeeze %dma_start3A_62 : memref<1x128xi32, #tpu.memory_space<vmem>> -> memref<128xi32, #tpu.memory_space<vmem>>
          %dma_start3A_64 = arith.constant 0 : i32
          %dma_start3A_65 = arith.constant 0 : i32
          %dma_start3A_66 = tpu.memref_slice %arg2[%dma_start3A_64, %dma_start3A_65] : memref<10240x128xf32, #tpu.memory_space<hbm>> -> memref<10240x128xf32, #tpu.memory_space<hbm>>
          tpu.enqueue_indirect_dma source(%dma_start3A_66 : memref<10240x128xf32, #tpu.memory_space<hbm>>) target(%arg10 : memref<128x128xf32, #tpu.memory_space<vmem>>) offsets(%dma_start3A_63 : memref<128xi32, #tpu.memory_space<vmem>>) semaphore(%arg13 : memref<!tpu.dma_semaphore, #tpu.memory_space<semaphore_mem>>)
        } else {
        }
        %dma_wait3A = arith.constant 0 : i32
        %dma_wait3A_39 = tpu.memref_slice %arg7[%add3A_32, %dma_wait3A] : memref<40x128xi32, #tpu.memory_space<vmem>> -> memref<1x128xi32, #tpu.memory_space<vmem>>
        %dma_wait3A_40 = tpu.memref_squeeze %dma_wait3A_39 : memref<1x128xi32, #tpu.memory_space<vmem>> -> memref<128xi32, #tpu.memory_space<vmem>>
        %dma_wait3A_41 = arith.constant 0 : i32
        %dma_wait3A_42 = arith.constant 0 : i32
        %dma_wait3A_43 = tpu.memref_slice %arg2[%dma_wait3A_41, %dma_wait3A_42] : memref<10240x128xf32, #tpu.memory_space<hbm>> -> memref<10240x128xf32, #tpu.memory_space<hbm>>
        tpu.wait_indirect_dma semaphore(%arg12 : memref<!tpu.dma_semaphore, #tpu.memory_space<semaphore_mem>>) src(%dma_wait3A_43 : memref<10240x128xf32, #tpu.memory_space<hbm>>) dst(%arg9 : memref<128x128xf32, #tpu.memory_space<vmem>>)
        "tpu.region"() ({
          %run_scoped3A = tpu.sem_alloc : memref<!tpu.dma_semaphore, #tpu.memory_space<semaphore_mem>>
          %dma_start3A_59 = arith.constant 0 : i32
          %dma_start3A_60 = tpu.memref_slice %arg8[%add3A_32, %dma_start3A_59] : memref<40x128xi32, #tpu.memory_space<vmem>> -> memref<1x128xi32, #tpu.memory_space<vmem>>
          %dma_start3A_61 = tpu.memref_squeeze %dma_start3A_60 : memref<1x128xi32, #tpu.memory_space<vmem>> -> memref<128xi32, #tpu.memory_space<vmem>>
          %dma_start3A_62 = arith.constant 0 : i32
          %dma_start3A_63 = arith.constant 0 : i32
          %dma_start3A_64 = tpu.memref_slice %arg11[%dma_start3A_62, %dma_start3A_63] : memref<10240x128xf32, #tpu.memory_space<vmem_shared>> -> memref<10240x128xf32, #tpu.memory_space<vmem_shared>>
          tpu.enqueue_indirect_dma source(%arg9 : memref<128x128xf32, #tpu.memory_space<vmem>>) target(%dma_start3A_64 : memref<10240x128xf32, #tpu.memory_space<vmem_shared>>) offsets(%dma_start3A_61 : memref<128xi32, #tpu.memory_space<vmem>>) semaphore(%run_scoped3A : memref<!tpu.dma_semaphore, #tpu.memory_space<semaphore_mem>>) {add = true}
          %dma_wait3A_65 = arith.constant 0 : i32
          %dma_wait3A_66 = tpu.memref_slice %arg8[%add3A_32, %dma_wait3A_65] : memref<40x128xi32, #tpu.memory_space<vmem>> -> memref<1x128xi32, #tpu.memory_space<vmem>>
          %dma_wait3A_67 = tpu.memref_squeeze %dma_wait3A_66 : memref<1x128xi32, #tpu.memory_space<vmem>> -> memref<128xi32, #tpu.memory_space<vmem>>
          %dma_wait3A_68 = arith.constant 0 : i32
          %dma_wait3A_69 = arith.constant 0 : i32
          %dma_wait3A_70 = tpu.memref_slice %arg11[%dma_wait3A_68, %dma_wait3A_69] : memref<10240x128xf32, #tpu.memory_space<vmem_shared>> -> memref<10240x128xf32, #tpu.memory_space<vmem_shared>>
          tpu.wait_indirect_dma semaphore(%run_scoped3A : memref<!tpu.dma_semaphore, #tpu.memory_space<semaphore_mem>>) src(%arg9 : memref<128x128xf32, #tpu.memory_space<vmem>>) dst(%dma_wait3A_70 : memref<10240x128xf32, #tpu.memory_space<vmem_shared>>)
          tpu.yield
        }) : () -> ()
        %add3A_44 = arith.constant 1 : i32
        %add3A_45 = arith.addi %add3A_32, %add3A_44 : i32
        %add3A_46 = arith.constant 1 : i32
        %add3A_47 = arith.addi %add3A_45, %add3A_46 : i32
        %lt3A_48 = arith.constant 40 : i32
        %lt3A_49 = arith.cmpi slt, %add3A_47, %lt3A_48 : i32
        %convert_element_type3A_50 = arith.extui %lt3A_49 : i1 to i32
        %cond3A_51 = arith.constant 0 : i32
        %cond3A_52 = arith.cmpi ne, %convert_element_type3A_50, %cond3A_51 : i32
        scf.if %cond3A_52 {
          %add3A_59 = arith.constant 1 : i32
          %add3A_60 = arith.addi %add3A_45, %add3A_59 : i32
          %dma_start3A_61 = arith.constant 0 : i32
          %dma_start3A_62 = tpu.memref_slice %arg7[%add3A_60, %dma_start3A_61] : memref<40x128xi32, #tpu.memory_space<vmem>> -> memref<1x128xi32, #tpu.memory_space<vmem>>
          %dma_start3A_63 = tpu.memref_squeeze %dma_start3A_62 : memref<1x128xi32, #tpu.memory_space<vmem>> -> memref<128xi32, #tpu.memory_space<vmem>>
          %dma_start3A_64 = arith.constant 0 : i32
          %dma_start3A_65 = arith.constant 0 : i32
          %dma_start3A_66 = tpu.memref_slice %arg2[%dma_start3A_64, %dma_start3A_65] : memref<10240x128xf32, #tpu.memory_space<hbm>> -> memref<10240x128xf32, #tpu.memory_space<hbm>>
          tpu.enqueue_indirect_dma source(%dma_start3A_66 : memref<10240x128xf32, #tpu.memory_space<hbm>>) target(%arg9 : memref<128x128xf32, #tpu.memory_space<vmem>>) offsets(%dma_start3A_63 : memref<128xi32, #tpu.memory_space<vmem>>) semaphore(%arg12 : memref<!tpu.dma_semaphore, #tpu.memory_space<semaphore_mem>>)
        } else {
        }
        %dma_wait3A_53 = arith.constant 0 : i32
        %dma_wait3A_54 = tpu.memref_slice %arg7[%add3A_45, %dma_wait3A_53] : memref<40x128xi32, #tpu.memory_space<vmem>> -> memref<1x128xi32, #tpu.memory_space<vmem>>
        %dma_wait3A_55 = tpu.memref_squeeze %dma_wait3A_54 : memref<1x128xi32, #tpu.memory_space<vmem>> -> memref<128xi32, #tpu.memory_space<vmem>>
        %dma_wait3A_56 = arith.constant 0 : i32
        %dma_wait3A_57 = arith.constant 0 : i32
        %dma_wait3A_58 = tpu.memref_slice %arg2[%dma_wait3A_56, %dma_wait3A_57] : memref<10240x128xf32, #tpu.memory_space<hbm>> -> memref<10240x128xf32, #tpu.memory_space<hbm>>
        tpu.wait_indirect_dma semaphore(%arg13 : memref<!tpu.dma_semaphore, #tpu.memory_space<semaphore_mem>>) src(%dma_wait3A_58 : memref<10240x128xf32, #tpu.memory_space<hbm>>) dst(%arg10 : memref<128x128xf32, #tpu.memory_space<vmem>>)
        "tpu.region"() ({
          %run_scoped3A = tpu.sem_alloc : memref<!tpu.dma_semaphore, #tpu.memory_space<semaphore_mem>>
          %dma_start3A_59 = arith.constant 0 : i32
          %dma_start3A_60 = tpu.memref_slice %arg8[%add3A_45, %dma_start3A_59] : memref<40x128xi32, #tpu.memory_space<vmem>> -> memref<1x128xi32, #tpu.memory_space<vmem>>
          %dma_start3A_61 = tpu.memref_squeeze %dma_start3A_60 : memref<1x128xi32, #tpu.memory_space<vmem>> -> memref<128xi32, #tpu.memory_space<vmem>>
          %dma_start3A_62 = arith.constant 0 : i32
          %dma_start3A_63 = arith.constant 0 : i32
          %dma_start3A_64 = tpu.memref_slice %arg11[%dma_start3A_62, %dma_start3A_63] : memref<10240x128xf32, #tpu.memory_space<vmem_shared>> -> memref<10240x128xf32, #tpu.memory_space<vmem_shared>>
          tpu.enqueue_indirect_dma source(%arg10 : memref<128x128xf32, #tpu.memory_space<vmem>>) target(%dma_start3A_64 : memref<10240x128xf32, #tpu.memory_space<vmem_shared>>) offsets(%dma_start3A_61 : memref<128xi32, #tpu.memory_space<vmem>>) semaphore(%run_scoped3A : memref<!tpu.dma_semaphore, #tpu.memory_space<semaphore_mem>>) {add = true}
          %dma_wait3A_65 = arith.constant 0 : i32
          %dma_wait3A_66 = tpu.memref_slice %arg8[%add3A_45, %dma_wait3A_65] : memref<40x128xi32, #tpu.memory_space<vmem>> -> memref<1x128xi32, #tpu.memory_space<vmem>>
          %dma_wait3A_67 = tpu.memref_squeeze %dma_wait3A_66 : memref<1x128xi32, #tpu.memory_space<vmem>> -> memref<128xi32, #tpu.memory_space<vmem>>
          %dma_wait3A_68 = arith.constant 0 : i32
          %dma_wait3A_69 = arith.constant 0 : i32
          %dma_wait3A_70 = tpu.memref_slice %arg11[%dma_wait3A_68, %dma_wait3A_69] : memref<10240x128xf32, #tpu.memory_space<vmem_shared>> -> memref<10240x128xf32, #tpu.memory_space<vmem_shared>>
          tpu.wait_indirect_dma semaphore(%run_scoped3A : memref<!tpu.dma_semaphore, #tpu.memory_space<semaphore_mem>>) src(%arg10 : memref<128x128xf32, #tpu.memory_space<vmem>>) dst(%dma_wait3A_70 : memref<10240x128xf32, #tpu.memory_space<vmem_shared>>)
          tpu.yield
        }) : () -> ()
      }
      %scan3A_27 = arith.constant 20 : i32
    } else {
    }
    %barrier3A_8 = arith.constant 0 : index
    tpu.barrier barrier_id(%barrier3A_8)
    %mul3A_9 = arith.constant 640 : i32
    %mul3A_10 = arith.muli %arg1, %mul3A_9 : i32
    %mul3A_11 = arith.constant 640 : i32
    %mul3A_12 = arith.muli %arg1, %mul3A_11 : i32
    "tpu.region"() ({
      %run_scoped3A = tpu.sem_alloc : memref<!tpu.dma_semaphore, #tpu.memory_space<semaphore_mem>>
      %dma_start3A = arith.constant 0 : i32
      %dma_start3A_13 = tpu.memref_slice %arg6[%arg0, %mul3A_12, %dma_start3A] : memref<2x10240x128xf32, #tpu.memory_space<hbm>> -> memref<1x640x128xf32, #tpu.memory_space<hbm>>
      %dma_start3A_14 = tpu.memref_squeeze %dma_start3A_13 : memref<1x640x128xf32, #tpu.memory_space<hbm>> -> memref<640x128xf32, #tpu.memory_space<hbm>>
      %dma_start3A_15 = arith.constant 0 : i32
      %dma_start3A_16 = tpu.memref_slice %arg11[%mul3A_10, %dma_start3A_15] : memref<10240x128xf32, #tpu.memory_space<vmem_shared>> -> memref<640x128xf32, #tpu.memory_space<vmem_shared>>
      tpu.enqueue_dma source(%dma_start3A_16 : memref<640x128xf32, #tpu.memory_space<vmem_shared>>) target(%dma_start3A_14 : memref<640x128xf32, #tpu.memory_space<hbm>>) target_semaphore(%run_scoped3A : memref<!tpu.dma_semaphore, #tpu.memory_space<semaphore_mem>>)
      %dma_wait3A = arith.constant 0 : i32
      %dma_wait3A_17 = tpu.memref_slice %arg6[%arg0, %mul3A_12, %dma_wait3A] : memref<2x10240x128xf32, #tpu.memory_space<hbm>> -> memref<1x640x128xf32, #tpu.memory_space<hbm>>
      %dma_wait3A_18 = tpu.memref_squeeze %dma_wait3A_17 : memref<1x640x128xf32, #tpu.memory_space<hbm>> -> memref<640x128xf32, #tpu.memory_space<hbm>>
      %dma_wait3A_19 = arith.constant 0 : i32
      %dma_wait3A_20 = tpu.memref_slice %arg11[%mul3A_10, %dma_wait3A_19] : memref<10240x128xf32, #tpu.memory_space<vmem_shared>> -> memref<640x128xf32, #tpu.memory_space<vmem_shared>>
      tpu.wait_dma2 semaphore(%run_scoped3A : memref<!tpu.dma_semaphore, #tpu.memory_space<semaphore_mem>>) src(%dma_wait3A_20 : memref<640x128xf32, #tpu.memory_space<vmem_shared>>) dst(%dma_wait3A_18 : memref<640x128xf32, #tpu.memory_space<hbm>>)
      tpu.yield
    }) : () -> ()
    return
  }
}

#map = affine_map<(d0, d1) -> (0, 0, 0)>
#map1 = affine_map<(d0, d1) -> (0, 0)>
module attributes {stable_mosaic.version = 14 : i64} {
  func.func @_sc_degree(%arg0: i32, %arg1: i32, %arg2: memref<32x80x128xi32, #tpu.memory_space<hbm>>, %arg3: memref<32x10240xf32, #tpu.memory_space<hbm>>, %arg4: memref<80x128xi32, #tpu.memory_space<vmem>>, %arg5: memref<10240xf32, #tpu.memory_space<vmem>>) attributes {dimension_semantics = [#tpu.dimension_semantics<core_parallel>, #tpu.dimension_semantics<subcore_parallel>], iteration_bounds = array<i64: 2, 16>, scalar_prefetch = 0 : i64, scratch_operands = 2 : i64, tpu.core_type = #tpu.core_type<sc_vector_subcore>, window_params = [{transform_indices = #map}, {transform_indices = #map1}]} {
    %mul3A = arith.constant 2 : i32
    %mul3A_0 = arith.muli %arg1, %mul3A : i32
    %add3A = arith.addi %mul3A_0, %arg0 : i32
    "tpu.region"() ({
      %run_scoped3A = tpu.sem_alloc : memref<!tpu.dma_semaphore, #tpu.memory_space<semaphore_mem>>
      %dma_start3A = arith.constant 0 : i32
      %dma_start3A_11 = arith.constant 0 : i32
      %dma_start3A_12 = tpu.memref_slice %arg2[%add3A, %dma_start3A, %dma_start3A_11] : memref<32x80x128xi32, #tpu.memory_space<hbm>> -> memref<1x80x128xi32, #tpu.memory_space<hbm>>
      %dma_start3A_13 = tpu.memref_squeeze %dma_start3A_12 : memref<1x80x128xi32, #tpu.memory_space<hbm>> -> memref<80x128xi32, #tpu.memory_space<hbm>>
      %dma_start3A_14 = arith.constant 0 : i32
      %dma_start3A_15 = arith.constant 0 : i32
      %dma_start3A_16 = tpu.memref_slice %arg2[%add3A, %dma_start3A_14, %dma_start3A_15] : memref<32x80x128xi32, #tpu.memory_space<hbm>> -> memref<1x80x128xi32, #tpu.memory_space<hbm>>
      %dma_start3A_17 = tpu.memref_squeeze %dma_start3A_16 : memref<1x80x128xi32, #tpu.memory_space<hbm>> -> memref<80x128xi32, #tpu.memory_space<hbm>>
      tpu.enqueue_dma source(%dma_start3A_17 : memref<80x128xi32, #tpu.memory_space<hbm>>) target(%arg4 : memref<80x128xi32, #tpu.memory_space<vmem>>) target_semaphore(%run_scoped3A : memref<!tpu.dma_semaphore, #tpu.memory_space<semaphore_mem>>)
      %dma_wait3A = arith.constant 0 : i32
      %dma_wait3A_18 = arith.constant 0 : i32
      %dma_wait3A_19 = tpu.memref_slice %arg2[%add3A, %dma_wait3A, %dma_wait3A_18] : memref<32x80x128xi32, #tpu.memory_space<hbm>> -> memref<1x80x128xi32, #tpu.memory_space<hbm>>
      %dma_wait3A_20 = tpu.memref_squeeze %dma_wait3A_19 : memref<1x80x128xi32, #tpu.memory_space<hbm>> -> memref<80x128xi32, #tpu.memory_space<hbm>>
      %dma_wait3A_21 = arith.constant 0 : i32
      %dma_wait3A_22 = arith.constant 0 : i32
      %dma_wait3A_23 = tpu.memref_slice %arg2[%add3A, %dma_wait3A_21, %dma_wait3A_22] : memref<32x80x128xi32, #tpu.memory_space<hbm>> -> memref<1x80x128xi32, #tpu.memory_space<hbm>>
      %dma_wait3A_24 = tpu.memref_squeeze %dma_wait3A_23 : memref<1x80x128xi32, #tpu.memory_space<hbm>> -> memref<80x128xi32, #tpu.memory_space<hbm>>
      tpu.wait_dma2 semaphore(%run_scoped3A : memref<!tpu.dma_semaphore, #tpu.memory_space<semaphore_mem>>) src(%dma_wait3A_24 : memref<80x128xi32, #tpu.memory_space<hbm>>) dst(%arg4 : memref<80x128xi32, #tpu.memory_space<vmem>>)
      tpu.yield
    }) : () -> ()
    %scan3A = arith.constant 0 : i32
    %scan3A_1 = arith.constant 640 : i32
    %scan3A_2 = arith.addi %scan3A, %scan3A_1 : i32
    %scan3A_3 = arith.constant 1 : i32
    scf.for %scan3A_11 = %scan3A to %scan3A_2 step %scan3A_3  : i32 {
      %mul3A_12 = arith.constant 16 : i32
      %mul3A_13 = arith.muli %scan3A_11, %mul3A_12 : i32
      %add3A_14 = arith.constant 0 : i32
      %add3A_15 = arith.addi %add3A_14, %mul3A_13 : i32
      %broadcast_in_dim3A_16 = arith.constant 0.000000e+00 : f32
      %broadcast_in_dim3A_17 = vector.broadcast %broadcast_in_dim3A_16 : f32 to vector<16xf32>
      %swap3A = arith.index_cast %add3A_15 : i32 to index
      %swap3A_18 = tpu.vector_load %arg5[%swap3A] {strides = array<i32>} : memref<10240xf32, #tpu.memory_space<vmem>>, vector<16xf32>,
      tpu.vector_store %arg5[%swap3A], %broadcast_in_dim3A_17 {strides = array<i32>} : memref<10240xf32, #tpu.memory_space<vmem>>, vector<16xf32>,
    }
    %scan3A_4 = arith.constant 640 : i32
    %broadcast_in_dim3A = arith.constant 1.000000e+00 : f32
    %broadcast_in_dim3A_5 = vector.broadcast %broadcast_in_dim3A : f32 to vector<16xf32>
    %scan3A_6 = arith.constant 0 : i32
    %scan3A_7 = arith.constant 80 : i32
    %scan3A_8 = arith.addi %scan3A_6, %scan3A_7 : i32
    %scan3A_9 = arith.constant 1 : i32
    scf.for %scan3A_11 = %scan3A_6 to %scan3A_8 step %scan3A_9  : i32 {
      %mul3A_12 = arith.constant 1 : i32
      %mul3A_13 = arith.muli %scan3A_11, %mul3A_12 : i32
      %add3A_14 = arith.constant 0 : i32
      %add3A_15 = arith.addi %add3A_14, %mul3A_13 : i32
      %get3A = arith.constant 0 : i32
      %get3A_16 = tpu.memref_slice %arg4[%add3A_15, %get3A] : memref<80x128xi32, #tpu.memory_space<vmem>> -> memref<1x128xi32, #tpu.memory_space<vmem>>
      %get3A_17 = tpu.memref_squeeze %get3A_16 : memref<1x128xi32, #tpu.memory_space<vmem>> -> memref<128xi32, #tpu.memory_space<vmem>>
      %get3A_18 = arith.constant 0 : index
      %get3A_19 = tpu.vector_load %get3A_17[%get3A_18] {strides = array<i32>} : memref<128xi32, #tpu.memory_space<vmem>>, vector<16xi32>,
      tpu.vector_store_idx %arg5[%get3A_19], %broadcast_in_dim3A_5 {add = true} : memref<10240xf32, #tpu.memory_space<vmem>>[vector<16xi32>], vector<16xf32>,
      %get3A_20 = arith.constant 0 : i32
      %get3A_21 = tpu.memref_slice %arg4[%add3A_15, %get3A_20] : memref<80x128xi32, #tpu.memory_space<vmem>> -> memref<1x128xi32, #tpu.memory_space<vmem>>
      %get3A_22 = tpu.memref_squeeze %get3A_21 : memref<1x128xi32, #tpu.memory_space<vmem>> -> memref<128xi32, #tpu.memory_space<vmem>>
      %get3A_23 = arith.constant 16 : index
      %get3A_24 = tpu.vector_load %get3A_22[%get3A_23] {strides = array<i32>} : memref<128xi32, #tpu.memory_space<vmem>>, vector<16xi32>,
      tpu.vector_store_idx %arg5[%get3A_24], %broadcast_in_dim3A_5 {add = true} : memref<10240xf32, #tpu.memory_space<vmem>>[vector<16xi32>], vector<16xf32>,
      %get3A_25 = arith.constant 0 : i32
      %get3A_26 = tpu.memref_slice %arg4[%add3A_15, %get3A_25] : memref<80x128xi32, #tpu.memory_space<vmem>> -> memref<1x128xi32, #tpu.memory_space<vmem>>
      %get3A_27 = tpu.memref_squeeze %get3A_26 : memref<1x128xi32, #tpu.memory_space<vmem>> -> memref<128xi32, #tpu.memory_space<vmem>>
      %get3A_28 = arith.constant 32 : index
      %get3A_29 = tpu.vector_load %get3A_27[%get3A_28] {strides = array<i32>} : memref<128xi32, #tpu.memory_space<vmem>>, vector<16xi32>,
      tpu.vector_store_idx %arg5[%get3A_29], %broadcast_in_dim3A_5 {add = true} : memref<10240xf32, #tpu.memory_space<vmem>>[vector<16xi32>], vector<16xf32>,
      %get3A_30 = arith.constant 0 : i32
      %get3A_31 = tpu.memref_slice %arg4[%add3A_15, %get3A_30] : memref<80x128xi32, #tpu.memory_space<vmem>> -> memref<1x128xi32, #tpu.memory_space<vmem>>
      %get3A_32 = tpu.memref_squeeze %get3A_31 : memref<1x128xi32, #tpu.memory_space<vmem>> -> memref<128xi32, #tpu.memory_space<vmem>>
      %get3A_33 = arith.constant 48 : index
      %get3A_34 = tpu.vector_load %get3A_32[%get3A_33] {strides = array<i32>} : memref<128xi32, #tpu.memory_space<vmem>>, vector<16xi32>,
      tpu.vector_store_idx %arg5[%get3A_34], %broadcast_in_dim3A_5 {add = true} : memref<10240xf32, #tpu.memory_space<vmem>>[vector<16xi32>], vector<16xf32>,
      %get3A_35 = arith.constant 0 : i32
      %get3A_36 = tpu.memref_slice %arg4[%add3A_15, %get3A_35] : memref<80x128xi32, #tpu.memory_space<vmem>> -> memref<1x128xi32, #tpu.memory_space<vmem>>
      %get3A_37 = tpu.memref_squeeze %get3A_36 : memref<1x128xi32, #tpu.memory_space<vmem>> -> memref<128xi32, #tpu.memory_space<vmem>>
      %get3A_38 = arith.constant 64 : index
      %get3A_39 = tpu.vector_load %get3A_37[%get3A_38] {strides = array<i32>} : memref<128xi32, #tpu.memory_space<vmem>>, vector<16xi32>,
      tpu.vector_store_idx %arg5[%get3A_39], %broadcast_in_dim3A_5 {add = true} : memref<10240xf32, #tpu.memory_space<vmem>>[vector<16xi32>], vector<16xf32>,
      %get3A_40 = arith.constant 0 : i32
      %get3A_41 = tpu.memref_slice %arg4[%add3A_15, %get3A_40] : memref<80x128xi32, #tpu.memory_space<vmem>> -> memref<1x128xi32, #tpu.memory_space<vmem>>
      %get3A_42 = tpu.memref_squeeze %get3A_41 : memref<1x128xi32, #tpu.memory_space<vmem>> -> memref<128xi32, #tpu.memory_space<vmem>>
      %get3A_43 = arith.constant 80 : index
      %get3A_44 = tpu.vector_load %get3A_42[%get3A_43] {strides = array<i32>} : memref<128xi32, #tpu.memory_space<vmem>>, vector<16xi32>,
      tpu.vector_store_idx %arg5[%get3A_44], %broadcast_in_dim3A_5 {add = true} : memref<10240xf32, #tpu.memory_space<vmem>>[vector<16xi32>], vector<16xf32>,
      %get3A_45 = arith.constant 0 : i32
      %get3A_46 = tpu.memref_slice %arg4[%add3A_15, %get3A_45] : memref<80x128xi32, #tpu.memory_space<vmem>> -> memref<1x128xi32, #tpu.memory_space<vmem>>
      %get3A_47 = tpu.memref_squeeze %get3A_46 : memref<1x128xi32, #tpu.memory_space<vmem>> -> memref<128xi32, #tpu.memory_space<vmem>>
      %get3A_48 = arith.constant 96 : index
      %get3A_49 = tpu.vector_load %get3A_47[%get3A_48] {strides = array<i32>} : memref<128xi32, #tpu.memory_space<vmem>>, vector<16xi32>,
      tpu.vector_store_idx %arg5[%get3A_49], %broadcast_in_dim3A_5 {add = true} : memref<10240xf32, #tpu.memory_space<vmem>>[vector<16xi32>], vector<16xf32>,
      %get3A_50 = arith.constant 0 : i32
      %get3A_51 = tpu.memref_slice %arg4[%add3A_15, %get3A_50] : memref<80x128xi32, #tpu.memory_space<vmem>> -> memref<1x128xi32, #tpu.memory_space<vmem>>
      %get3A_52 = tpu.memref_squeeze %get3A_51 : memref<1x128xi32, #tpu.memory_space<vmem>> -> memref<128xi32, #tpu.memory_space<vmem>>
      %get3A_53 = arith.constant 112 : index
      %get3A_54 = tpu.vector_load %get3A_52[%get3A_53] {strides = array<i32>} : memref<128xi32, #tpu.memory_space<vmem>>, vector<16xi32>,
      tpu.vector_store_idx %arg5[%get3A_54], %broadcast_in_dim3A_5 {add = true} : memref<10240xf32, #tpu.memory_space<vmem>>[vector<16xi32>], vector<16xf32>,
    }
    %scan3A_10 = arith.constant 80 : i32
    "tpu.region"() ({
      %run_scoped3A = tpu.sem_alloc : memref<!tpu.dma_semaphore, #tpu.memory_space<semaphore_mem>>
      %dma_start3A = arith.constant 0 : i32
      %dma_start3A_11 = tpu.memref_slice %arg3[%add3A, %dma_start3A] : memref<32x10240xf32, #tpu.memory_space<hbm>> -> memref<1x10240xf32, #tpu.memory_space<hbm>>
      %dma_start3A_12 = tpu.memref_squeeze %dma_start3A_11 : memref<1x10240xf32, #tpu.memory_space<hbm>> -> memref<10240xf32, #tpu.memory_space<hbm>>
      %dma_start3A_13 = arith.constant 0 : i32
      %dma_start3A_14 = tpu.memref_slice %arg3[%add3A, %dma_start3A_13] : memref<32x10240xf32, #tpu.memory_space<hbm>> -> memref<1x10240xf32, #tpu.memory_space<hbm>>
      %dma_start3A_15 = tpu.memref_squeeze %dma_start3A_14 : memref<1x10240xf32, #tpu.memory_space<hbm>> -> memref<10240xf32, #tpu.memory_space<hbm>>
      tpu.enqueue_dma source(%arg5 : memref<10240xf32, #tpu.memory_space<vmem>>) target(%dma_start3A_15 : memref<10240xf32, #tpu.memory_space<hbm>>) target_semaphore(%run_scoped3A : memref<!tpu.dma_semaphore, #tpu.memory_space<semaphore_mem>>)
      %dma_wait3A = arith.constant 0 : i32
      %dma_wait3A_16 = tpu.memref_slice %arg3[%add3A, %dma_wait3A] : memref<32x10240xf32, #tpu.memory_space<hbm>> -> memref<1x10240xf32, #tpu.memory_space<hbm>>
      %dma_wait3A_17 = tpu.memref_squeeze %dma_wait3A_16 : memref<1x10240xf32, #tpu.memory_space<hbm>> -> memref<10240xf32, #tpu.memory_space<hbm>>
      %dma_wait3A_18 = arith.constant 0 : i32
      %dma_wait3A_19 = tpu.memref_slice %arg3[%add3A, %dma_wait3A_18] : memref<32x10240xf32, #tpu.memory_space<hbm>> -> memref<1x10240xf32, #tpu.memory_space<hbm>>
      %dma_wait3A_20 = tpu.memref_squeeze %dma_wait3A_19 : memref<1x10240xf32, #tpu.memory_space<hbm>> -> memref<10240xf32, #tpu.memory_space<hbm>>
      tpu.wait_dma2 semaphore(%run_scoped3A : memref<!tpu.dma_semaphore, #tpu.memory_space<semaphore_mem>>) src(%arg5 : memref<10240xf32, #tpu.memory_space<vmem>>) dst(%dma_wait3A_20 : memref<10240xf32, #tpu.memory_space<hbm>>)
      tpu.yield
    }) : () -> ()
    return
  }
}

#map = affine_map<(d0, d1) -> (0, 0)>
#map1 = affine_map<(d0, d1) -> (0, 0, 0)>
module attributes {stable_mosaic.version = 14 : i64} {
  func.func @_sc_edge(%arg0: i32, %arg1: i32, %arg2: memref<10240x128xf32, #tpu.memory_space<hbm>>, %arg3: memref<2560x128xi32, #tpu.memory_space<hbm>>, %arg4: memref<2560x128xi32, #tpu.memory_space<hbm>>, %arg5: memref<640x128xf32, #tpu.memory_space<hbm>>, %arg6: memref<2x10240x128xf32, #tpu.memory_space<hbm>>, %arg7: memref<40x128xi32, #tpu.memory_space<vmem>>, %arg8: memref<40x128xi32, #tpu.memory_space<vmem>>, %arg9: memref<128x128xf32, #tpu.memory_space<vmem>>, %arg10: memref<128x128xf32, #tpu.memory_space<vmem>>, %arg11: memref<10240x128xf32, #tpu.memory_space<vmem_shared>>, %arg12: memref<!tpu.dma_semaphore, #tpu.memory_space<semaphore_mem>>, %arg13: memref<!tpu.dma_semaphore, #tpu.memory_space<semaphore_mem>>, %arg14: memref<!tpu.dma_semaphore, #tpu.memory_space<semaphore_mem>>, %arg15: memref<!tpu.dma_semaphore, #tpu.memory_space<semaphore_mem>>) attributes {dimension_semantics = [#tpu.dimension_semantics<core_parallel>, #tpu.dimension_semantics<subcore_parallel>], iteration_bounds = array<i64: 2, 16>, scalar_prefetch = 0 : i64, scratch_operands = 9 : i64, tpu.core_type = #tpu.core_type<sc_vector_subcore>, window_params = [{transform_indices = #map}, {transform_indices = #map}, {transform_indices = #map}, {transform_indices = #map}, {transform_indices = #map1}]} {
    %mul3A = arith.constant 640 : i32
    %mul3A_0 = arith.muli %arg1, %mul3A : i32
    "tpu.region"() ({
      %run_scoped3A = tpu.sem_alloc : memref<!tpu.dma_semaphore, #tpu.memory_space<semaphore_mem>>
      %dma_start3A = arith.constant 0 : i32
      %dma_start3A_13 = tpu.memref_slice %arg11[%mul3A_0, %dma_start3A] : memref<10240x128xf32, #tpu.memory_space<vmem_shared>> -> memref<640x128xf32, #tpu.memory_space<vmem_shared>>
      tpu.enqueue_dma source(%arg5 : memref<640x128xf32, #tpu.memory_space<hbm>>) target(%dma_start3A_13 : memref<640x128xf32, #tpu.memory_space<vmem_shared>>) target_semaphore(%run_scoped3A : memref<!tpu.dma_semaphore, #tpu.memory_space<semaphore_mem>>)
      %dma_wait3A = arith.constant 0 : i32
      %dma_wait3A_14 = tpu.memref_slice %arg11[%mul3A_0, %dma_wait3A] : memref<10240x128xf32, #tpu.memory_space<vmem_shared>> -> memref<640x128xf32, #tpu.memory_space<vmem_shared>>
      tpu.wait_dma2 semaphore(%run_scoped3A : memref<!tpu.dma_semaphore, #tpu.memory_space<semaphore_mem>>) src(%arg5 : memref<640x128xf32, #tpu.memory_space<hbm>>) dst(%dma_wait3A_14 : memref<640x128xf32, #tpu.memory_space<vmem_shared>>)
      tpu.yield
    }) : () -> ()
    %barrier3A = arith.constant 0 : index
    tpu.barrier barrier_id(%barrier3A)
    %eq3A = arith.constant 0 : i32
    %eq3A_1 = arith.cmpi eq, %arg0, %eq3A : i32
    %convert_element_type3A = arith.extui %eq3A_1 : i1 to i32
    %cond3A = arith.constant 0 : i32
    %cond3A_2 = arith.cmpi ne, %convert_element_type3A, %cond3A : i32
    scf.if %cond3A_2 {
      %mul3A_13 = arith.constant 120 : i32
      %mul3A_14 = arith.muli %arg1, %mul3A_13 : i32
      %add3A = arith.constant 0 : i32
      %add3A_15 = arith.addi %mul3A_14, %add3A : i32
      "tpu.region"() ({
        %run_scoped3A = tpu.sem_alloc : memref<!tpu.dma_semaphore, #tpu.memory_space<semaphore_mem>>
        %dma_start3A_54 = arith.constant 0 : i32
        %dma_start3A_55 = tpu.memref_slice %arg3[%add3A_15, %dma_start3A_54] : memref<2560x128xi32, #tpu.memory_space<hbm>> -> memref<40x128xi32, #tpu.memory_space<hbm>>
        %dma_start3A_56 = arith.constant 0 : i32
        %dma_start3A_57 = tpu.memref_slice %arg3[%add3A_15, %dma_start3A_56] : memref<2560x128xi32, #tpu.memory_space<hbm>> -> memref<40x128xi32, #tpu.memory_space<hbm>>
        tpu.enqueue_dma source(%dma_start3A_57 : memref<40x128xi32, #tpu.memory_space<hbm>>) target(%arg7 : memref<40x128xi32, #tpu.memory_space<vmem>>) target_semaphore(%run_scoped3A : memref<!tpu.dma_semaphore, #tpu.memory_space<semaphore_mem>>)
        %dma_wait3A = arith.constant 0 : i32
        %dma_wait3A_58 = tpu.memref_slice %arg3[%add3A_15, %dma_wait3A] : memref<2560x128xi32, #tpu.memory_space<hbm>> -> memref<40x128xi32, #tpu.memory_space<hbm>>
        %dma_wait3A_59 = arith.constant 0 : i32
        %dma_wait3A_60 = tpu.memref_slice %arg3[%add3A_15, %dma_wait3A_59] : memref<2560x128xi32, #tpu.memory_space<hbm>> -> memref<40x128xi32, #tpu.memory_space<hbm>>
        tpu.wait_dma2 semaphore(%run_scoped3A : memref<!tpu.dma_semaphore, #tpu.memory_space<semaphore_mem>>) src(%dma_wait3A_60 : memref<40x128xi32, #tpu.memory_space<hbm>>) dst(%arg7 : memref<40x128xi32, #tpu.memory_space<vmem>>)
        tpu.yield
      }) : () -> ()
      "tpu.region"() ({
        %run_scoped3A = tpu.sem_alloc : memref<!tpu.dma_semaphore, #tpu.memory_space<semaphore_mem>>
        %dma_start3A_54 = arith.constant 0 : i32
        %dma_start3A_55 = tpu.memref_slice %arg4[%add3A_15, %dma_start3A_54] : memref<2560x128xi32, #tpu.memory_space<hbm>> -> memref<40x128xi32, #tpu.memory_space<hbm>>
        %dma_start3A_56 = arith.constant 0 : i32
        %dma_start3A_57 = tpu.memref_slice %arg4[%add3A_15, %dma_start3A_56] : memref<2560x128xi32, #tpu.memory_space<hbm>> -> memref<40x128xi32, #tpu.memory_space<hbm>>
        tpu.enqueue_dma source(%dma_start3A_57 : memref<40x128xi32, #tpu.memory_space<hbm>>) target(%arg8 : memref<40x128xi32, #tpu.memory_space<vmem>>) target_semaphore(%run_scoped3A : memref<!tpu.dma_semaphore, #tpu.memory_space<semaphore_mem>>)
        %dma_wait3A = arith.constant 0 : i32
        %dma_wait3A_58 = tpu.memref_slice %arg4[%add3A_15, %dma_wait3A] : memref<2560x128xi32, #tpu.memory_space<hbm>> -> memref<40x128xi32, #tpu.memory_space<hbm>>
        %dma_wait3A_59 = arith.constant 0 : i32
        %dma_wait3A_60 = tpu.memref_slice %arg4[%add3A_15, %dma_wait3A_59] : memref<2560x128xi32, #tpu.memory_space<hbm>> -> memref<40x128xi32, #tpu.memory_space<hbm>>
        tpu.wait_dma2 semaphore(%run_scoped3A : memref<!tpu.dma_semaphore, #tpu.memory_space<semaphore_mem>>) src(%dma_wait3A_60 : memref<40x128xi32, #tpu.memory_space<hbm>>) dst(%arg8 : memref<40x128xi32, #tpu.memory_space<vmem>>)
        tpu.yield
      }) : () -> ()
      %dma_start3A = arith.constant 0 : i32
      %dma_start3A_16 = arith.constant 0 : i32
      %dma_start3A_17 = tpu.memref_slice %arg7[%dma_start3A, %dma_start3A_16] : memref<40x128xi32, #tpu.memory_space<vmem>> -> memref<1x128xi32, #tpu.memory_space<vmem>>
      %dma_start3A_18 = tpu.memref_squeeze %dma_start3A_17 : memref<1x128xi32, #tpu.memory_space<vmem>> -> memref<128xi32, #tpu.memory_space<vmem>>
      %dma_start3A_19 = arith.constant 0 : i32
      %dma_start3A_20 = arith.constant 0 : i32
      %dma_start3A_21 = tpu.memref_slice %arg2[%dma_start3A_19, %dma_start3A_20] : memref<10240x128xf32, #tpu.memory_space<hbm>> -> memref<10240x128xf32, #tpu.memory_space<hbm>>
      tpu.enqueue_indirect_dma source(%dma_start3A_21 : memref<10240x128xf32, #tpu.memory_space<hbm>>) target(%arg9 : memref<128x128xf32, #tpu.memory_space<vmem>>) offsets(%dma_start3A_18 : memref<128xi32, #tpu.memory_space<vmem>>) semaphore(%arg12 : memref<!tpu.dma_semaphore, #tpu.memory_space<semaphore_mem>>)
      %scan3A = arith.constant 0 : i32
      %scan3A_22 = arith.constant 20 : i32
      %scan3A_23 = arith.addi %scan3A, %scan3A_22 : i32
      %scan3A_24 = arith.constant 1 : i32
      scf.for %scan3A_54 = %scan3A to %scan3A_23 step %scan3A_24  : i32 {
        %mul3A_55 = arith.constant 2 : i32
        %mul3A_56 = arith.muli %scan3A_54, %mul3A_55 : i32
        %add3A_57 = arith.constant 0 : i32
        %add3A_58 = arith.addi %add3A_57, %mul3A_56 : i32
        %add3A_59 = arith.constant 1 : i32
        %add3A_60 = arith.addi %add3A_58, %add3A_59 : i32
        %lt3A = arith.constant 40 : i32
        %lt3A_61 = arith.cmpi slt, %add3A_60, %lt3A : i32
        %convert_element_type3A_62 = arith.extui %lt3A_61 : i1 to i32
        %cond3A_63 = arith.constant 0 : i32
        %cond3A_64 = arith.cmpi ne, %convert_element_type3A_62, %cond3A_63 : i32
        scf.if %cond3A_64 {
          %add3A_85 = arith.constant 1 : i32
          %add3A_86 = arith.addi %add3A_58, %add3A_85 : i32
          %dma_start3A_87 = arith.constant 0 : i32
          %dma_start3A_88 = tpu.memref_slice %arg7[%add3A_86, %dma_start3A_87] : memref<40x128xi32, #tpu.memory_space<vmem>> -> memref<1x128xi32, #tpu.memory_space<vmem>>
          %dma_start3A_89 = tpu.memref_squeeze %dma_start3A_88 : memref<1x128xi32, #tpu.memory_space<vmem>> -> memref<128xi32, #tpu.memory_space<vmem>>
          %dma_start3A_90 = arith.constant 0 : i32
          %dma_start3A_91 = arith.constant 0 : i32
          %dma_start3A_92 = tpu.memref_slice %arg2[%dma_start3A_90, %dma_start3A_91] : memref<10240x128xf32, #tpu.memory_space<hbm>> -> memref<10240x128xf32, #tpu.memory_space<hbm>>
          tpu.enqueue_indirect_dma source(%dma_start3A_92 : memref<10240x128xf32, #tpu.memory_space<hbm>>) target(%arg10 : memref<128x128xf32, #tpu.memory_space<vmem>>) offsets(%dma_start3A_89 : memref<128xi32, #tpu.memory_space<vmem>>) semaphore(%arg13 : memref<!tpu.dma_semaphore, #tpu.memory_space<semaphore_mem>>)
        } else {
        }
        %dma_wait3A = arith.constant 0 : i32
        %dma_wait3A_65 = tpu.memref_slice %arg7[%add3A_58, %dma_wait3A] : memref<40x128xi32, #tpu.memory_space<vmem>> -> memref<1x128xi32, #tpu.memory_space<vmem>>
        %dma_wait3A_66 = tpu.memref_squeeze %dma_wait3A_65 : memref<1x128xi32, #tpu.memory_space<vmem>> -> memref<128xi32, #tpu.memory_space<vmem>>
        %dma_wait3A_67 = arith.constant 0 : i32
        %dma_wait3A_68 = arith.constant 0 : i32
        %dma_wait3A_69 = tpu.memref_slice %arg2[%dma_wait3A_67, %dma_wait3A_68] : memref<10240x128xf32, #tpu.memory_space<hbm>> -> memref<10240x128xf32, #tpu.memory_space<hbm>>
        tpu.wait_indirect_dma semaphore(%arg12 : memref<!tpu.dma_semaphore, #tpu.memory_space<semaphore_mem>>) src(%dma_wait3A_69 : memref<10240x128xf32, #tpu.memory_space<hbm>>) dst(%arg9 : memref<128x128xf32, #tpu.memory_space<vmem>>)
        "tpu.region"() ({
          %run_scoped3A = tpu.sem_alloc : memref<!tpu.dma_semaphore, #tpu.memory_space<semaphore_mem>>
          %dma_start3A_85 = arith.constant 0 : i32
          %dma_start3A_86 = tpu.memref_slice %arg8[%add3A_58, %dma_start3A_85] : memref<40x128xi32, #tpu.memory_space<vmem>> -> memref<1x128xi32, #tpu.memory_space<vmem>>
          %dma_start3A_87 = tpu.memref_squeeze %dma_start3A_86 : memref<1x128xi32, #tpu.memory_space<vmem>> -> memref<128xi32, #tpu.memory_space<vmem>>
          %dma_start3A_88 = arith.constant 0 : i32
          %dma_start3A_89 = arith.constant 0 : i32
          %dma_start3A_90 = tpu.memref_slice %arg11[%dma_start3A_88, %dma_start3A_89] : memref<10240x128xf32, #tpu.memory_space<vmem_shared>> -> memref<10240x128xf32, #tpu.memory_space<vmem_shared>>
          tpu.enqueue_indirect_dma source(%arg9 : memref<128x128xf32, #tpu.memory_space<vmem>>) target(%dma_start3A_90 : memref<10240x128xf32, #tpu.memory_space<vmem_shared>>) offsets(%dma_start3A_87 : memref<128xi32, #tpu.memory_space<vmem>>) semaphore(%run_scoped3A : memref<!tpu.dma_semaphore, #tpu.memory_space<semaphore_mem>>) {add = true}
          %dma_wait3A_91 = arith.constant 0 : i32
          %dma_wait3A_92 = tpu.memref_slice %arg8[%add3A_58, %dma_wait3A_91] : memref<40x128xi32, #tpu.memory_space<vmem>> -> memref<1x128xi32, #tpu.memory_space<vmem>>
          %dma_wait3A_93 = tpu.memref_squeeze %dma_wait3A_92 : memref<1x128xi32, #tpu.memory_space<vmem>> -> memref<128xi32, #tpu.memory_space<vmem>>
          %dma_wait3A_94 = arith.constant 0 : i32
          %dma_wait3A_95 = arith.constant 0 : i32
          %dma_wait3A_96 = tpu.memref_slice %arg11[%dma_wait3A_94, %dma_wait3A_95] : memref<10240x128xf32, #tpu.memory_space<vmem_shared>> -> memref<10240x128xf32, #tpu.memory_space<vmem_shared>>
          tpu.wait_indirect_dma semaphore(%run_scoped3A : memref<!tpu.dma_semaphore, #tpu.memory_space<semaphore_mem>>) src(%arg9 : memref<128x128xf32, #tpu.memory_space<vmem>>) dst(%dma_wait3A_96 : memref<10240x128xf32, #tpu.memory_space<vmem_shared>>)
          tpu.yield
        }) : () -> ()
        %add3A_70 = arith.constant 1 : i32
        %add3A_71 = arith.addi %add3A_58, %add3A_70 : i32
        %add3A_72 = arith.constant 1 : i32
        %add3A_73 = arith.addi %add3A_71, %add3A_72 : i32
        %lt3A_74 = arith.constant 40 : i32
        %lt3A_75 = arith.cmpi slt, %add3A_73, %lt3A_74 : i32
        %convert_element_type3A_76 = arith.extui %lt3A_75 : i1 to i32
        %cond3A_77 = arith.constant 0 : i32
        %cond3A_78 = arith.cmpi ne, %convert_element_type3A_76, %cond3A_77 : i32
        scf.if %cond3A_78 {
          %add3A_85 = arith.constant 1 : i32
          %add3A_86 = arith.addi %add3A_71, %add3A_85 : i32
          %dma_start3A_87 = arith.constant 0 : i32
          %dma_start3A_88 = tpu.memref_slice %arg7[%add3A_86, %dma_start3A_87] : memref<40x128xi32, #tpu.memory_space<vmem>> -> memref<1x128xi32, #tpu.memory_space<vmem>>
          %dma_start3A_89 = tpu.memref_squeeze %dma_start3A_88 : memref<1x128xi32, #tpu.memory_space<vmem>> -> memref<128xi32, #tpu.memory_space<vmem>>
          %dma_start3A_90 = arith.constant 0 : i32
          %dma_start3A_91 = arith.constant 0 : i32
          %dma_start3A_92 = tpu.memref_slice %arg2[%dma_start3A_90, %dma_start3A_91] : memref<10240x128xf32, #tpu.memory_space<hbm>> -> memref<10240x128xf32, #tpu.memory_space<hbm>>
          tpu.enqueue_indirect_dma source(%dma_start3A_92 : memref<10240x128xf32, #tpu.memory_space<hbm>>) target(%arg9 : memref<128x128xf32, #tpu.memory_space<vmem>>) offsets(%dma_start3A_89 : memref<128xi32, #tpu.memory_space<vmem>>) semaphore(%arg12 : memref<!tpu.dma_semaphore, #tpu.memory_space<semaphore_mem>>)
        } else {
        }
        %dma_wait3A_79 = arith.constant 0 : i32
        %dma_wait3A_80 = tpu.memref_slice %arg7[%add3A_71, %dma_wait3A_79] : memref<40x128xi32, #tpu.memory_space<vmem>> -> memref<1x128xi32, #tpu.memory_space<vmem>>
        %dma_wait3A_81 = tpu.memref_squeeze %dma_wait3A_80 : memref<1x128xi32, #tpu.memory_space<vmem>> -> memref<128xi32, #tpu.memory_space<vmem>>
        %dma_wait3A_82 = arith.constant 0 : i32
        %dma_wait3A_83 = arith.constant 0 : i32
        %dma_wait3A_84 = tpu.memref_slice %arg2[%dma_wait3A_82, %dma_wait3A_83] : memref<10240x128xf32, #tpu.memory_space<hbm>> -> memref<10240x128xf32, #tpu.memory_space<hbm>>
        tpu.wait_indirect_dma semaphore(%arg13 : memref<!tpu.dma_semaphore, #tpu.memory_space<semaphore_mem>>) src(%dma_wait3A_84 : memref<10240x128xf32, #tpu.memory_space<hbm>>) dst(%arg10 : memref<128x128xf32, #tpu.memory_space<vmem>>)
        "tpu.region"() ({
          %run_scoped3A = tpu.sem_alloc : memref<!tpu.dma_semaphore, #tpu.memory_space<semaphore_mem>>
          %dma_start3A_85 = arith.constant 0 : i32
          %dma_start3A_86 = tpu.memref_slice %arg8[%add3A_71, %dma_start3A_85] : memref<40x128xi32, #tpu.memory_space<vmem>> -> memref<1x128xi32, #tpu.memory_space<vmem>>
          %dma_start3A_87 = tpu.memref_squeeze %dma_start3A_86 : memref<1x128xi32, #tpu.memory_space<vmem>> -> memref<128xi32, #tpu.memory_space<vmem>>
          %dma_start3A_88 = arith.constant 0 : i32
          %dma_start3A_89 = arith.constant 0 : i32
          %dma_start3A_90 = tpu.memref_slice %arg11[%dma_start3A_88, %dma_start3A_89] : memref<10240x128xf32, #tpu.memory_space<vmem_shared>> -> memref<10240x128xf32, #tpu.memory_space<vmem_shared>>
          tpu.enqueue_indirect_dma source(%arg10 : memref<128x128xf32, #tpu.memory_space<vmem>>) target(%dma_start3A_90 : memref<10240x128xf32, #tpu.memory_space<vmem_shared>>) offsets(%dma_start3A_87 : memref<128xi32, #tpu.memory_space<vmem>>) semaphore(%run_scoped3A : memref<!tpu.dma_semaphore, #tpu.memory_space<semaphore_mem>>) {add = true}
          %dma_wait3A_91 = arith.constant 0 : i32
          %dma_wait3A_92 = tpu.memref_slice %arg8[%add3A_71, %dma_wait3A_91] : memref<40x128xi32, #tpu.memory_space<vmem>> -> memref<1x128xi32, #tpu.memory_space<vmem>>
          %dma_wait3A_93 = tpu.memref_squeeze %dma_wait3A_92 : memref<1x128xi32, #tpu.memory_space<vmem>> -> memref<128xi32, #tpu.memory_space<vmem>>
          %dma_wait3A_94 = arith.constant 0 : i32
          %dma_wait3A_95 = arith.constant 0 : i32
          %dma_wait3A_96 = tpu.memref_slice %arg11[%dma_wait3A_94, %dma_wait3A_95] : memref<10240x128xf32, #tpu.memory_space<vmem_shared>> -> memref<10240x128xf32, #tpu.memory_space<vmem_shared>>
          tpu.wait_indirect_dma semaphore(%run_scoped3A : memref<!tpu.dma_semaphore, #tpu.memory_space<semaphore_mem>>) src(%arg10 : memref<128x128xf32, #tpu.memory_space<vmem>>) dst(%dma_wait3A_96 : memref<10240x128xf32, #tpu.memory_space<vmem_shared>>)
          tpu.yield
        }) : () -> ()
      }
      %scan3A_25 = arith.constant 20 : i32
      %add3A_26 = arith.constant 40 : i32
      %add3A_27 = arith.addi %mul3A_14, %add3A_26 : i32
      "tpu.region"() ({
        %run_scoped3A = tpu.sem_alloc : memref<!tpu.dma_semaphore, #tpu.memory_space<semaphore_mem>>
        %dma_start3A_54 = arith.constant 0 : i32
        %dma_start3A_55 = tpu.memref_slice %arg3[%add3A_27, %dma_start3A_54] : memref<2560x128xi32, #tpu.memory_space<hbm>> -> memref<40x128xi32, #tpu.memory_space<hbm>>
        %dma_start3A_56 = arith.constant 0 : i32
        %dma_start3A_57 = tpu.memref_slice %arg3[%add3A_27, %dma_start3A_56] : memref<2560x128xi32, #tpu.memory_space<hbm>> -> memref<40x128xi32, #tpu.memory_space<hbm>>
        tpu.enqueue_dma source(%dma_start3A_57 : memref<40x128xi32, #tpu.memory_space<hbm>>) target(%arg7 : memref<40x128xi32, #tpu.memory_space<vmem>>) target_semaphore(%run_scoped3A : memref<!tpu.dma_semaphore, #tpu.memory_space<semaphore_mem>>)
        %dma_wait3A = arith.constant 0 : i32
        %dma_wait3A_58 = tpu.memref_slice %arg3[%add3A_27, %dma_wait3A] : memref<2560x128xi32, #tpu.memory_space<hbm>> -> memref<40x128xi32, #tpu.memory_space<hbm>>
        %dma_wait3A_59 = arith.constant 0 : i32
        %dma_wait3A_60 = tpu.memref_slice %arg3[%add3A_27, %dma_wait3A_59] : memref<2560x128xi32, #tpu.memory_space<hbm>> -> memref<40x128xi32, #tpu.memory_space<hbm>>
        tpu.wait_dma2 semaphore(%run_scoped3A : memref<!tpu.dma_semaphore, #tpu.memory_space<semaphore_mem>>) src(%dma_wait3A_60 : memref<40x128xi32, #tpu.memory_space<hbm>>) dst(%arg7 : memref<40x128xi32, #tpu.memory_space<vmem>>)
        tpu.yield
      }) : () -> ()
      "tpu.region"() ({
        %run_scoped3A = tpu.sem_alloc : memref<!tpu.dma_semaphore, #tpu.memory_space<semaphore_mem>>
        %dma_start3A_54 = arith.constant 0 : i32
        %dma_start3A_55 = tpu.memref_slice %arg4[%add3A_27, %dma_start3A_54] : memref<2560x128xi32, #tpu.memory_space<hbm>> -> memref<40x128xi32, #tpu.memory_space<hbm>>
        %dma_start3A_56 = arith.constant 0 : i32
        %dma_start3A_57 = tpu.memref_slice %arg4[%add3A_27, %dma_start3A_56] : memref<2560x128xi32, #tpu.memory_space<hbm>> -> memref<40x128xi32, #tpu.memory_space<hbm>>
        tpu.enqueue_dma source(%dma_start3A_57 : memref<40x128xi32, #tpu.memory_space<hbm>>) target(%arg8 : memref<40x128xi32, #tpu.memory_space<vmem>>) target_semaphore(%run_scoped3A : memref<!tpu.dma_semaphore, #tpu.memory_space<semaphore_mem>>)
        %dma_wait3A = arith.constant 0 : i32
        %dma_wait3A_58 = tpu.memref_slice %arg4[%add3A_27, %dma_wait3A] : memref<2560x128xi32, #tpu.memory_space<hbm>> -> memref<40x128xi32, #tpu.memory_space<hbm>>
        %dma_wait3A_59 = arith.constant 0 : i32
        %dma_wait3A_60 = tpu.memref_slice %arg4[%add3A_27, %dma_wait3A_59] : memref<2560x128xi32, #tpu.memory_space<hbm>> -> memref<40x128xi32, #tpu.memory_space<hbm>>
        tpu.wait_dma2 semaphore(%run_scoped3A : memref<!tpu.dma_semaphore, #tpu.memory_space<semaphore_mem>>) src(%dma_wait3A_60 : memref<40x128xi32, #tpu.memory_space<hbm>>) dst(%arg8 : memref<40x128xi32, #tpu.memory_space<vmem>>)
        tpu.yield
      }) : () -> ()
      %dma_start3A_28 = arith.constant 0 : i32
      %dma_start3A_29 = arith.constant 0 : i32
      %dma_start3A_30 = tpu.memref_slice %arg7[%dma_start3A_28, %dma_start3A_29] : memref<40x128xi32, #tpu.memory_space<vmem>> -> memref<1x128xi32, #tpu.memory_space<vmem>>
      %dma_start3A_31 = tpu.memref_squeeze %dma_start3A_30 : memref<1x128xi32, #tpu.memory_space<vmem>> -> memref<128xi32, #tpu.memory_space<vmem>>
      %dma_start3A_32 = arith.constant 0 : i32
      %dma_start3A_33 = arith.constant 0 : i32
      %dma_start3A_34 = tpu.memref_slice %arg2[%dma_start3A_32, %dma_start3A_33] : memref<10240x128xf32, #tpu.memory_space<hbm>> -> memref<10240x128xf32, #tpu.memory_space<hbm>>
      tpu.enqueue_indirect_dma source(%dma_start3A_34 : memref<10240x128xf32, #tpu.memory_space<hbm>>) target(%arg9 : memref<128x128xf32, #tpu.memory_space<vmem>>) offsets(%dma_start3A_31 : memref<128xi32, #tpu.memory_space<vmem>>) semaphore(%arg12 : memref<!tpu.dma_semaphore, #tpu.memory_space<semaphore_mem>>)
      %scan3A_35 = arith.constant 0 : i32
      %scan3A_36 = arith.constant 20 : i32
      %scan3A_37 = arith.addi %scan3A_35, %scan3A_36 : i32
      %scan3A_38 = arith.constant 1 : i32
      scf.for %scan3A_54 = %scan3A_35 to %scan3A_37 step %scan3A_38  : i32 {
        %mul3A_55 = arith.constant 2 : i32
        %mul3A_56 = arith.muli %scan3A_54, %mul3A_55 : i32
        %add3A_57 = arith.constant 0 : i32
        %add3A_58 = arith.addi %add3A_57, %mul3A_56 : i32
        %add3A_59 = arith.constant 1 : i32
        %add3A_60 = arith.addi %add3A_58, %add3A_59 : i32
        %lt3A = arith.constant 40 : i32
        %lt3A_61 = arith.cmpi slt, %add3A_60, %lt3A : i32
        %convert_element_type3A_62 = arith.extui %lt3A_61 : i1 to i32
        %cond3A_63 = arith.constant 0 : i32
        %cond3A_64 = arith.cmpi ne, %convert_element_type3A_62, %cond3A_63 : i32
        scf.if %cond3A_64 {
          %add3A_85 = arith.constant 1 : i32
          %add3A_86 = arith.addi %add3A_58, %add3A_85 : i32
          %dma_start3A_87 = arith.constant 0 : i32
          %dma_start3A_88 = tpu.memref_slice %arg7[%add3A_86, %dma_start3A_87] : memref<40x128xi32, #tpu.memory_space<vmem>> -> memref<1x128xi32, #tpu.memory_space<vmem>>
          %dma_start3A_89 = tpu.memref_squeeze %dma_start3A_88 : memref<1x128xi32, #tpu.memory_space<vmem>> -> memref<128xi32, #tpu.memory_space<vmem>>
          %dma_start3A_90 = arith.constant 0 : i32
          %dma_start3A_91 = arith.constant 0 : i32
          %dma_start3A_92 = tpu.memref_slice %arg2[%dma_start3A_90, %dma_start3A_91] : memref<10240x128xf32, #tpu.memory_space<hbm>> -> memref<10240x128xf32, #tpu.memory_space<hbm>>
          tpu.enqueue_indirect_dma source(%dma_start3A_92 : memref<10240x128xf32, #tpu.memory_space<hbm>>) target(%arg10 : memref<128x128xf32, #tpu.memory_space<vmem>>) offsets(%dma_start3A_89 : memref<128xi32, #tpu.memory_space<vmem>>) semaphore(%arg13 : memref<!tpu.dma_semaphore, #tpu.memory_space<semaphore_mem>>)
        } else {
        }
        %dma_wait3A = arith.constant 0 : i32
        %dma_wait3A_65 = tpu.memref_slice %arg7[%add3A_58, %dma_wait3A] : memref<40x128xi32, #tpu.memory_space<vmem>> -> memref<1x128xi32, #tpu.memory_space<vmem>>
        %dma_wait3A_66 = tpu.memref_squeeze %dma_wait3A_65 : memref<1x128xi32, #tpu.memory_space<vmem>> -> memref<128xi32, #tpu.memory_space<vmem>>
        %dma_wait3A_67 = arith.constant 0 : i32
        %dma_wait3A_68 = arith.constant 0 : i32
        %dma_wait3A_69 = tpu.memref_slice %arg2[%dma_wait3A_67, %dma_wait3A_68] : memref<10240x128xf32, #tpu.memory_space<hbm>> -> memref<10240x128xf32, #tpu.memory_space<hbm>>
        tpu.wait_indirect_dma semaphore(%arg12 : memref<!tpu.dma_semaphore, #tpu.memory_space<semaphore_mem>>) src(%dma_wait3A_69 : memref<10240x128xf32, #tpu.memory_space<hbm>>) dst(%arg9 : memref<128x128xf32, #tpu.memory_space<vmem>>)
        "tpu.region"() ({
          %run_scoped3A = tpu.sem_alloc : memref<!tpu.dma_semaphore, #tpu.memory_space<semaphore_mem>>
          %dma_start3A_85 = arith.constant 0 : i32
          %dma_start3A_86 = tpu.memref_slice %arg8[%add3A_58, %dma_start3A_85] : memref<40x128xi32, #tpu.memory_space<vmem>> -> memref<1x128xi32, #tpu.memory_space<vmem>>
          %dma_start3A_87 = tpu.memref_squeeze %dma_start3A_86 : memref<1x128xi32, #tpu.memory_space<vmem>> -> memref<128xi32, #tpu.memory_space<vmem>>
          %dma_start3A_88 = arith.constant 0 : i32
          %dma_start3A_89 = arith.constant 0 : i32
          %dma_start3A_90 = tpu.memref_slice %arg11[%dma_start3A_88, %dma_start3A_89] : memref<10240x128xf32, #tpu.memory_space<vmem_shared>> -> memref<10240x128xf32, #tpu.memory_space<vmem_shared>>
          tpu.enqueue_indirect_dma source(%arg9 : memref<128x128xf32, #tpu.memory_space<vmem>>) target(%dma_start3A_90 : memref<10240x128xf32, #tpu.memory_space<vmem_shared>>) offsets(%dma_start3A_87 : memref<128xi32, #tpu.memory_space<vmem>>) semaphore(%run_scoped3A : memref<!tpu.dma_semaphore, #tpu.memory_space<semaphore_mem>>) {add = true}
          %dma_wait3A_91 = arith.constant 0 : i32
          %dma_wait3A_92 = tpu.memref_slice %arg8[%add3A_58, %dma_wait3A_91] : memref<40x128xi32, #tpu.memory_space<vmem>> -> memref<1x128xi32, #tpu.memory_space<vmem>>
          %dma_wait3A_93 = tpu.memref_squeeze %dma_wait3A_92 : memref<1x128xi32, #tpu.memory_space<vmem>> -> memref<128xi32, #tpu.memory_space<vmem>>
          %dma_wait3A_94 = arith.constant 0 : i32
          %dma_wait3A_95 = arith.constant 0 : i32
          %dma_wait3A_96 = tpu.memref_slice %arg11[%dma_wait3A_94, %dma_wait3A_95] : memref<10240x128xf32, #tpu.memory_space<vmem_shared>> -> memref<10240x128xf32, #tpu.memory_space<vmem_shared>>
          tpu.wait_indirect_dma semaphore(%run_scoped3A : memref<!tpu.dma_semaphore, #tpu.memory_space<semaphore_mem>>) src(%arg9 : memref<128x128xf32, #tpu.memory_space<vmem>>) dst(%dma_wait3A_96 : memref<10240x128xf32, #tpu.memory_space<vmem_shared>>)
          tpu.yield
        }) : () -> ()
        %add3A_70 = arith.constant 1 : i32
        %add3A_71 = arith.addi %add3A_58, %add3A_70 : i32
        %add3A_72 = arith.constant 1 : i32
        %add3A_73 = arith.addi %add3A_71, %add3A_72 : i32
        %lt3A_74 = arith.constant 40 : i32
        %lt3A_75 = arith.cmpi slt, %add3A_73, %lt3A_74 : i32
        %convert_element_type3A_76 = arith.extui %lt3A_75 : i1 to i32
        %cond3A_77 = arith.constant 0 : i32
        %cond3A_78 = arith.cmpi ne, %convert_element_type3A_76, %cond3A_77 : i32
        scf.if %cond3A_78 {
          %add3A_85 = arith.constant 1 : i32
          %add3A_86 = arith.addi %add3A_71, %add3A_85 : i32
          %dma_start3A_87 = arith.constant 0 : i32
          %dma_start3A_88 = tpu.memref_slice %arg7[%add3A_86, %dma_start3A_87] : memref<40x128xi32, #tpu.memory_space<vmem>> -> memref<1x128xi32, #tpu.memory_space<vmem>>
          %dma_start3A_89 = tpu.memref_squeeze %dma_start3A_88 : memref<1x128xi32, #tpu.memory_space<vmem>> -> memref<128xi32, #tpu.memory_space<vmem>>
          %dma_start3A_90 = arith.constant 0 : i32
          %dma_start3A_91 = arith.constant 0 : i32
          %dma_start3A_92 = tpu.memref_slice %arg2[%dma_start3A_90, %dma_start3A_91] : memref<10240x128xf32, #tpu.memory_space<hbm>> -> memref<10240x128xf32, #tpu.memory_space<hbm>>
          tpu.enqueue_indirect_dma source(%dma_start3A_92 : memref<10240x128xf32, #tpu.memory_space<hbm>>) target(%arg9 : memref<128x128xf32, #tpu.memory_space<vmem>>) offsets(%dma_start3A_89 : memref<128xi32, #tpu.memory_space<vmem>>) semaphore(%arg12 : memref<!tpu.dma_semaphore, #tpu.memory_space<semaphore_mem>>)
        } else {
        }
        %dma_wait3A_79 = arith.constant 0 : i32
        %dma_wait3A_80 = tpu.memref_slice %arg7[%add3A_71, %dma_wait3A_79] : memref<40x128xi32, #tpu.memory_space<vmem>> -> memref<1x128xi32, #tpu.memory_space<vmem>>
        %dma_wait3A_81 = tpu.memref_squeeze %dma_wait3A_80 : memref<1x128xi32, #tpu.memory_space<vmem>> -> memref<128xi32, #tpu.memory_space<vmem>>
        %dma_wait3A_82 = arith.constant 0 : i32
        %dma_wait3A_83 = arith.constant 0 : i32
        %dma_wait3A_84 = tpu.memref_slice %arg2[%dma_wait3A_82, %dma_wait3A_83] : memref<10240x128xf32, #tpu.memory_space<hbm>> -> memref<10240x128xf32, #tpu.memory_space<hbm>>
        tpu.wait_indirect_dma semaphore(%arg13 : memref<!tpu.dma_semaphore, #tpu.memory_space<semaphore_mem>>) src(%dma_wait3A_84 : memref<10240x128xf32, #tpu.memory_space<hbm>>) dst(%arg10 : memref<128x128xf32, #tpu.memory_space<vmem>>)
        "tpu.region"() ({
          %run_scoped3A = tpu.sem_alloc : memref<!tpu.dma_semaphore, #tpu.memory_space<semaphore_mem>>
          %dma_start3A_85 = arith.constant 0 : i32
          %dma_start3A_86 = tpu.memref_slice %arg8[%add3A_71, %dma_start3A_85] : memref<40x128xi32, #tpu.memory_space<vmem>> -> memref<1x128xi32, #tpu.memory_space<vmem>>
          %dma_start3A_87 = tpu.memref_squeeze %dma_start3A_86 : memref<1x128xi32, #tpu.memory_space<vmem>> -> memref<128xi32, #tpu.memory_space<vmem>>
          %dma_start3A_88 = arith.constant 0 : i32
          %dma_start3A_89 = arith.constant 0 : i32
          %dma_start3A_90 = tpu.memref_slice %arg11[%dma_start3A_88, %dma_start3A_89] : memref<10240x128xf32, #tpu.memory_space<vmem_shared>> -> memref<10240x128xf32, #tpu.memory_space<vmem_shared>>
          tpu.enqueue_indirect_dma source(%arg10 : memref<128x128xf32, #tpu.memory_space<vmem>>) target(%dma_start3A_90 : memref<10240x128xf32, #tpu.memory_space<vmem_shared>>) offsets(%dma_start3A_87 : memref<128xi32, #tpu.memory_space<vmem>>) semaphore(%run_scoped3A : memref<!tpu.dma_semaphore, #tpu.memory_space<semaphore_mem>>) {add = true}
          %dma_wait3A_91 = arith.constant 0 : i32
          %dma_wait3A_92 = tpu.memref_slice %arg8[%add3A_71, %dma_wait3A_91] : memref<40x128xi32, #tpu.memory_space<vmem>> -> memref<1x128xi32, #tpu.memory_space<vmem>>
          %dma_wait3A_93 = tpu.memref_squeeze %dma_wait3A_92 : memref<1x128xi32, #tpu.memory_space<vmem>> -> memref<128xi32, #tpu.memory_space<vmem>>
          %dma_wait3A_94 = arith.constant 0 : i32
          %dma_wait3A_95 = arith.constant 0 : i32
          %dma_wait3A_96 = tpu.memref_slice %arg11[%dma_wait3A_94, %dma_wait3A_95] : memref<10240x128xf32, #tpu.memory_space<vmem_shared>> -> memref<10240x128xf32, #tpu.memory_space<vmem_shared>>
          tpu.wait_indirect_dma semaphore(%run_scoped3A : memref<!tpu.dma_semaphore, #tpu.memory_space<semaphore_mem>>) src(%arg10 : memref<128x128xf32, #tpu.memory_space<vmem>>) dst(%dma_wait3A_96 : memref<10240x128xf32, #tpu.memory_space<vmem_shared>>)
          tpu.yield
        }) : () -> ()
      }
      %scan3A_39 = arith.constant 20 : i32
      %add3A_40 = arith.constant 80 : i32
      %add3A_41 = arith.addi %mul3A_14, %add3A_40 : i32
      "tpu.region"() ({
        %run_scoped3A = tpu.sem_alloc : memref<!tpu.dma_semaphore, #tpu.memory_space<semaphore_mem>>
        %dma_start3A_54 = arith.constant 0 : i32
        %dma_start3A_55 = tpu.memref_slice %arg3[%add3A_41, %dma_start3A_54] : memref<2560x128xi32, #tpu.memory_space<hbm>> -> memref<40x128xi32, #tpu.memory_space<hbm>>
        %dma_start3A_56 = arith.constant 0 : i32
        %dma_start3A_57 = tpu.memref_slice %arg3[%add3A_41, %dma_start3A_56] : memref<2560x128xi32, #tpu.memory_space<hbm>> -> memref<40x128xi32, #tpu.memory_space<hbm>>
        tpu.enqueue_dma source(%dma_start3A_57 : memref<40x128xi32, #tpu.memory_space<hbm>>) target(%arg7 : memref<40x128xi32, #tpu.memory_space<vmem>>) target_semaphore(%run_scoped3A : memref<!tpu.dma_semaphore, #tpu.memory_space<semaphore_mem>>)
        %dma_wait3A = arith.constant 0 : i32
        %dma_wait3A_58 = tpu.memref_slice %arg3[%add3A_41, %dma_wait3A] : memref<2560x128xi32, #tpu.memory_space<hbm>> -> memref<40x128xi32, #tpu.memory_space<hbm>>
        %dma_wait3A_59 = arith.constant 0 : i32
        %dma_wait3A_60 = tpu.memref_slice %arg3[%add3A_41, %dma_wait3A_59] : memref<2560x128xi32, #tpu.memory_space<hbm>> -> memref<40x128xi32, #tpu.memory_space<hbm>>
        tpu.wait_dma2 semaphore(%run_scoped3A : memref<!tpu.dma_semaphore, #tpu.memory_space<semaphore_mem>>) src(%dma_wait3A_60 : memref<40x128xi32, #tpu.memory_space<hbm>>) dst(%arg7 : memref<40x128xi32, #tpu.memory_space<vmem>>)
        tpu.yield
      }) : () -> ()
      "tpu.region"() ({
        %run_scoped3A = tpu.sem_alloc : memref<!tpu.dma_semaphore, #tpu.memory_space<semaphore_mem>>
        %dma_start3A_54 = arith.constant 0 : i32
        %dma_start3A_55 = tpu.memref_slice %arg4[%add3A_41, %dma_start3A_54] : memref<2560x128xi32, #tpu.memory_space<hbm>> -> memref<40x128xi32, #tpu.memory_space<hbm>>
        %dma_start3A_56 = arith.constant 0 : i32
        %dma_start3A_57 = tpu.memref_slice %arg4[%add3A_41, %dma_start3A_56] : memref<2560x128xi32, #tpu.memory_space<hbm>> -> memref<40x128xi32, #tpu.memory_space<hbm>>
        tpu.enqueue_dma source(%dma_start3A_57 : memref<40x128xi32, #tpu.memory_space<hbm>>) target(%arg8 : memref<40x128xi32, #tpu.memory_space<vmem>>) target_semaphore(%run_scoped3A : memref<!tpu.dma_semaphore, #tpu.memory_space<semaphore_mem>>)
        %dma_wait3A = arith.constant 0 : i32
        %dma_wait3A_58 = tpu.memref_slice %arg4[%add3A_41, %dma_wait3A] : memref<2560x128xi32, #tpu.memory_space<hbm>> -> memref<40x128xi32, #tpu.memory_space<hbm>>
        %dma_wait3A_59 = arith.constant 0 : i32
        %dma_wait3A_60 = tpu.memref_slice %arg4[%add3A_41, %dma_wait3A_59] : memref<2560x128xi32, #tpu.memory_space<hbm>> -> memref<40x128xi32, #tpu.memory_space<hbm>>
        tpu.wait_dma2 semaphore(%run_scoped3A : memref<!tpu.dma_semaphore, #tpu.memory_space<semaphore_mem>>) src(%dma_wait3A_60 : memref<40x128xi32, #tpu.memory_space<hbm>>) dst(%arg8 : memref<40x128xi32, #tpu.memory_space<vmem>>)
        tpu.yield
      }) : () -> ()
      %dma_start3A_42 = arith.constant 0 : i32
      %dma_start3A_43 = arith.constant 0 : i32
      %dma_start3A_44 = tpu.memref_slice %arg7[%dma_start3A_42, %dma_start3A_43] : memref<40x128xi32, #tpu.memory_space<vmem>> -> memref<1x128xi32, #tpu.memory_space<vmem>>
      %dma_start3A_45 = tpu.memref_squeeze %dma_start3A_44 : memref<1x128xi32, #tpu.memory_space<vmem>> -> memref<128xi32, #tpu.memory_space<vmem>>
      %dma_start3A_46 = arith.constant 0 : i32
      %dma_start3A_47 = arith.constant 0 : i32
      %dma_start3A_48 = tpu.memref_slice %arg2[%dma_start3A_46, %dma_start3A_47] : memref<10240x128xf32, #tpu.memory_space<hbm>> -> memref<10240x128xf32, #tpu.memory_space<hbm>>
      tpu.enqueue_indirect_dma source(%dma_start3A_48 : memref<10240x128xf32, #tpu.memory_space<hbm>>) target(%arg9 : memref<128x128xf32, #tpu.memory_space<vmem>>) offsets(%dma_start3A_45 : memref<128xi32, #tpu.memory_space<vmem>>) semaphore(%arg12 : memref<!tpu.dma_semaphore, #tpu.memory_space<semaphore_mem>>)
      %scan3A_49 = arith.constant 0 : i32
      %scan3A_50 = arith.constant 20 : i32
      %scan3A_51 = arith.addi %scan3A_49, %scan3A_50 : i32
      %scan3A_52 = arith.constant 1 : i32
      scf.for %scan3A_54 = %scan3A_49 to %scan3A_51 step %scan3A_52  : i32 {
        %mul3A_55 = arith.constant 2 : i32
        %mul3A_56 = arith.muli %scan3A_54, %mul3A_55 : i32
        %add3A_57 = arith.constant 0 : i32
        %add3A_58 = arith.addi %add3A_57, %mul3A_56 : i32
        %add3A_59 = arith.constant 1 : i32
        %add3A_60 = arith.addi %add3A_58, %add3A_59 : i32
        %lt3A = arith.constant 40 : i32
        %lt3A_61 = arith.cmpi slt, %add3A_60, %lt3A : i32
        %convert_element_type3A_62 = arith.extui %lt3A_61 : i1 to i32
        %cond3A_63 = arith.constant 0 : i32
        %cond3A_64 = arith.cmpi ne, %convert_element_type3A_62, %cond3A_63 : i32
        scf.if %cond3A_64 {
          %add3A_85 = arith.constant 1 : i32
          %add3A_86 = arith.addi %add3A_58, %add3A_85 : i32
          %dma_start3A_87 = arith.constant 0 : i32
          %dma_start3A_88 = tpu.memref_slice %arg7[%add3A_86, %dma_start3A_87] : memref<40x128xi32, #tpu.memory_space<vmem>> -> memref<1x128xi32, #tpu.memory_space<vmem>>
          %dma_start3A_89 = tpu.memref_squeeze %dma_start3A_88 : memref<1x128xi32, #tpu.memory_space<vmem>> -> memref<128xi32, #tpu.memory_space<vmem>>
          %dma_start3A_90 = arith.constant 0 : i32
          %dma_start3A_91 = arith.constant 0 : i32
          %dma_start3A_92 = tpu.memref_slice %arg2[%dma_start3A_90, %dma_start3A_91] : memref<10240x128xf32, #tpu.memory_space<hbm>> -> memref<10240x128xf32, #tpu.memory_space<hbm>>
          tpu.enqueue_indirect_dma source(%dma_start3A_92 : memref<10240x128xf32, #tpu.memory_space<hbm>>) target(%arg10 : memref<128x128xf32, #tpu.memory_space<vmem>>) offsets(%dma_start3A_89 : memref<128xi32, #tpu.memory_space<vmem>>) semaphore(%arg13 : memref<!tpu.dma_semaphore, #tpu.memory_space<semaphore_mem>>)
        } else {
        }
        %dma_wait3A = arith.constant 0 : i32
        %dma_wait3A_65 = tpu.memref_slice %arg7[%add3A_58, %dma_wait3A] : memref<40x128xi32, #tpu.memory_space<vmem>> -> memref<1x128xi32, #tpu.memory_space<vmem>>
        %dma_wait3A_66 = tpu.memref_squeeze %dma_wait3A_65 : memref<1x128xi32, #tpu.memory_space<vmem>> -> memref<128xi32, #tpu.memory_space<vmem>>
        %dma_wait3A_67 = arith.constant 0 : i32
        %dma_wait3A_68 = arith.constant 0 : i32
        %dma_wait3A_69 = tpu.memref_slice %arg2[%dma_wait3A_67, %dma_wait3A_68] : memref<10240x128xf32, #tpu.memory_space<hbm>> -> memref<10240x128xf32, #tpu.memory_space<hbm>>
        tpu.wait_indirect_dma semaphore(%arg12 : memref<!tpu.dma_semaphore, #tpu.memory_space<semaphore_mem>>) src(%dma_wait3A_69 : memref<10240x128xf32, #tpu.memory_space<hbm>>) dst(%arg9 : memref<128x128xf32, #tpu.memory_space<vmem>>)
        "tpu.region"() ({
          %run_scoped3A = tpu.sem_alloc : memref<!tpu.dma_semaphore, #tpu.memory_space<semaphore_mem>>
          %dma_start3A_85 = arith.constant 0 : i32
          %dma_start3A_86 = tpu.memref_slice %arg8[%add3A_58, %dma_start3A_85] : memref<40x128xi32, #tpu.memory_space<vmem>> -> memref<1x128xi32, #tpu.memory_space<vmem>>
          %dma_start3A_87 = tpu.memref_squeeze %dma_start3A_86 : memref<1x128xi32, #tpu.memory_space<vmem>> -> memref<128xi32, #tpu.memory_space<vmem>>
          %dma_start3A_88 = arith.constant 0 : i32
          %dma_start3A_89 = arith.constant 0 : i32
          %dma_start3A_90 = tpu.memref_slice %arg11[%dma_start3A_88, %dma_start3A_89] : memref<10240x128xf32, #tpu.memory_space<vmem_shared>> -> memref<10240x128xf32, #tpu.memory_space<vmem_shared>>
          tpu.enqueue_indirect_dma source(%arg9 : memref<128x128xf32, #tpu.memory_space<vmem>>) target(%dma_start3A_90 : memref<10240x128xf32, #tpu.memory_space<vmem_shared>>) offsets(%dma_start3A_87 : memref<128xi32, #tpu.memory_space<vmem>>) semaphore(%run_scoped3A : memref<!tpu.dma_semaphore, #tpu.memory_space<semaphore_mem>>) {add = true}
          %dma_wait3A_91 = arith.constant 0 : i32
          %dma_wait3A_92 = tpu.memref_slice %arg8[%add3A_58, %dma_wait3A_91] : memref<40x128xi32, #tpu.memory_space<vmem>> -> memref<1x128xi32, #tpu.memory_space<vmem>>
          %dma_wait3A_93 = tpu.memref_squeeze %dma_wait3A_92 : memref<1x128xi32, #tpu.memory_space<vmem>> -> memref<128xi32, #tpu.memory_space<vmem>>
          %dma_wait3A_94 = arith.constant 0 : i32
          %dma_wait3A_95 = arith.constant 0 : i32
          %dma_wait3A_96 = tpu.memref_slice %arg11[%dma_wait3A_94, %dma_wait3A_95] : memref<10240x128xf32, #tpu.memory_space<vmem_shared>> -> memref<10240x128xf32, #tpu.memory_space<vmem_shared>>
          tpu.wait_indirect_dma semaphore(%run_scoped3A : memref<!tpu.dma_semaphore, #tpu.memory_space<semaphore_mem>>) src(%arg9 : memref<128x128xf32, #tpu.memory_space<vmem>>) dst(%dma_wait3A_96 : memref<10240x128xf32, #tpu.memory_space<vmem_shared>>)
          tpu.yield
        }) : () -> ()
        %add3A_70 = arith.constant 1 : i32
        %add3A_71 = arith.addi %add3A_58, %add3A_70 : i32
        %add3A_72 = arith.constant 1 : i32
        %add3A_73 = arith.addi %add3A_71, %add3A_72 : i32
        %lt3A_74 = arith.constant 40 : i32
        %lt3A_75 = arith.cmpi slt, %add3A_73, %lt3A_74 : i32
        %convert_element_type3A_76 = arith.extui %lt3A_75 : i1 to i32
        %cond3A_77 = arith.constant 0 : i32
        %cond3A_78 = arith.cmpi ne, %convert_element_type3A_76, %cond3A_77 : i32
        scf.if %cond3A_78 {
          %add3A_85 = arith.constant 1 : i32
          %add3A_86 = arith.addi %add3A_71, %add3A_85 : i32
          %dma_start3A_87 = arith.constant 0 : i32
          %dma_start3A_88 = tpu.memref_slice %arg7[%add3A_86, %dma_start3A_87] : memref<40x128xi32, #tpu.memory_space<vmem>> -> memref<1x128xi32, #tpu.memory_space<vmem>>
          %dma_start3A_89 = tpu.memref_squeeze %dma_start3A_88 : memref<1x128xi32, #tpu.memory_space<vmem>> -> memref<128xi32, #tpu.memory_space<vmem>>
          %dma_start3A_90 = arith.constant 0 : i32
          %dma_start3A_91 = arith.constant 0 : i32
          %dma_start3A_92 = tpu.memref_slice %arg2[%dma_start3A_90, %dma_start3A_91] : memref<10240x128xf32, #tpu.memory_space<hbm>> -> memref<10240x128xf32, #tpu.memory_space<hbm>>
          tpu.enqueue_indirect_dma source(%dma_start3A_92 : memref<10240x128xf32, #tpu.memory_space<hbm>>) target(%arg9 : memref<128x128xf32, #tpu.memory_space<vmem>>) offsets(%dma_start3A_89 : memref<128xi32, #tpu.memory_space<vmem>>) semaphore(%arg12 : memref<!tpu.dma_semaphore, #tpu.memory_space<semaphore_mem>>)
        } else {
        }
        %dma_wait3A_79 = arith.constant 0 : i32
        %dma_wait3A_80 = tpu.memref_slice %arg7[%add3A_71, %dma_wait3A_79] : memref<40x128xi32, #tpu.memory_space<vmem>> -> memref<1x128xi32, #tpu.memory_space<vmem>>
        %dma_wait3A_81 = tpu.memref_squeeze %dma_wait3A_80 : memref<1x128xi32, #tpu.memory_space<vmem>> -> memref<128xi32, #tpu.memory_space<vmem>>
        %dma_wait3A_82 = arith.constant 0 : i32
        %dma_wait3A_83 = arith.constant 0 : i32
        %dma_wait3A_84 = tpu.memref_slice %arg2[%dma_wait3A_82, %dma_wait3A_83] : memref<10240x128xf32, #tpu.memory_space<hbm>> -> memref<10240x128xf32, #tpu.memory_space<hbm>>
        tpu.wait_indirect_dma semaphore(%arg13 : memref<!tpu.dma_semaphore, #tpu.memory_space<semaphore_mem>>) src(%dma_wait3A_84 : memref<10240x128xf32, #tpu.memory_space<hbm>>) dst(%arg10 : memref<128x128xf32, #tpu.memory_space<vmem>>)
        "tpu.region"() ({
          %run_scoped3A = tpu.sem_alloc : memref<!tpu.dma_semaphore, #tpu.memory_space<semaphore_mem>>
          %dma_start3A_85 = arith.constant 0 : i32
          %dma_start3A_86 = tpu.memref_slice %arg8[%add3A_71, %dma_start3A_85] : memref<40x128xi32, #tpu.memory_space<vmem>> -> memref<1x128xi32, #tpu.memory_space<vmem>>
          %dma_start3A_87 = tpu.memref_squeeze %dma_start3A_86 : memref<1x128xi32, #tpu.memory_space<vmem>> -> memref<128xi32, #tpu.memory_space<vmem>>
          %dma_start3A_88 = arith.constant 0 : i32
          %dma_start3A_89 = arith.constant 0 : i32
          %dma_start3A_90 = tpu.memref_slice %arg11[%dma_start3A_88, %dma_start3A_89] : memref<10240x128xf32, #tpu.memory_space<vmem_shared>> -> memref<10240x128xf32, #tpu.memory_space<vmem_shared>>
          tpu.enqueue_indirect_dma source(%arg10 : memref<128x128xf32, #tpu.memory_space<vmem>>) target(%dma_start3A_90 : memref<10240x128xf32, #tpu.memory_space<vmem_shared>>) offsets(%dma_start3A_87 : memref<128xi32, #tpu.memory_space<vmem>>) semaphore(%run_scoped3A : memref<!tpu.dma_semaphore, #tpu.memory_space<semaphore_mem>>) {add = true}
          %dma_wait3A_91 = arith.constant 0 : i32
          %dma_wait3A_92 = tpu.memref_slice %arg8[%add3A_71, %dma_wait3A_91] : memref<40x128xi32, #tpu.memory_space<vmem>> -> memref<1x128xi32, #tpu.memory_space<vmem>>
          %dma_wait3A_93 = tpu.memref_squeeze %dma_wait3A_92 : memref<1x128xi32, #tpu.memory_space<vmem>> -> memref<128xi32, #tpu.memory_space<vmem>>
          %dma_wait3A_94 = arith.constant 0 : i32
          %dma_wait3A_95 = arith.constant 0 : i32
          %dma_wait3A_96 = tpu.memref_slice %arg11[%dma_wait3A_94, %dma_wait3A_95] : memref<10240x128xf32, #tpu.memory_space<vmem_shared>> -> memref<10240x128xf32, #tpu.memory_space<vmem_shared>>
          tpu.wait_indirect_dma semaphore(%run_scoped3A : memref<!tpu.dma_semaphore, #tpu.memory_space<semaphore_mem>>) src(%arg10 : memref<128x128xf32, #tpu.memory_space<vmem>>) dst(%dma_wait3A_96 : memref<10240x128xf32, #tpu.memory_space<vmem_shared>>)
          tpu.yield
        }) : () -> ()
      }
      %scan3A_53 = arith.constant 20 : i32
    } else {
    }
    %eq3A_3 = arith.constant 1 : i32
    %eq3A_4 = arith.cmpi eq, %arg0, %eq3A_3 : i32
    %convert_element_type3A_5 = arith.extui %eq3A_4 : i1 to i32
    %cond3A_6 = arith.constant 0 : i32
    %cond3A_7 = arith.cmpi ne, %convert_element_type3A_5, %cond3A_6 : i32
    scf.if %cond3A_7 {
      %mul3A_13 = arith.constant 40 : i32
      %mul3A_14 = arith.muli %arg1, %mul3A_13 : i32
      %add3A = arith.constant 1920 : i32
      %add3A_15 = arith.addi %add3A, %mul3A_14 : i32
      %add3A_16 = arith.constant 0 : i32
      %add3A_17 = arith.addi %add3A_15, %add3A_16 : i32
      "tpu.region"() ({
        %run_scoped3A = tpu.sem_alloc : memref<!tpu.dma_semaphore, #tpu.memory_space<semaphore_mem>>
        %dma_start3A_28 = arith.constant 0 : i32
        %dma_start3A_29 = tpu.memref_slice %arg3[%add3A_17, %dma_start3A_28] : memref<2560x128xi32, #tpu.memory_space<hbm>> -> memref<40x128xi32, #tpu.memory_space<hbm>>
        %dma_start3A_30 = arith.constant 0 : i32
        %dma_start3A_31 = tpu.memref_slice %arg3[%add3A_17, %dma_start3A_30] : memref<2560x128xi32, #tpu.memory_space<hbm>> -> memref<40x128xi32, #tpu.memory_space<hbm>>
        tpu.enqueue_dma source(%dma_start3A_31 : memref<40x128xi32, #tpu.memory_space<hbm>>) target(%arg7 : memref<40x128xi32, #tpu.memory_space<vmem>>) target_semaphore(%run_scoped3A : memref<!tpu.dma_semaphore, #tpu.memory_space<semaphore_mem>>)
        %dma_wait3A = arith.constant 0 : i32
        %dma_wait3A_32 = tpu.memref_slice %arg3[%add3A_17, %dma_wait3A] : memref<2560x128xi32, #tpu.memory_space<hbm>> -> memref<40x128xi32, #tpu.memory_space<hbm>>
        %dma_wait3A_33 = arith.constant 0 : i32
        %dma_wait3A_34 = tpu.memref_slice %arg3[%add3A_17, %dma_wait3A_33] : memref<2560x128xi32, #tpu.memory_space<hbm>> -> memref<40x128xi32, #tpu.memory_space<hbm>>
        tpu.wait_dma2 semaphore(%run_scoped3A : memref<!tpu.dma_semaphore, #tpu.memory_space<semaphore_mem>>) src(%dma_wait3A_34 : memref<40x128xi32, #tpu.memory_space<hbm>>) dst(%arg7 : memref<40x128xi32, #tpu.memory_space<vmem>>)
        tpu.yield
      }) : () -> ()
      "tpu.region"() ({
        %run_scoped3A = tpu.sem_alloc : memref<!tpu.dma_semaphore, #tpu.memory_space<semaphore_mem>>
        %dma_start3A_28 = arith.constant 0 : i32
        %dma_start3A_29 = tpu.memref_slice %arg4[%add3A_17, %dma_start3A_28] : memref<2560x128xi32, #tpu.memory_space<hbm>> -> memref<40x128xi32, #tpu.memory_space<hbm>>
        %dma_start3A_30 = arith.constant 0 : i32
        %dma_start3A_31 = tpu.memref_slice %arg4[%add3A_17, %dma_start3A_30] : memref<2560x128xi32, #tpu.memory_space<hbm>> -> memref<40x128xi32, #tpu.memory_space<hbm>>
        tpu.enqueue_dma source(%dma_start3A_31 : memref<40x128xi32, #tpu.memory_space<hbm>>) target(%arg8 : memref<40x128xi32, #tpu.memory_space<vmem>>) target_semaphore(%run_scoped3A : memref<!tpu.dma_semaphore, #tpu.memory_space<semaphore_mem>>)
        %dma_wait3A = arith.constant 0 : i32
        %dma_wait3A_32 = tpu.memref_slice %arg4[%add3A_17, %dma_wait3A] : memref<2560x128xi32, #tpu.memory_space<hbm>> -> memref<40x128xi32, #tpu.memory_space<hbm>>
        %dma_wait3A_33 = arith.constant 0 : i32
        %dma_wait3A_34 = tpu.memref_slice %arg4[%add3A_17, %dma_wait3A_33] : memref<2560x128xi32, #tpu.memory_space<hbm>> -> memref<40x128xi32, #tpu.memory_space<hbm>>
        tpu.wait_dma2 semaphore(%run_scoped3A : memref<!tpu.dma_semaphore, #tpu.memory_space<semaphore_mem>>) src(%dma_wait3A_34 : memref<40x128xi32, #tpu.memory_space<hbm>>) dst(%arg8 : memref<40x128xi32, #tpu.memory_space<vmem>>)
        tpu.yield
      }) : () -> ()
      %dma_start3A = arith.constant 0 : i32
      %dma_start3A_18 = arith.constant 0 : i32
      %dma_start3A_19 = tpu.memref_slice %arg7[%dma_start3A, %dma_start3A_18] : memref<40x128xi32, #tpu.memory_space<vmem>> -> memref<1x128xi32, #tpu.memory_space<vmem>>
      %dma_start3A_20 = tpu.memref_squeeze %dma_start3A_19 : memref<1x128xi32, #tpu.memory_space<vmem>> -> memref<128xi32, #tpu.memory_space<vmem>>
      %dma_start3A_21 = arith.constant 0 : i32
      %dma_start3A_22 = arith.constant 0 : i32
      %dma_start3A_23 = tpu.memref_slice %arg2[%dma_start3A_21, %dma_start3A_22] : memref<10240x128xf32, #tpu.memory_space<hbm>> -> memref<10240x128xf32, #tpu.memory_space<hbm>>
      tpu.enqueue_indirect_dma source(%dma_start3A_23 : memref<10240x128xf32, #tpu.memory_space<hbm>>) target(%arg9 : memref<128x128xf32, #tpu.memory_space<vmem>>) offsets(%dma_start3A_20 : memref<128xi32, #tpu.memory_space<vmem>>) semaphore(%arg12 : memref<!tpu.dma_semaphore, #tpu.memory_space<semaphore_mem>>)
      %scan3A = arith.constant 0 : i32
      %scan3A_24 = arith.constant 20 : i32
      %scan3A_25 = arith.addi %scan3A, %scan3A_24 : i32
      %scan3A_26 = arith.constant 1 : i32
      scf.for %scan3A_28 = %scan3A to %scan3A_25 step %scan3A_26  : i32 {
        %mul3A_29 = arith.constant 2 : i32
        %mul3A_30 = arith.muli %scan3A_28, %mul3A_29 : i32
        %add3A_31 = arith.constant 0 : i32
        %add3A_32 = arith.addi %add3A_31, %mul3A_30 : i32
        %add3A_33 = arith.constant 1 : i32
        %add3A_34 = arith.addi %add3A_32, %add3A_33 : i32
        %lt3A = arith.constant 40 : i32
        %lt3A_35 = arith.cmpi slt, %add3A_34, %lt3A : i32
        %convert_element_type3A_36 = arith.extui %lt3A_35 : i1 to i32
        %cond3A_37 = arith.constant 0 : i32
        %cond3A_38 = arith.cmpi ne, %convert_element_type3A_36, %cond3A_37 : i32
        scf.if %cond3A_38 {
          %add3A_59 = arith.constant 1 : i32
          %add3A_60 = arith.addi %add3A_32, %add3A_59 : i32
          %dma_start3A_61 = arith.constant 0 : i32
          %dma_start3A_62 = tpu.memref_slice %arg7[%add3A_60, %dma_start3A_61] : memref<40x128xi32, #tpu.memory_space<vmem>> -> memref<1x128xi32, #tpu.memory_space<vmem>>
          %dma_start3A_63 = tpu.memref_squeeze %dma_start3A_62 : memref<1x128xi32, #tpu.memory_space<vmem>> -> memref<128xi32, #tpu.memory_space<vmem>>
          %dma_start3A_64 = arith.constant 0 : i32
          %dma_start3A_65 = arith.constant 0 : i32
          %dma_start3A_66 = tpu.memref_slice %arg2[%dma_start3A_64, %dma_start3A_65] : memref<10240x128xf32, #tpu.memory_space<hbm>> -> memref<10240x128xf32, #tpu.memory_space<hbm>>
          tpu.enqueue_indirect_dma source(%dma_start3A_66 : memref<10240x128xf32, #tpu.memory_space<hbm>>) target(%arg10 : memref<128x128xf32, #tpu.memory_space<vmem>>) offsets(%dma_start3A_63 : memref<128xi32, #tpu.memory_space<vmem>>) semaphore(%arg13 : memref<!tpu.dma_semaphore, #tpu.memory_space<semaphore_mem>>)
        } else {
        }
        %dma_wait3A = arith.constant 0 : i32
        %dma_wait3A_39 = tpu.memref_slice %arg7[%add3A_32, %dma_wait3A] : memref<40x128xi32, #tpu.memory_space<vmem>> -> memref<1x128xi32, #tpu.memory_space<vmem>>
        %dma_wait3A_40 = tpu.memref_squeeze %dma_wait3A_39 : memref<1x128xi32, #tpu.memory_space<vmem>> -> memref<128xi32, #tpu.memory_space<vmem>>
        %dma_wait3A_41 = arith.constant 0 : i32
        %dma_wait3A_42 = arith.constant 0 : i32
        %dma_wait3A_43 = tpu.memref_slice %arg2[%dma_wait3A_41, %dma_wait3A_42] : memref<10240x128xf32, #tpu.memory_space<hbm>> -> memref<10240x128xf32, #tpu.memory_space<hbm>>
        tpu.wait_indirect_dma semaphore(%arg12 : memref<!tpu.dma_semaphore, #tpu.memory_space<semaphore_mem>>) src(%dma_wait3A_43 : memref<10240x128xf32, #tpu.memory_space<hbm>>) dst(%arg9 : memref<128x128xf32, #tpu.memory_space<vmem>>)
        "tpu.region"() ({
          %run_scoped3A = tpu.sem_alloc : memref<!tpu.dma_semaphore, #tpu.memory_space<semaphore_mem>>
          %dma_start3A_59 = arith.constant 0 : i32
          %dma_start3A_60 = tpu.memref_slice %arg8[%add3A_32, %dma_start3A_59] : memref<40x128xi32, #tpu.memory_space<vmem>> -> memref<1x128xi32, #tpu.memory_space<vmem>>
          %dma_start3A_61 = tpu.memref_squeeze %dma_start3A_60 : memref<1x128xi32, #tpu.memory_space<vmem>> -> memref<128xi32, #tpu.memory_space<vmem>>
          %dma_start3A_62 = arith.constant 0 : i32
          %dma_start3A_63 = arith.constant 0 : i32
          %dma_start3A_64 = tpu.memref_slice %arg11[%dma_start3A_62, %dma_start3A_63] : memref<10240x128xf32, #tpu.memory_space<vmem_shared>> -> memref<10240x128xf32, #tpu.memory_space<vmem_shared>>
          tpu.enqueue_indirect_dma source(%arg9 : memref<128x128xf32, #tpu.memory_space<vmem>>) target(%dma_start3A_64 : memref<10240x128xf32, #tpu.memory_space<vmem_shared>>) offsets(%dma_start3A_61 : memref<128xi32, #tpu.memory_space<vmem>>) semaphore(%run_scoped3A : memref<!tpu.dma_semaphore, #tpu.memory_space<semaphore_mem>>) {add = true}
          %dma_wait3A_65 = arith.constant 0 : i32
          %dma_wait3A_66 = tpu.memref_slice %arg8[%add3A_32, %dma_wait3A_65] : memref<40x128xi32, #tpu.memory_space<vmem>> -> memref<1x128xi32, #tpu.memory_space<vmem>>
          %dma_wait3A_67 = tpu.memref_squeeze %dma_wait3A_66 : memref<1x128xi32, #tpu.memory_space<vmem>> -> memref<128xi32, #tpu.memory_space<vmem>>
          %dma_wait3A_68 = arith.constant 0 : i32
          %dma_wait3A_69 = arith.constant 0 : i32
          %dma_wait3A_70 = tpu.memref_slice %arg11[%dma_wait3A_68, %dma_wait3A_69] : memref<10240x128xf32, #tpu.memory_space<vmem_shared>> -> memref<10240x128xf32, #tpu.memory_space<vmem_shared>>
          tpu.wait_indirect_dma semaphore(%run_scoped3A : memref<!tpu.dma_semaphore, #tpu.memory_space<semaphore_mem>>) src(%arg9 : memref<128x128xf32, #tpu.memory_space<vmem>>) dst(%dma_wait3A_70 : memref<10240x128xf32, #tpu.memory_space<vmem_shared>>)
          tpu.yield
        }) : () -> ()
        %add3A_44 = arith.constant 1 : i32
        %add3A_45 = arith.addi %add3A_32, %add3A_44 : i32
        %add3A_46 = arith.constant 1 : i32
        %add3A_47 = arith.addi %add3A_45, %add3A_46 : i32
        %lt3A_48 = arith.constant 40 : i32
        %lt3A_49 = arith.cmpi slt, %add3A_47, %lt3A_48 : i32
        %convert_element_type3A_50 = arith.extui %lt3A_49 : i1 to i32
        %cond3A_51 = arith.constant 0 : i32
        %cond3A_52 = arith.cmpi ne, %convert_element_type3A_50, %cond3A_51 : i32
        scf.if %cond3A_52 {
          %add3A_59 = arith.constant 1 : i32
          %add3A_60 = arith.addi %add3A_45, %add3A_59 : i32
          %dma_start3A_61 = arith.constant 0 : i32
          %dma_start3A_62 = tpu.memref_slice %arg7[%add3A_60, %dma_start3A_61] : memref<40x128xi32, #tpu.memory_space<vmem>> -> memref<1x128xi32, #tpu.memory_space<vmem>>
          %dma_start3A_63 = tpu.memref_squeeze %dma_start3A_62 : memref<1x128xi32, #tpu.memory_space<vmem>> -> memref<128xi32, #tpu.memory_space<vmem>>
          %dma_start3A_64 = arith.constant 0 : i32
          %dma_start3A_65 = arith.constant 0 : i32
          %dma_start3A_66 = tpu.memref_slice %arg2[%dma_start3A_64, %dma_start3A_65] : memref<10240x128xf32, #tpu.memory_space<hbm>> -> memref<10240x128xf32, #tpu.memory_space<hbm>>
          tpu.enqueue_indirect_dma source(%dma_start3A_66 : memref<10240x128xf32, #tpu.memory_space<hbm>>) target(%arg9 : memref<128x128xf32, #tpu.memory_space<vmem>>) offsets(%dma_start3A_63 : memref<128xi32, #tpu.memory_space<vmem>>) semaphore(%arg12 : memref<!tpu.dma_semaphore, #tpu.memory_space<semaphore_mem>>)
        } else {
        }
        %dma_wait3A_53 = arith.constant 0 : i32
        %dma_wait3A_54 = tpu.memref_slice %arg7[%add3A_45, %dma_wait3A_53] : memref<40x128xi32, #tpu.memory_space<vmem>> -> memref<1x128xi32, #tpu.memory_space<vmem>>
        %dma_wait3A_55 = tpu.memref_squeeze %dma_wait3A_54 : memref<1x128xi32, #tpu.memory_space<vmem>> -> memref<128xi32, #tpu.memory_space<vmem>>
        %dma_wait3A_56 = arith.constant 0 : i32
        %dma_wait3A_57 = arith.constant 0 : i32
        %dma_wait3A_58 = tpu.memref_slice %arg2[%dma_wait3A_56, %dma_wait3A_57] : memref<10240x128xf32, #tpu.memory_space<hbm>> -> memref<10240x128xf32, #tpu.memory_space<hbm>>
        tpu.wait_indirect_dma semaphore(%arg13 : memref<!tpu.dma_semaphore, #tpu.memory_space<semaphore_mem>>) src(%dma_wait3A_58 : memref<10240x128xf32, #tpu.memory_space<hbm>>) dst(%arg10 : memref<128x128xf32, #tpu.memory_space<vmem>>)
        "tpu.region"() ({
          %run_scoped3A = tpu.sem_alloc : memref<!tpu.dma_semaphore, #tpu.memory_space<semaphore_mem>>
          %dma_start3A_59 = arith.constant 0 : i32
          %dma_start3A_60 = tpu.memref_slice %arg8[%add3A_45, %dma_start3A_59] : memref<40x128xi32, #tpu.memory_space<vmem>> -> memref<1x128xi32, #tpu.memory_space<vmem>>
          %dma_start3A_61 = tpu.memref_squeeze %dma_start3A_60 : memref<1x128xi32, #tpu.memory_space<vmem>> -> memref<128xi32, #tpu.memory_space<vmem>>
          %dma_start3A_62 = arith.constant 0 : i32
          %dma_start3A_63 = arith.constant 0 : i32
          %dma_start3A_64 = tpu.memref_slice %arg11[%dma_start3A_62, %dma_start3A_63] : memref<10240x128xf32, #tpu.memory_space<vmem_shared>> -> memref<10240x128xf32, #tpu.memory_space<vmem_shared>>
          tpu.enqueue_indirect_dma source(%arg10 : memref<128x128xf32, #tpu.memory_space<vmem>>) target(%dma_start3A_64 : memref<10240x128xf32, #tpu.memory_space<vmem_shared>>) offsets(%dma_start3A_61 : memref<128xi32, #tpu.memory_space<vmem>>) semaphore(%run_scoped3A : memref<!tpu.dma_semaphore, #tpu.memory_space<semaphore_mem>>) {add = true}
          %dma_wait3A_65 = arith.constant 0 : i32
          %dma_wait3A_66 = tpu.memref_slice %arg8[%add3A_45, %dma_wait3A_65] : memref<40x128xi32, #tpu.memory_space<vmem>> -> memref<1x128xi32, #tpu.memory_space<vmem>>
          %dma_wait3A_67 = tpu.memref_squeeze %dma_wait3A_66 : memref<1x128xi32, #tpu.memory_space<vmem>> -> memref<128xi32, #tpu.memory_space<vmem>>
          %dma_wait3A_68 = arith.constant 0 : i32
          %dma_wait3A_69 = arith.constant 0 : i32
          %dma_wait3A_70 = tpu.memref_slice %arg11[%dma_wait3A_68, %dma_wait3A_69] : memref<10240x128xf32, #tpu.memory_space<vmem_shared>> -> memref<10240x128xf32, #tpu.memory_space<vmem_shared>>
          tpu.wait_indirect_dma semaphore(%run_scoped3A : memref<!tpu.dma_semaphore, #tpu.memory_space<semaphore_mem>>) src(%arg10 : memref<128x128xf32, #tpu.memory_space<vmem>>) dst(%dma_wait3A_70 : memref<10240x128xf32, #tpu.memory_space<vmem_shared>>)
          tpu.yield
        }) : () -> ()
      }
      %scan3A_27 = arith.constant 20 : i32
    } else {
    }
    %barrier3A_8 = arith.constant 0 : index
    tpu.barrier barrier_id(%barrier3A_8)
    %mul3A_9 = arith.constant 640 : i32
    %mul3A_10 = arith.muli %arg1, %mul3A_9 : i32
    %mul3A_11 = arith.constant 640 : i32
    %mul3A_12 = arith.muli %arg1, %mul3A_11 : i32
    "tpu.region"() ({
      %run_scoped3A = tpu.sem_alloc : memref<!tpu.dma_semaphore, #tpu.memory_space<semaphore_mem>>
      %dma_start3A = arith.constant 0 : i32
      %dma_start3A_13 = tpu.memref_slice %arg6[%arg0, %mul3A_12, %dma_start3A] : memref<2x10240x128xf32, #tpu.memory_space<hbm>> -> memref<1x640x128xf32, #tpu.memory_space<hbm>>
      %dma_start3A_14 = tpu.memref_squeeze %dma_start3A_13 : memref<1x640x128xf32, #tpu.memory_space<hbm>> -> memref<640x128xf32, #tpu.memory_space<hbm>>
      %dma_start3A_15 = arith.constant 0 : i32
      %dma_start3A_16 = tpu.memref_slice %arg11[%mul3A_10, %dma_start3A_15] : memref<10240x128xf32, #tpu.memory_space<vmem_shared>> -> memref<640x128xf32, #tpu.memory_space<vmem_shared>>
      tpu.enqueue_dma source(%dma_start3A_16 : memref<640x128xf32, #tpu.memory_space<vmem_shared>>) target(%dma_start3A_14 : memref<640x128xf32, #tpu.memory_space<hbm>>) target_semaphore(%run_scoped3A : memref<!tpu.dma_semaphore, #tpu.memory_space<semaphore_mem>>)
      %dma_wait3A = arith.constant 0 : i32
      %dma_wait3A_17 = tpu.memref_slice %arg6[%arg0, %mul3A_12, %dma_wait3A] : memref<2x10240x128xf32, #tpu.memory_space<hbm>> -> memref<1x640x128xf32, #tpu.memory_space<hbm>>
      %dma_wait3A_18 = tpu.memref_squeeze %dma_wait3A_17 : memref<1x640x128xf32, #tpu.memory_space<hbm>> -> memref<640x128xf32, #tpu.memory_space<hbm>>
      %dma_wait3A_19 = arith.constant 0 : i32
      %dma_wait3A_20 = tpu.memref_slice %arg11[%mul3A_10, %dma_wait3A_19] : memref<10240x128xf32, #tpu.memory_space<vmem_shared>> -> memref<640x128xf32, #tpu.memory_space<vmem_shared>>
      tpu.wait_dma2 semaphore(%run_scoped3A : memref<!tpu.dma_semaphore, #tpu.memory_space<semaphore_mem>>) src(%dma_wait3A_20 : memref<640x128xf32, #tpu.memory_space<vmem_shared>>) dst(%dma_wait3A_18 : memref<640x128xf32, #tpu.memory_space<hbm>>)
      tpu.yield
    }) : () -> ()
    return
  }
}

module attributes {stable_mosaic.version = 14 : i64} {
  func.func @_tc_pre_body(%arg0: i32, %arg1: memref<2048x128xf32, #tpu.memory_space<vmem>>, %arg2: memref<128x128xf32, #tpu.memory_space<vmem>>, %arg3: memref<32x2048xf32, #tpu.memory_space<vmem>>, %arg4: memref<2048x128xf32, #tpu.memory_space<vmem>>, %arg5: memref<2048x1xf32, #tpu.memory_space<vmem>>) attributes {dimension_semantics = [#tpu.dimension_semantics<arbitrary>], iteration_bounds = array<i64: 5>, scalar_prefetch = 0 : i64, scratch_operands = 0 : i64, tpu.core_type = #tpu.core_type<tc>, window_params = [{transform_indices = @transform_0, window_bounds = array<i64: 2048, 128>}, {pipeline_mode = #tpu.pipeline_mode<synchronous>, transform_indices = @transform_1, window_bounds = array<i64: 128, 128>}, {transform_indices = @transform_2, window_bounds = array<i64: 32, 2048>}, {transform_indices = @transform_3, window_bounds = array<i64: 2048, 128>}, {transform_indices = @transform_4, window_bounds = array<i64: 2048, 1>}]} {
    %get3A = arith.constant 0 : index
    %get3A_0 = arith.constant 0 : index
    %get3A_1 = vector.load %arg3[%get3A, %get3A_0] : memref<32x2048xf32, #tpu.memory_space<vmem>>, vector<32x2048xf32>
    %reduce_sum3A = arith.constant dense<0.000000e+00> : vector<2048xf32>
    %reduce_sum3A_2 = vector.multi_reduction <add>, %get3A_1, %reduce_sum3A [0] : vector<32x2048xf32> to vector<2048xf32>
    %broadcast_in_dim3A = vector.shape_cast %reduce_sum3A_2 : vector<2048xf32> to vector<1x2048xf32>
    %add3A = arith.constant 1.000000e+00 : f32
    %add3A_3 = vector.broadcast %add3A : f32 to vector<1x2048xf32>
    %add3A_4 = arith.addf %add3A_3, %broadcast_in_dim3A : vector<1x2048xf32>
    %rsqrt3A = math.rsqrt %add3A_4 : vector<1x2048xf32>
    %reshape3A = vector.shape_cast %rsqrt3A : vector<1x2048xf32> to vector<2048x1xf32>
    %get3A_5 = arith.constant 0 : index
    %get3A_6 = arith.constant 0 : index
    %get3A_7 = vector.load %arg1[%get3A_5, %get3A_6] : memref<2048x128xf32, #tpu.memory_space<vmem>>, vector<2048x128xf32>
    %get3A_8 = arith.constant 0 : index
    %get3A_9 = arith.constant 0 : index
    %get3A_10 = vector.load %arg2[%get3A_8, %get3A_9] : memref<128x128xf32, #tpu.memory_space<vmem>>, vector<128x128xf32>
    %dot_general3A = arith.constant dense<0.000000e+00> : vector<2048x128xf32>
    %dot_general3A_11 = tpu.matmul %get3A_7, %get3A_10, %dot_general3A {dimension_numbers = #tpu.dot_dimension_numbers<[1], [0], [0], [1], [0, 0, 1, 1], [], []>, precision = #tpu.contract_precision<fp32>, transpose_lhs_hint = false} : vector<2048x128xf32>, vector<128x128xf32>, vector<2048x128xf32> -> vector<2048x128xf32>
    %mul3A = vector.broadcast %reshape3A : vector<2048x1xf32> to vector<2048x128xf32>
    %mul3A_12 = arith.mulf %dot_general3A_11, %mul3A : vector<2048x128xf32>
    %swap3A = arith.constant 0 : index
    %swap3A_13 = arith.constant 0 : index
    %swap3A_14 = vector.load %arg4[%swap3A, %swap3A_13] : memref<2048x128xf32, #tpu.memory_space<vmem>>, vector<2048x128xf32>
    tpu.vector_store %arg4[%swap3A, %swap3A_13], %mul3A_12 {strides = array<i32>} : memref<2048x128xf32, #tpu.memory_space<vmem>>, vector<2048x128xf32>,
    %swap3A_15 = arith.constant 0 : index
    %swap3A_16 = arith.constant 0 : index
    %swap3A_17 = vector.load %arg5[%swap3A_15, %swap3A_16] : memref<2048x1xf32, #tpu.memory_space<vmem>>, vector<2048x1xf32>
    tpu.vector_store %arg5[%swap3A_15, %swap3A_16], %reshape3A {strides = array<i32>} : memref<2048x1xf32, #tpu.memory_space<vmem>>, vector<2048x1xf32>,
    return
  }
  func.func @transform_0(%arg0: i32) -> (i32, i32) {
    %c0_i32 = arith.constant 0 : i32
    %c0_i32_0 = arith.constant 0 : i32
    return %arg0, %c0_i32 : i32, i32
  }
  func.func @transform_1(%arg0: i32) -> (i32, i32) {
    %c0_i32 = arith.constant 0 : i32
    %c0_i32_0 = arith.constant 0 : i32
    %c0_i32_1 = arith.constant 0 : i32
    return %c0_i32, %c0_i32_0 : i32, i32
  }
  func.func @transform_2(%arg0: i32) -> (i32, i32) {
    %c0_i32 = arith.constant 0 : i32
    %c0_i32_0 = arith.constant 0 : i32
    return %c0_i32, %arg0 : i32, i32
  }
  func.func @transform_3(%arg0: i32) -> (i32, i32) {
    %c0_i32 = arith.constant 0 : i32
    %c0_i32_0 = arith.constant 0 : i32
    return %arg0, %c0_i32 : i32, i32
  }
  func.func @transform_4(%arg0: i32) -> (i32, i32) {
    %c0_i32 = arith.constant 0 : i32
    %c0_i32_0 = arith.constant 0 : i32
    return %arg0, %c0_i32 : i32, i32
  }
}

module attributes {stable_mosaic.version = 14 : i64} {
  func.func @_tc_mid_body(%arg0: i32, %arg1: memref<2x2048x128xf32, #tpu.memory_space<vmem>>, %arg2: memref<2048x128xf32, #tpu.memory_space<vmem>>, %arg3: memref<2048x128xf32, #tpu.memory_space<vmem>>, %arg4: memref<2048x1xf32, #tpu.memory_space<vmem>>, %arg5: memref<1x128xf32, #tpu.memory_space<vmem>>, %arg6: memref<1x128xf32, #tpu.memory_space<vmem>>, %arg7: memref<1x128xf32, #tpu.memory_space<vmem>>, %arg8: memref<128x128xf32, #tpu.memory_space<vmem>>, %arg9: memref<2048x128xf32, #tpu.memory_space<vmem>>, %arg10: memref<2048x128xf32, #tpu.memory_space<vmem>>) attributes {dimension_semantics = [#tpu.dimension_semantics<arbitrary>], iteration_bounds = array<i64: 5>, scalar_prefetch = 0 : i64, scratch_operands = 0 : i64, tpu.core_type = #tpu.core_type<tc>, window_params = [{transform_indices = @transform_0, window_bounds = array<i64: 2, 2048, 128>}, {transform_indices = @transform_1, window_bounds = array<i64: 2048, 128>}, {transform_indices = @transform_2, window_bounds = array<i64: 2048, 128>}, {transform_indices = @transform_3, window_bounds = array<i64: 2048, 1>}, {pipeline_mode = #tpu.pipeline_mode<synchronous>, transform_indices = @transform_4, window_bounds = array<i64: 1, 128>}, {pipeline_mode = #tpu.pipeline_mode<synchronous>, transform_indices = @transform_5, window_bounds = array<i64: 1, 128>}, {pipeline_mode = #tpu.pipeline_mode<synchronous>, transform_indices = @transform_6, window_bounds = array<i64: 1, 128>}, {pipeline_mode = #tpu.pipeline_mode<synchronous>, transform_indices = @transform_7, window_bounds = array<i64: 128, 128>}, {transform_indices = @transform_8, window_bounds = array<i64: 2048, 128>}, {transform_indices = @transform_9, window_bounds = array<i64: 2048, 128>}]} {
    %get3A = arith.constant 0 : index
    %get3A_0 = arith.constant 0 : index
    %get3A_1 = arith.constant 0 : index
    %get3A_2 = vector.load %arg1[%get3A, %get3A_0, %get3A_1] : memref<2x2048x128xf32, #tpu.memory_space<vmem>>, vector<2x2048x128xf32>
    %get3A_3 = arith.constant 0 : index
    %get3A_4 = arith.constant 0 : index
    %get3A_5 = vector.load %arg2[%get3A_3, %get3A_4] : memref<2048x128xf32, #tpu.memory_space<vmem>>, vector<2048x128xf32>
    %get3A_6 = arith.constant 0 : index
    %get3A_7 = arith.constant 0 : index
    %get3A_8 = vector.load %arg4[%get3A_6, %get3A_7] : memref<2048x1xf32, #tpu.memory_space<vmem>>, vector<2048x1xf32>
    %get3A_9 = arith.constant 0 : index
    %get3A_10 = arith.constant 0 : index
    %get3A_11 = vector.load %arg5[%get3A_9, %get3A_10] : memref<1x128xf32, #tpu.memory_space<vmem>>, vector<1x128xf32>
    %get3A_12 = arith.constant 0 : index
    %get3A_13 = arith.constant 0 : index
    %get3A_14 = vector.load %arg6[%get3A_12, %get3A_13] : memref<1x128xf32, #tpu.memory_space<vmem>>, vector<1x128xf32>
    %get3A_15 = arith.constant 0 : index
    %get3A_16 = arith.constant 0 : index
    %get3A_17 = vector.load %arg7[%get3A_15, %get3A_16] : memref<1x128xf32, #tpu.memory_space<vmem>>, vector<1x128xf32>
    %get3A_18 = arith.constant 0 : index
    %get3A_19 = arith.constant 0 : index
    %get3A_20 = vector.load %arg3[%get3A_18, %get3A_19] : memref<2048x128xf32, #tpu.memory_space<vmem>>, vector<2048x128xf32>
    %slice3A = vector.extract_strided_slice %get3A_2 {offsets = [0, 0, 0], sizes = [1, 2048, 128], strides = [1, 1, 1]} : vector<2x2048x128xf32> to vector<1x2048x128xf32>
    %squeeze3A = vector.shape_cast %slice3A : vector<1x2048x128xf32> to vector<2048x128xf32>
    %slice3A_21 = vector.extract_strided_slice %get3A_2 {offsets = [1, 0, 0], sizes = [1, 2048, 128], strides = [1, 1, 1]} : vector<2x2048x128xf32> to vector<1x2048x128xf32>
    %squeeze3A_22 = vector.shape_cast %slice3A_21 : vector<1x2048x128xf32> to vector<2048x128xf32>
    %add3A = arith.addf %squeeze3A, %squeeze3A_22 : vector<2048x128xf32>
    %add3A_23 = arith.addf %add3A, %get3A_5 : vector<2048x128xf32>
    %mul3A = vector.broadcast %get3A_8 : vector<2048x1xf32> to vector<2048x128xf32>
    %mul3A_24 = arith.mulf %add3A_23, %mul3A : vector<2048x128xf32>
    %add3A_25 = vector.broadcast %get3A_11 : vector<1x128xf32> to vector<2048x128xf32>
    %add3A_26 = arith.addf %mul3A_24, %add3A_25 : vector<2048x128xf32>
    %reduce_sum3A = arith.constant dense<0.000000e+00> : vector<2048xf32>
    %reduce_sum3A_27 = vector.multi_reduction <add>, %add3A_26, %reduce_sum3A [1] : vector<2048x128xf32> to vector<2048xf32>
    %broadcast_in_dim3A = vector.shape_cast %reduce_sum3A_27 : vector<2048xf32> to vector<2048x1xf32>
    %div3A = arith.constant 1.280000e+02 : f32
    %div3A_28 = vector.broadcast %div3A : f32 to vector<2048x1xf32>
    %div3A_29 = arith.divf %broadcast_in_dim3A, %div3A_28 : vector<2048x1xf32>
    %sub3A = vector.broadcast %div3A_29 : vector<2048x1xf32> to vector<2048x128xf32>
    %sub3A_30 = arith.subf %add3A_26, %sub3A : vector<2048x128xf32>
    %mul3A_31 = arith.mulf %sub3A_30, %sub3A_30 : vector<2048x128xf32>
    %reduce_sum3A_32 = arith.constant dense<0.000000e+00> : vector<2048xf32>
    %reduce_sum3A_33 = vector.multi_reduction <add>, %mul3A_31, %reduce_sum3A_32 [1] : vector<2048x128xf32> to vector<2048xf32>
    %broadcast_in_dim3A_34 = vector.shape_cast %reduce_sum3A_33 : vector<2048xf32> to vector<2048x1xf32>
    %div3A_35 = arith.constant 1.280000e+02 : f32
    %div3A_36 = vector.broadcast %div3A_35 : f32 to vector<2048x1xf32>
    %div3A_37 = arith.divf %broadcast_in_dim3A_34, %div3A_36 : vector<2048x1xf32>
    %add3A_38 = arith.constant 9.99999974E-6 : f32
    %add3A_39 = vector.broadcast %add3A_38 : f32 to vector<2048x1xf32>
    %add3A_40 = arith.addf %div3A_37, %add3A_39 : vector<2048x1xf32>
    %rsqrt3A = math.rsqrt %add3A_40 : vector<2048x1xf32>
    %mul3A_41 = vector.broadcast %rsqrt3A : vector<2048x1xf32> to vector<2048x128xf32>
    %mul3A_42 = arith.mulf %sub3A_30, %mul3A_41 : vector<2048x128xf32>
    %mul3A_43 = vector.broadcast %get3A_14 : vector<1x128xf32> to vector<2048x128xf32>
    %mul3A_44 = arith.mulf %mul3A_42, %mul3A_43 : vector<2048x128xf32>
    %add3A_45 = vector.broadcast %get3A_17 : vector<1x128xf32> to vector<2048x128xf32>
    %add3A_46 = arith.addf %mul3A_44, %add3A_45 : vector<2048x128xf32>
    %gt3A = arith.constant 0.000000e+00 : f32
    %gt3A_47 = vector.broadcast %gt3A : f32 to vector<2048x128xf32>
    %gt3A_48 = arith.cmpf ogt, %add3A_46, %gt3A_47 : vector<2048x128xf32>
    %min3A = arith.constant 0.000000e+00 : f32
    %min3A_49 = vector.broadcast %min3A : f32 to vector<2048x128xf32>
    %min3A_50 = arith.minimumf %add3A_46, %min3A_49 : vector<2048x128xf32>
    %exp3A = math.exp %min3A_50 : vector<2048x128xf32>
    %sub3A_51 = arith.constant 1.000000e+00 : f32
    %sub3A_52 = vector.broadcast %sub3A_51 : f32 to vector<2048x128xf32>
    %sub3A_53 = arith.subf %exp3A, %sub3A_52 : vector<2048x128xf32>
    %select_n3A = arith.select %gt3A_48, %add3A_46, %sub3A_53 : vector<2048x128xi1>, vector<2048x128xf32>
    %add3A_54 = arith.addf %select_n3A, %get3A_20 : vector<2048x128xf32>
    %swap3A = arith.constant 0 : index
    %swap3A_55 = arith.constant 0 : index
    %swap3A_56 = vector.load %arg9[%swap3A, %swap3A_55] : memref<2048x128xf32, #tpu.memory_space<vmem>>, vector<2048x128xf32>
    tpu.vector_store %arg9[%swap3A, %swap3A_55], %add3A_54 {strides = array<i32>} : memref<2048x128xf32, #tpu.memory_space<vmem>>, vector<2048x128xf32>,
    %get3A_57 = arith.constant 0 : index
    %get3A_58 = arith.constant 0 : index
    %get3A_59 = vector.load %arg8[%get3A_57, %get3A_58] : memref<128x128xf32, #tpu.memory_space<vmem>>, vector<128x128xf32>
    %dot_general3A = arith.constant dense<0.000000e+00> : vector<2048x128xf32>
    %dot_general3A_60 = tpu.matmul %add3A_54, %get3A_59, %dot_general3A {dimension_numbers = #tpu.dot_dimension_numbers<[1], [0], [0], [1], [0, 0, 1, 1], [], []>, precision = #tpu.contract_precision<fp32>, transpose_lhs_hint = false} : vector<2048x128xf32>, vector<128x128xf32>, vector<2048x128xf32> -> vector<2048x128xf32>
    %get3A_61 = arith.constant 0 : index
    %get3A_62 = arith.constant 0 : index
    %get3A_63 = vector.load %arg4[%get3A_61, %get3A_62] : memref<2048x1xf32, #tpu.memory_space<vmem>>, vector<2048x1xf32>
    %mul3A_64 = vector.broadcast %get3A_63 : vector<2048x1xf32> to vector<2048x128xf32>
    %mul3A_65 = arith.mulf %dot_general3A_60, %mul3A_64 : vector<2048x128xf32>
    %swap3A_66 = arith.constant 0 : index
    %swap3A_67 = arith.constant 0 : index
    %swap3A_68 = vector.load %arg10[%swap3A_66, %swap3A_67] : memref<2048x128xf32, #tpu.memory_space<vmem>>, vector<2048x128xf32>
    tpu.vector_store %arg10[%swap3A_66, %swap3A_67], %mul3A_65 {strides = array<i32>} : memref<2048x128xf32, #tpu.memory_space<vmem>>, vector<2048x128xf32>,
    return
  }
  func.func @transform_0(%arg0: i32) -> (i32, i32, i32) {
    %c0_i32 = arith.constant 0 : i32
    %c0_i32_0 = arith.constant 0 : i32
    %c0_i32_1 = arith.constant 0 : i32
    return %c0_i32, %arg0, %c0_i32_0 : i32, i32, i32
  }
  func.func @transform_1(%arg0: i32) -> (i32, i32) {
    %c0_i32 = arith.constant 0 : i32
    %c0_i32_0 = arith.constant 0 : i32
    return %arg0, %c0_i32 : i32, i32
  }
  func.func @transform_2(%arg0: i32) -> (i32, i32) {
    %c0_i32 = arith.constant 0 : i32
    %c0_i32_0 = arith.constant 0 : i32
    return %arg0, %c0_i32 : i32, i32
  }
  func.func @transform_3(%arg0: i32) -> (i32, i32) {
    %c0_i32 = arith.constant 0 : i32
    %c0_i32_0 = arith.constant 0 : i32
    return %arg0, %c0_i32 : i32, i32
  }
  func.func @transform_4(%arg0: i32) -> (i32, i32) {
    %c0_i32 = arith.constant 0 : i32
    %c0_i32_0 = arith.constant 0 : i32
    %c0_i32_1 = arith.constant 0 : i32
    return %c0_i32, %c0_i32_0 : i32, i32
  }
  func.func @transform_5(%arg0: i32) -> (i32, i32) {
    %c0_i32 = arith.constant 0 : i32
    %c0_i32_0 = arith.constant 0 : i32
    %c0_i32_1 = arith.constant 0 : i32
    return %c0_i32, %c0_i32_0 : i32, i32
  }
  func.func @transform_6(%arg0: i32) -> (i32, i32) {
    %c0_i32 = arith.constant 0 : i32
    %c0_i32_0 = arith.constant 0 : i32
    %c0_i32_1 = arith.constant 0 : i32
    return %c0_i32, %c0_i32_0 : i32, i32
  }
  func.func @transform_7(%arg0: i32) -> (i32, i32) {
    %c0_i32 = arith.constant 0 : i32
    %c0_i32_0 = arith.constant 0 : i32
    %c0_i32_1 = arith.constant 0 : i32
    return %c0_i32, %c0_i32_0 : i32, i32
  }
  func.func @transform_8(%arg0: i32) -> (i32, i32) {
    %c0_i32 = arith.constant 0 : i32
    %c0_i32_0 = arith.constant 0 : i32
    return %arg0, %c0_i32 : i32, i32
  }
  func.func @transform_9(%arg0: i32) -> (i32, i32) {
    %c0_i32 = arith.constant 0 : i32
    %c0_i32_0 = arith.constant 0 : i32
    return %arg0, %c0_i32 : i32, i32
  }
}

module attributes {stable_mosaic.version = 14 : i64} {
  func.func @_tc_post_body(%arg0: i32, %arg1: memref<2x2048x128xf32, #tpu.memory_space<vmem>>, %arg2: memref<2048x128xf32, #tpu.memory_space<vmem>>, %arg3: memref<2048x128xf32, #tpu.memory_space<vmem>>, %arg4: memref<2048x1xf32, #tpu.memory_space<vmem>>, %arg5: memref<1x128xf32, #tpu.memory_space<vmem>>, %arg6: memref<1x128xf32, #tpu.memory_space<vmem>>, %arg7: memref<1x128xf32, #tpu.memory_space<vmem>>, %arg8: memref<2048x128xf32, #tpu.memory_space<vmem>>) attributes {dimension_semantics = [#tpu.dimension_semantics<arbitrary>], iteration_bounds = array<i64: 5>, scalar_prefetch = 0 : i64, scratch_operands = 0 : i64, tpu.core_type = #tpu.core_type<tc>, window_params = [{transform_indices = @transform_0, window_bounds = array<i64: 2, 2048, 128>}, {transform_indices = @transform_1, window_bounds = array<i64: 2048, 128>}, {transform_indices = @transform_2, window_bounds = array<i64: 2048, 128>}, {transform_indices = @transform_3, window_bounds = array<i64: 2048, 1>}, {pipeline_mode = #tpu.pipeline_mode<synchronous>, transform_indices = @transform_4, window_bounds = array<i64: 1, 128>}, {pipeline_mode = #tpu.pipeline_mode<synchronous>, transform_indices = @transform_5, window_bounds = array<i64: 1, 128>}, {pipeline_mode = #tpu.pipeline_mode<synchronous>, transform_indices = @transform_6, window_bounds = array<i64: 1, 128>}, {transform_indices = @transform_7, window_bounds = array<i64: 2048, 128>}]} {
    %get3A = arith.constant 0 : index
    %get3A_0 = arith.constant 0 : index
    %get3A_1 = arith.constant 0 : index
    %get3A_2 = vector.load %arg1[%get3A, %get3A_0, %get3A_1] : memref<2x2048x128xf32, #tpu.memory_space<vmem>>, vector<2x2048x128xf32>
    %get3A_3 = arith.constant 0 : index
    %get3A_4 = arith.constant 0 : index
    %get3A_5 = vector.load %arg2[%get3A_3, %get3A_4] : memref<2048x128xf32, #tpu.memory_space<vmem>>, vector<2048x128xf32>
    %get3A_6 = arith.constant 0 : index
    %get3A_7 = arith.constant 0 : index
    %get3A_8 = vector.load %arg4[%get3A_6, %get3A_7] : memref<2048x1xf32, #tpu.memory_space<vmem>>, vector<2048x1xf32>
    %get3A_9 = arith.constant 0 : index
    %get3A_10 = arith.constant 0 : index
    %get3A_11 = vector.load %arg5[%get3A_9, %get3A_10] : memref<1x128xf32, #tpu.memory_space<vmem>>, vector<1x128xf32>
    %get3A_12 = arith.constant 0 : index
    %get3A_13 = arith.constant 0 : index
    %get3A_14 = vector.load %arg6[%get3A_12, %get3A_13] : memref<1x128xf32, #tpu.memory_space<vmem>>, vector<1x128xf32>
    %get3A_15 = arith.constant 0 : index
    %get3A_16 = arith.constant 0 : index
    %get3A_17 = vector.load %arg7[%get3A_15, %get3A_16] : memref<1x128xf32, #tpu.memory_space<vmem>>, vector<1x128xf32>
    %get3A_18 = arith.constant 0 : index
    %get3A_19 = arith.constant 0 : index
    %get3A_20 = vector.load %arg3[%get3A_18, %get3A_19] : memref<2048x128xf32, #tpu.memory_space<vmem>>, vector<2048x128xf32>
    %slice3A = vector.extract_strided_slice %get3A_2 {offsets = [0, 0, 0], sizes = [1, 2048, 128], strides = [1, 1, 1]} : vector<2x2048x128xf32> to vector<1x2048x128xf32>
    %squeeze3A = vector.shape_cast %slice3A : vector<1x2048x128xf32> to vector<2048x128xf32>
    %slice3A_21 = vector.extract_strided_slice %get3A_2 {offsets = [1, 0, 0], sizes = [1, 2048, 128], strides = [1, 1, 1]} : vector<2x2048x128xf32> to vector<1x2048x128xf32>
    %squeeze3A_22 = vector.shape_cast %slice3A_21 : vector<1x2048x128xf32> to vector<2048x128xf32>
    %add3A = arith.addf %squeeze3A, %squeeze3A_22 : vector<2048x128xf32>
    %add3A_23 = arith.addf %add3A, %get3A_5 : vector<2048x128xf32>
    %mul3A = vector.broadcast %get3A_8 : vector<2048x1xf32> to vector<2048x128xf32>
    %mul3A_24 = arith.mulf %add3A_23, %mul3A : vector<2048x128xf32>
    %add3A_25 = vector.broadcast %get3A_11 : vector<1x128xf32> to vector<2048x128xf32>
    %add3A_26 = arith.addf %mul3A_24, %add3A_25 : vector<2048x128xf32>
    %reduce_sum3A = arith.constant dense<0.000000e+00> : vector<2048xf32>
    %reduce_sum3A_27 = vector.multi_reduction <add>, %add3A_26, %reduce_sum3A [1] : vector<2048x128xf32> to vector<2048xf32>
    %broadcast_in_dim3A = vector.shape_cast %reduce_sum3A_27 : vector<2048xf32> to vector<2048x1xf32>
    %div3A = arith.constant 1.280000e+02 : f32
    %div3A_28 = vector.broadcast %div3A : f32 to vector<2048x1xf32>
    %div3A_29 = arith.divf %broadcast_in_dim3A, %div3A_28 : vector<2048x1xf32>
    %sub3A = vector.broadcast %div3A_29 : vector<2048x1xf32> to vector<2048x128xf32>
    %sub3A_30 = arith.subf %add3A_26, %sub3A : vector<2048x128xf32>
    %mul3A_31 = arith.mulf %sub3A_30, %sub3A_30 : vector<2048x128xf32>
    %reduce_sum3A_32 = arith.constant dense<0.000000e+00> : vector<2048xf32>
    %reduce_sum3A_33 = vector.multi_reduction <add>, %mul3A_31, %reduce_sum3A_32 [1] : vector<2048x128xf32> to vector<2048xf32>
    %broadcast_in_dim3A_34 = vector.shape_cast %reduce_sum3A_33 : vector<2048xf32> to vector<2048x1xf32>
    %div3A_35 = arith.constant 1.280000e+02 : f32
    %div3A_36 = vector.broadcast %div3A_35 : f32 to vector<2048x1xf32>
    %div3A_37 = arith.divf %broadcast_in_dim3A_34, %div3A_36 : vector<2048x1xf32>
    %add3A_38 = arith.constant 9.99999974E-6 : f32
    %add3A_39 = vector.broadcast %add3A_38 : f32 to vector<2048x1xf32>
    %add3A_40 = arith.addf %div3A_37, %add3A_39 : vector<2048x1xf32>
    %rsqrt3A = math.rsqrt %add3A_40 : vector<2048x1xf32>
    %mul3A_41 = vector.broadcast %rsqrt3A : vector<2048x1xf32> to vector<2048x128xf32>
    %mul3A_42 = arith.mulf %sub3A_30, %mul3A_41 : vector<2048x128xf32>
    %mul3A_43 = vector.broadcast %get3A_14 : vector<1x128xf32> to vector<2048x128xf32>
    %mul3A_44 = arith.mulf %mul3A_42, %mul3A_43 : vector<2048x128xf32>
    %add3A_45 = vector.broadcast %get3A_17 : vector<1x128xf32> to vector<2048x128xf32>
    %add3A_46 = arith.addf %mul3A_44, %add3A_45 : vector<2048x128xf32>
    %gt3A = arith.constant 0.000000e+00 : f32
    %gt3A_47 = vector.broadcast %gt3A : f32 to vector<2048x128xf32>
    %gt3A_48 = arith.cmpf ogt, %add3A_46, %gt3A_47 : vector<2048x128xf32>
    %min3A = arith.constant 0.000000e+00 : f32
    %min3A_49 = vector.broadcast %min3A : f32 to vector<2048x128xf32>
    %min3A_50 = arith.minimumf %add3A_46, %min3A_49 : vector<2048x128xf32>
    %exp3A = math.exp %min3A_50 : vector<2048x128xf32>
    %sub3A_51 = arith.constant 1.000000e+00 : f32
    %sub3A_52 = vector.broadcast %sub3A_51 : f32 to vector<2048x128xf32>
    %sub3A_53 = arith.subf %exp3A, %sub3A_52 : vector<2048x128xf32>
    %select_n3A = arith.select %gt3A_48, %add3A_46, %sub3A_53 : vector<2048x128xi1>, vector<2048x128xf32>
    %add3A_54 = arith.addf %select_n3A, %get3A_20 : vector<2048x128xf32>
    %swap3A = arith.constant 0 : index
    %swap3A_55 = arith.constant 0 : index
    %swap3A_56 = vector.load %arg8[%swap3A, %swap3A_55] : memref<2048x128xf32, #tpu.memory_space<vmem>>, vector<2048x128xf32>
    tpu.vector_store %arg8[%swap3A, %swap3A_55], %add3A_54 {strides = array<i32>} : memref<2048x128xf32, #tpu.memory_space<vmem>>, vector<2048x128xf32>,
    return
  }
  func.func @transform_0(%arg0: i32) -> (i32, i32, i32) {
    %c0_i32 = arith.constant 0 : i32
    %c0_i32_0 = arith.constant 0 : i32
    %c0_i32_1 = arith.constant 0 : i32
    return %c0_i32, %arg0, %c0_i32_0 : i32, i32, i32
  }
  func.func @transform_1(%arg0: i32) -> (i32, i32) {
    %c0_i32 = arith.constant 0 : i32
    %c0_i32_0 = arith.constant 0 : i32
    return %arg0, %c0_i32 : i32, i32
  }
  func.func @transform_2(%arg0: i32) -> (i32, i32) {
    %c0_i32 = arith.constant 0 : i32
    %c0_i32_0 = arith.constant 0 : i32
    return %arg0, %c0_i32 : i32, i32
  }
  func.func @transform_3(%arg0: i32) -> (i32, i32) {
    %c0_i32 = arith.constant 0 : i32
    %c0_i32_0 = arith.constant 0 : i32
    return %arg0, %c0_i32 : i32, i32
  }
  func.func @transform_4(%arg0: i32) -> (i32, i32) {
    %c0_i32 = arith.constant 0 : i32
    %c0_i32_0 = arith.constant 0 : i32
    %c0_i32_1 = arith.constant 0 : i32
    return %c0_i32, %c0_i32_0 : i32, i32
  }
  func.func @transform_5(%arg0: i32) -> (i32, i32) {
    %c0_i32 = arith.constant 0 : i32
    %c0_i32_0 = arith.constant 0 : i32
    %c0_i32_1 = arith.constant 0 : i32
    return %c0_i32, %c0_i32_0 : i32, i32
  }
  func.func @transform_6(%arg0: i32) -> (i32, i32) {
    %c0_i32 = arith.constant 0 : i32
    %c0_i32_0 = arith.constant 0 : i32
    %c0_i32_1 = arith.constant 0 : i32
    return %c0_i32, %c0_i32_0 : i32, i32
  }
  func.func @transform_7(%arg0: i32) -> (i32, i32) {
    %c0_i32 = arith.constant 0 : i32
    %c0_i32_0 = arith.constant 0 : i32
    return %arg0, %c0_i32 : i32, i32
  }
}

</mosaic_0001>

<sc_bundles>
// kernel: kernel.11.cloned.1.call-start
scs
__scs_entry_jumppad:
0x0: {  	(pc) =	sbr.rel $0x88, $3  }
0x1: {  	(tag) =	ssettag $0x0;
	lr =	simm.s32 $0x1  }
0x2: {  	[smem:$0x3F97] =	sst lr;
	_ =	strace $0xD0000000  }
0x3: {  	_ = 	snop  }
0x4: {  	_ = 	snop  }
0x5: {  	_ = 	snop  }
0x6: {  	_ = 	snop  }
0x7: {  	_ = 	snop  }
__scs_overlays_trampoline_lowered:
0x8: {  	[smem:$0x3FA6] =	sst s0  }
0x9: {  	[smem:$0x3FA7] =	sst s1  }
0xa: {  	[smem:$0x3FA8] =	sst s2  }
0xb: {  	[smem:$0x3FA9] =	sst s3  }
0xc: {  	[smem:$0x3FAA] =	sst s4  }
0xd: {  	[smem:$0x3FAB] =	sst s5  }
0xe: {  	[smem:$0x3FAC] =	sst s6  }
0xf: {  	[smem:$0x3FAD] =	sst s7  }
0x10: {  	[smem:$0x3FAE] =	sst s8  }
0x11: {  	[smem:$0x3FAF] =	sst s9;
	s0 =	simm.s32 @!p0 $0x0  }
0x12: {  	s1 =	sld [smem:$0x3F95];
	s0 =	simm.s32 @p0 $0x1  }
0x13: {  	[smem:$0x3FB0] =	sst s0;
	s0 =	simm.s32 @!p1 $0x0  }
0x14: {  	s2 =	sld [smem:$0x3F94];
	s0 =	simm.s32 @p1 $0x1  }
0x15: {  	[smem:$0x3FB1] =	sst s0;
	s0 =	simm.s32 @!p2 $0x0  }
0x16: {  	s3 =	sld [smem:$0x3FDB];
	s0 =	simm.s32 @p2 $0x1  }
0x17: {  	s4 =	simm.s32 $0x1BF5;
	[smem:$0x3FB3] =	sst s0  }
0x18: {  	s0 =	sld [smem:$0x3F96];
	_ =	swait.ge [sflag:s4], $0x0  }
0x19: {  	s7 =	sld [smem:$0x3F97]  }
0x1a: {  	s8 =	sadd.s32 $0xFFFFE003, lr  }
0x1b: {  	s9 =	sadd.s32 $0xFFFFFEF7, lr;
	s5 =	simm.s32 $0xFFFFFFFF;
	p2 =	slt.u32 s8, $0xFFFFF086  }
0x1c: {  	p1 =	slt.u32 s9, $0xF7A;
	s5 =	simm.s32 @!p2 $0x0  }
0x1d: {  	s5 =	simm.s32 @p1 $0x1;
	p0 =	seq.s32 s7, s2  }
0x1e: {  	s7 =	smul.u32 @!p0 $0xF7A, s2;
	p2 =	seq.s32 @!p0 s5, $0x0  }
0x1f: {  	s9 =	smul.u32 $0xF7A, s1;
	s8 =	simm.s32 @!p0 $0x1BF5;
	p2 =	por !p2, p0  }
0x20: {  	[sflag:s8] =	ssyncset.s32 @!p0 $0xFFFFF086;
	s6 =	sadd.s32 @!p0 s3, s7;
	s7 =	simm.s32 @!p0 $0x108  }
0x21: {  	s3 =	sadd.s32 s3, s9;
	s6 =	sadd.s32 @!p0 $0x88, s6;
	s7 =	simm.s32 @p2 $0x1082  }
0x22: {  	[simem:s7], [sflag:s8] =	dma.local @!p0 [hbm:s6], $0xF7A  }
0x23: {  	s9 =	sor.u32 $0xD0000000, s2;
	s6 =	simm.s32 $0x108;
	_ =	swait.ge @!p0 [sflag:s8], $0x0  }
0x24: {  	s3 =	sadd.s32 $0x88, s3;
	s6 =	simm.s32 @!p1 $0x1082;
	[sflag:s4] =	ssyncset.s32 $0xFFFFF086  }
0x25: {  	[simem:s6], [sflag:s4] =	dma.local [hbm:s3], $0xF7A  }
0x26: {  	[smem:$0x3F97] =	sst s1;
	(tag) =	ssettag s2;
	_ =	strace s9  }
0x27: {  	s1 =	sld [smem:$0x3FA7]  }
0x28: {  	s2 =	sld [smem:$0x3FA8]  }
0x29: {  	s4 =	sld [smem:$0x3FAA]  }
0x2a: {  	p0 =	seq.s32 s5, $0x0;
	s5 =	sld [smem:$0x3FAB]  }
0x2b: {  	s6 =	sld [smem:$0x3FAC]  }
0x2c: {  	s7 =	sld [smem:$0x3FAD]  }
0x2d: {  	s3 =	simm.s32 $0x108;
	s8 =	sld [smem:$0x3FAE]  }
0x2e: {  	s3 =	simm.s32 @!p0 $0x1082;
	s9 =	sld [smem:$0x3FAF]  }
0x2f: {  	lr =	sadd.s32 s0, s3;
	s0 =	sld [smem:$0x3FA6]  }
0x30: {  	s3 =	sld [smem:$0x3FA9]  }
0x31: {  	[smem:$0x3FB2] =	sst s10  }
0x32: {  	s10 =	sld [smem:$0x3FB0];
	_ =	sdelay $0x3  }
0x33: {  	p0 =	seq.s32 s10, $0x1;
	s10 =	sld [smem:$0x3FB2];
	_ =	sdelay $0x3  }
0x34: {  	[smem:$0x3FB2] =	sst s10  }
0x35: {  	s10 =	sld [smem:$0x3FB1];
	_ =	sdelay $0x3  }
0x36: {  	p1 =	seq.s32 s10, $0x1;
	s10 =	sld [smem:$0x3FB2];
	_ =	sdelay $0x3  }
0x37: {  	[smem:$0x3FB2] =	sst s10  }
0x38: {  	s10 =	sld [smem:$0x3FB3]  }
0x39: {  	_ = 	snop;
	(pc) =	sbr.ind lr, $3  }
0x3a: {  	_ = 	snop  }
0x3b: {  	_ = 	snop  }
0x3c: {  	p2 =	seq.s32 s10, $0x1;
	s10 =	sld [smem:$0x3FB2]  }
0x3d: {  	_ =	shalt  }
0x3e: {  	_ =	shalt  }
0x3f: {  	_ =	shalt  }
0x40: {  	_ =	shalt  }
0x41: {  	_ =	shalt  }
0x42: {  	_ =	shalt  }
0x43: {  	_ =	shalt  }
0x44: {  	_ =	shalt  }
0x45: {  	_ =	shalt  }
0x46: {  	_ =	shalt  }
0x47: {  	_ =	shalt  }
0x48: {  	_ =	shalt  }
0x49: {  	_ =	shalt  }
0x4a: {  	_ =	shalt  }
0x4b: {  	_ =	shalt  }
0x4c: {  	_ =	shalt  }
0x4d: {  	_ =	shalt  }
0x4e: {  	_ =	shalt  }
0x4f: {  	_ =	shalt  }
0x50: {  	_ =	shalt  }
0x51: {  	_ =	shalt  }
0x52: {  	_ =	shalt  }
0x53: {  	_ =	shalt  }
0x54: {  	_ =	shalt  }
0x55: {  	_ =	shalt  }
0x56: {  	_ =	shalt  }
0x57: {  	_ =	shalt  }
0x58: {  	_ =	shalt  }
0x59: {  	_ =	shalt  }
0x5a: {  	_ =	shalt  }
0x5b: {  	_ =	shalt  }
0x5c: {  	_ =	shalt  }
0x5d: {  	_ =	shalt  }
0x5e: {  	_ =	shalt  }
0x5f: {  	_ =	shalt  }
0x60: {  	_ =	shalt  }
0x61: {  	_ =	shalt  }
0x62: {  	_ =	shalt  }
0x63: {  	_ =	shalt  }
0x64: {  	_ =	shalt  }
0x65: {  	_ =	shalt  }
0x66: {  	_ =	shalt  }
0x67: {  	_ =	shalt  }
0x68: {  	_ =	shalt  }
0x69: {  	_ =	shalt  }
0x6a: {  	_ =	shalt  }
0x6b: {  	_ =	shalt  }
0x6c: {  	_ =	shalt  }
0x6d: {  	_ =	shalt  }
0x6e: {  	_ =	shalt  }
0x6f: {  	_ =	shalt  }
0x70: {  	_ =	shalt  }
0x71: {  	_ =	shalt  }
0x72: {  	_ =	shalt  }
0x73: {  	_ =	shalt  }
0x74: {  	_ =	shalt  }
0x75: {  	_ =	shalt  }
0x76: {  	_ =	shalt  }
0x77: {  	_ =	shalt  }
0x78: {  	_ =	shalt  }
0x79: {  	_ =	shalt  }
0x7a: {  	_ =	shalt  }
0x7b: {  	_ =	shalt  }
0x7c: {  	_ =	shalt  }
0x7d: {  	_ =	shalt  }
0x7e: {  	_ =	shalt  }
0x7f: {  	_ =	shalt  }
0x80: {  	_ =	shalt  }
0x81: {  	_ =	shalt  }
0x82: {  	_ =	shalt  }
0x83: {  	_ =	shalt  }
0x84: {  	_ =	shalt  }
0x85: {  	_ =	shalt  }
0x86: {  	_ =	shalt  }
0x87: {  	_ =	shalt  }
.Lfunc_end0:
.L_simem_size_0:
called_computation.1_lowered:
.L_overlay_start_0:
0x88: {  	s2 =	sld [smem:$0x3FD9]  }
0x89: {  	s3 =	sld [smem:$0x3FFE];
	_ =	sdelay $0x1  }
0x8a: {  	s1 =	srdreg.scid  }
0x8b: {  	s0 =	sand.u32 $0x1, s1  }
0x8c: {  	s17 =	sshll.u32 s0, $0xA;
	s2 =	sadd.s32 s3, s2  }
0x8d: {  	s2 =	sadd.s32 s2, s17  }
0x8e: {  	[smem:$0x3FBE] =	sst s2  }
0x8f: {  	_ = 	snop  }
0x90: {  	s2 =	sld [smem:$0x3FD0];
	(tm) =	ssettm $0x1  }
0x91: {  	s18 =	sld [smem:$0x3FFB];
	_ =	sdelay $0x3  }
0x92: {  	_ =	strace s18  }
0x93: {  	s3 =	sld [smem:$0x3FFC];
	_ =	sdelay $0x3  }
0x94: {  	_ =	strace s3  }
0x95: {  	s3 =	sld [smem:$0x3FFD];
	_ =	sdelay $0x3  }
0x96: {  	_ =	strace s3  }
0x97: {  	_ =	strace $0x8FFFFFFF  }
0x98: {  	s19 =	sld [smem:$0x3FDB];
	_ =	sdelay $0x1  }
0x99: {  	s4 =	simm.s32 $_scs_section_size  }
0x9a: {  	s5 =	simm.s32 $_size__tile_overlayer_lowered;
	s6 =	simm.s32 $_tile_overlayer_lowered  }
0x9b: {  	s22 =	simm.s32 $0x1BFF;
	s21 =	sshll.u32 s6, $0x1;
	s3 =	sadd.s32 s4, s19  }
0x9c: {  	s7 =	simm.s32 $0x0;
	s20 =	sshll.u32 s5, $0x1;
	s5 =	sadd.s32 s21, s3  }
0x9d: {  	[timem:s7], [sflag:s22] =	dma.local [hbm:s5], s20  }
0x9e: {  	_ =	swait.ge [sflag:s22], s20  }
0x9f: {  	s4 =	ssub.s32 $0x0, s20;
	[sflag:s22] =	ssyncset.done $0x0  }
0xa0: {  	[sflag:s22] =	ssyncadd.s32 s4;
	_ =	sdelay $0x1  }
0xa1: {  	s23 =	simm.s32 $0x1B8B  }
0xa2: {  	_ =	swait.ge [sflag:s23], $0x1  }
0xa3: {  	[sflag:s23] =	ssyncset.done $0x0  }
0xa4: {  	s25 =	simm.s32 $0x1B8E;
	s24 =	sld [smem:$0x3FFE];
	[sflag:s23] =	ssyncadd.s32 $0xFFFFFFFF  }
0xa5: {  	s26 =	simm.s32 $execute0_lowered;
	[smem:$0x3FD2] =	sst s25  }
0xa6: {  	s5 =	sshll.u32 s26, $0x1;
	_ =	strace $0x80000049;
	[dreg:$0x1] =	wrdreg $0xFFFFFFFF  }
0xa7: {  	s28 =	simm.s32 $_size_execute0_lowered;
	s3 =	sadd.s32 s3, s5;
	[dreg:$0x0] =	wrdreg $0x0  }
0xa8: {  	s5 =	sshll.u32 s28, $0x1;
	[dreg:$0x2] =	wrdreg s3  }
0xa9: {  	[dreg:$0x3] =	wrdreg s5  }
0xaa: {  	[dreg:$0x4] =	wrdreg $0xC0  }
0xab: {  	_ =	task [dreg:s7], $0x5FFFF  }
0xac: {  	[dreg:$0x1] =	wrdreg $0xFFFFFFFF  }
0xad: {  	[dreg:$0x0] =	wrdreg $0x60  }
0xae: {  	[dreg:$0x2] =	wrdreg s24  }
0xaf: {  	[dreg:$0x3] =	wrdreg s2  }
0xb0: {  	[dreg:$0x4] =	wrdreg $0xA8000  }
0xb1: {  	[dreg:$0x5] =	wrdreg $0x9  }
0xb2: {  	_ =	task.clear_ibuf [dreg:s7], $0x6FFFF;
	_ =	strace $0x90000049  }
0xb3: {  	s29 =	simm.s32 $0x9;
	_ =	strace $0x8000004B  }
0xb4: {  	_ =	swait.ge [sflag:s29], $0x1  }
0xb5: {  	[sflag:s29] =	ssyncadd.s32 $0xFFFFFFFF  }
0xb6: {  	_ =	strace $0x9000004B  }
0xb7: {  	_ =	sfence  }
0xb8: {  	s30 =	sld [smem:$0x0];
	_ =	sdelay $0x2  }
0xb9: {  	s31 =	sshll.u32 s1, $0xD;
	s1 =	sshrl.u32 s1, $0x2  }
0xba: {  	s3 =	sand.u32 $0x4000, s31;
	s1 =	sadd.s32 s1, s30  }
0xbb: {  	s0 =	sor.u32 s3, s0;
	s1 =	sshll.u32 s1, $0x11  }
0xbc: {  	s0 =	sor.u32 s1, s0  }
0xbd: {  	s0 =	sadd.s32 $0x8F2B, s0  }
0xbe: {  	[sflag:s0] =	ssyncadd.remote.s32 $0x1  }
0xbf: {  	_ =	sfence.sel $0xFFFF  }
0xc0: {  	[dreg:$0x0] =	wrdreg $0xFFFFFFFF;
	(pc) =	sbr.abs _section_cstart, $3  }
0xc1: {  	[dreg:$0x1] =	wrdreg $0xFFFFFFFF  }
0xc2: {  	_ =	task.clear_ibuf [dreg:s7], $0x2FFFF;
	_ =	strace $0x9FFFFFFF  }
0xc3: {  	(tm) =	ssettm $0x7FFFFFFF  }
tec
execute0_lowered:
.L_overlay_start_1:
0x0: {  	(tag) =	ssettag $0x1  }
0x1: {  	s6 =	rddreg [dreg:$0x0]  }
0x2: {  	s14 =	rddreg [dreg:$0x1];
	s0 =	srdreg.scid  }
0x3: {  	s2 =	rddreg [dreg:$0x2];
	s24 =	stileid.u32  }
0x4: {  	s3 =	simm.s32 $0x0;
	s20 =	simm.s32 $0x80;
	s8 =	smul.u32 $0x14000, s24  }
0x5: {  	s21 =	simm.s32 $0x2800;
	s22 =	simm.s32 $0x6800;
	s9 =	smul.u32 $0x50000, s24  }
0x6: {  	s23 =	simm.s32 $0x1;
	s28 =	simm.s32 $0x2780;
	s10 =	smul.u32 $0x3C00, s24  }
0x7: {  	s7 =	sand.u32 $0x1, s0;
	[smem:$0x7FF] =	sst s3;
	s30 =	smul.u32 $0x780, s24  }
0x8: {  	s4 =	sadd.s32 $0x22200, s6;
	s13 =	sadd.s32 $0x18200, s6;
	s12 =	smul.u32 $0x1400, s24  }
0x9: {  	s29 =	sshll.u32 s24, $0x6;
	s24 =	simm.s32 $0x2;
	s5 =	smul.u32 $0x140000, s7  }
0xa: {  	_ =	strace $0x8000004A;
	s25 =	ssub.s32 $0x2, s7;
	p0 =	seq.s32 s7, $0x1  }
0xb: {  	s26 =	sshrl.u32 s25, $0x1;
	s9 =	sshrl.u32 s9, $0x2;
	s11 =	sshrl.u32 s10, $0x3  }
0xc: {  	s7 =	sadd.s32 s13, s30;
	s19 =	sshrl.u32 s12, $0x3;
	s5 =	sadd.s32 s8, s5  }
0xd: {  	s16 =	ssub.s32 s25, s26;
	s17 =	sadd.s32 s9, s2;
	s10 =	sadd.s32 $0x280, s11  }
0xe: {  	s18 =	sadd.s32 $0x500, s11;
	s31 =	sadd.s32 $0x7800, s19;
	s19 =	simm.s32 $0x1400  }
0xf: {  	s25 =	simm.s32 $0x1380;
	s26 =	simm.s32 $0x2700;
	s8 =	sshrl.u32 s5, $0x3  }
.Ltmp0:
0x10: {  	s5 =	sadd.s32 $0x4200, s6;
	s9 =	sadd.s32 s13, s10;
	(pc) =	sbr.rel .LBB2_1-.Ltmp0, $4  }
0x11: {  	s10 =	sadd.s32 s14, s10;
	s11 =	sadd.s32 s13, s18;
	s12 =	sadd.s32 s14, s18  }
0x12: {  	s13 =	sadd.s32 s13, s31;
	s16 =	smax.u32 s16, $0x1;
	s17 =	sshrl.u32 s17, $0x3  }
0x13: {  	s18 =	simm.s32 $0x3;
	s15 =	sadd.s32 s8, s6;
	s6 =	sor.u32 $0x1C03, s29  }
0x14: {  	s8 =	sadd.s32 s14, s30;
	s14 =	sadd.s32 s14, s31;
	s15 =	sadd.s32 $0x72200, s15  }
.LBB2_11:
0x15: {  	s0 =	sadd.s32 $0x80, s29;
	[sflag:s18] =	ssyncadd.s32 $0xFFFFC000  }
0x16: {  	[tilespmem:s22], [sflag:$0x2] =	stream.indirect.gather [hbm4b:s4+s20], $0x80, s0, s20, $0xb8;
	[tilespmem:$0x1E800] =	vst v63  }
0x17: {  	_ =	swait.ge [sflag:s23], $0x4000  }
0x18: {  	[sflag:s23] =	ssyncset.done $0x0  }
0x19: {  	s1 =	sadd.s32 $0x1400, s29;
	[sflag:s23] =	ssyncadd.s32 $0xFFFFC000  }
0x1a: {  	[spmem:s2] =	stream.indirect.scatter.add.f32 [tilespmem:s21], [sflag:$0x3], $0x80, s1, s20, $0xb8;
	[tilespmem:$0x1E800] =	vst v63  }
0x1b: {  	_ =	swait.ge [sflag:s18], $0x4000  }
0x1c: {  	[sflag:s18] =	ssyncset.done $0x0  }
0x1d: {  	s30 =	sadd.s32 $0x100, s29;
	[sflag:s18] =	ssyncadd.s32 $0xFFFFC000  }
0x1e: {  	[tilespmem:s21], [sflag:$0x1] =	stream.indirect.gather [hbm4b:s4+s20], $0x80, s30, s20, $0xb8;
	[tilespmem:$0x1E800] =	vst v63  }
0x1f: {  	_ =	swait.ge [sflag:s24], $0x4000  }
0x20: {  	[sflag:s24] =	ssyncset.done $0x0  }
0x21: {  	s31 =	sadd.s32 $0x1480, s29;
	[sflag:s24] =	ssyncadd.s32 $0xFFFFC000  }
0x22: {  	[spmem:s2] =	stream.indirect.scatter.add.f32 [tilespmem:s22], [sflag:$0x3], $0x80, s31, s20, $0xb8;
	[tilespmem:$0x1E800] =	vst v63  }
0x23: {  	_ =	swait.ge [sflag:s18], $0x4000  }
0x24: {  	[sflag:s18] =	ssyncset.done $0x0  }
0x25: {  	[sflag:s18] =	ssyncadd.s32 $0xFFFFC000  }
.LBB2_12:
0x26: {  	[tilespmem:s22], [sflag:$0x2] =	stream.indirect.gather [hbm4b:s4+s20], $0x80, s25, s20, $0xb8;
	[tilespmem:$0x1E800] =	vst v63  }
0x27: {  	_ =	swait.ge [sflag:s23], $0x4000  }
0x28: {  	[sflag:s23] =	ssyncset.done $0x0  }
0x29: {  	[sflag:s23] =	ssyncadd.s32 $0xFFFFC000  }
0x2a: {  	[spmem:s2] =	stream.indirect.scatter.add.f32 [tilespmem:s21], [sflag:$0x3], $0x80, s26, s20, $0xb8;
	[tilespmem:$0x1E800] =	vst v63  }
0x2b: {  	_ =	swait.ge [sflag:s18], $0x4000  }
0x2c: {  	[sflag:s18] =	ssyncset.done $0x0  }
0x2d: {  	[sflag:s18] =	ssyncadd.s32 $0xFFFFC000  }
0x2e: {  	_ =	swait.ge [sflag:s24], $0x4000  }
0x2f: {  	[sflag:s24] =	ssyncset.done $0x0  }
0x30: {  	[sflag:s24] =	ssyncadd.s32 $0xFFFFC000  }
0x31: {  	[spmem:s2] =	stream.indirect.scatter.add.f32 [tilespmem:s22], [sflag:$0x3], $0x80, s28, s20, $0xb8;
	[tilespmem:$0x1E800] =	vst v63  }
0x32: {  	_ =	swait.ge [sflag:s18], $0x4000  }
0x33: {  	s3 =	sadd.s32 $0x1, s3;
	[sflag:s18] =	ssyncset.done $0x0  }
0x34: {  	p1 =	sne.s32 s3, s16;
	[sflag:s18] =	ssyncadd.s32 $0xFFFFC000  }
.Ltmp1:
0x35: {  	[bflag:$0x0] =	sbarrier.arrive $0xFFFF;
	(pc) =	sbr.rel @!p1 .LBB2_13-.Ltmp1, $4  }
0x36: {  	[hbm:s15], [sflag:s6] =	dma.local [spmem:s17], $0x2800  }
0x37: {  	_ =	swait.ge [sflag:s18], $0x2800  }
0x38: {  	[sflag:s18] =	ssyncset.done $0x0  }
0x39: {  	[sflag:s18] =	ssyncadd.s32 $0xFFFFD800  }
.LBB2_1:
0x3a: {  	[spmem:s17], [sflag:s6] =	dma.local [hbm:s5], $0x2800  }
.Ltmp2:
0x3b: {  	_ =	swait.ge [sflag:s18], $0x2800;
	(pc) =	sbr.rel @!p0 .LBB2_2-.Ltmp2, $3  }
0x3c: {  	[sflag:s18] =	ssyncset.done $0x0  }
0x3d: {  	[sflag:s18] =	ssyncadd.s32 $0xFFFFD800  }
0x3e: {  	[bflag:$0x0] =	sbarrier.arrive $0xFFFF;
	_ =	sdelay $0x1  }
0x3f: {  	s0 =	simm.s32 $0x0  }
0x40: {  	[tilespmem:s0], [sflag:$0x3] =	stream.linear.gather [hbm4b:s13+s0], $0x1400, $0x38;
	[tilespmem:$0x1E800] =	vst v63  }
0x41: {  	_ =	swait.ge [sflag:s18], $0x1400  }
0x42: {  	[sflag:s18] =	ssyncset.done $0x0  }
0x43: {  	[sflag:s18] =	ssyncadd.s32 $0xFFFFEC00  }
0x44: {  	[tilespmem:s19], [sflag:$0x3] =	stream.linear.gather [hbm4b:s14+s0], $0x1400, $0x38;
	[tilespmem:$0x1E800] =	vst v63  }
0x45: {  	_ =	swait.ge [sflag:s18], $0x1400  }
0x46: {  	[sflag:s18] =	ssyncset.done $0x0  }
0x47: {  	[sflag:s18] =	ssyncadd.s32 $0xFFFFEC00  }
0x48: {  	[tilespmem:s21], [sflag:$0x1] =	stream.indirect.gather [hbm4b:s4+s20], $0x80, s0, s20, $0xb8;
	[tilespmem:$0x1E800] =	vst v63  }
0x49: {  	s1 =	simm.s32 $0x80  }
0x4a: {  	[tilespmem:s22], [sflag:$0x2] =	stream.indirect.gather [hbm4b:s4+s20], $0x80, s1, s20, $0xb8;
	[tilespmem:$0x1E800] =	vst v63  }
0x4b: {  	_ =	swait.ge [sflag:s23], $0x4000  }
0x4c: {  	[sflag:s23] =	ssyncset.done $0x0  }
0x4d: {  	s31 =	simm.s32 $0x1400;
	[sflag:s23] =	ssyncadd.s32 $0xFFFFC000  }
0x4e: {  	[spmem:s2] =	stream.indirect.scatter.add.f32 [tilespmem:s21], [sflag:$0x3], $0x80, s31, s20, $0xb8;
	[tilespmem:$0x1E800] =	vst v63  }
0x4f: {  	_ =	swait.ge [sflag:s18], $0x4000  }
0x50: {  	[sflag:s18] =	ssyncset.done $0x0  }
0x51: {  	s1 =	simm.s32 $0x100;
	[sflag:s18] =	ssyncadd.s32 $0xFFFFC000  }
0x52: {  	[tilespmem:s21], [sflag:$0x1] =	stream.indirect.gather [hbm4b:s4+s20], $0x80, s1, s20, $0xb8;
	[tilespmem:$0x1E800] =	vst v63  }
0x53: {  	_ =	swait.ge [sflag:s24], $0x4000  }
0x54: {  	[sflag:s24] =	ssyncset.done $0x0  }
0x55: {  	s31 =	simm.s32 $0x1480;
	[sflag:s24] =	ssyncadd.s32 $0xFFFFC000  }
0x56: {  	[spmem:s2] =	stream.indirect.scatter.add.f32 [tilespmem:s22], [sflag:$0x3], $0x80, s31, s20, $0xb8;
	[tilespmem:$0x1E800] =	vst v63  }
0x57: {  	_ =	swait.ge [sflag:s18], $0x4000  }
0x58: {  	s30 =	simm.s32 $0x800;
	s29 =	simm.s32 $0x100;
	[sflag:s18] =	ssyncset.done $0x0  }
.LBB2_10:
0x59: {  	s0 =	sadd.s32 $0x80, s29  }
0x5a: {  	[sflag:s18] =	ssyncadd.s32 $0xFFFFC000;
	s1 =	smov.u32 s30;
	s31 =	sadd.s32 $0x400, s30  }
0x5b: {  	[tilespmem:s22], [sflag:$0x2] =	stream.indirect.gather [hbm4b:s4+s20], $0x80, s0, s20, $0xb8;
	[tilespmem:$0x1E800] =	vst v63  }
0x5c: {  	p1 =	sne.s32 s30, $0x4800;
	_ =	swait.ge [sflag:s23], $0x4000  }
0x5d: {  	[sflag:s23] =	ssyncset.done $0x0  }
0x5e: {  	s0 =	sadd.s32 $0x1400, s29;
	[sflag:s23] =	ssyncadd.s32 $0xFFFFC000  }
0x5f: {  	[spmem:s2] =	stream.indirect.scatter.add.f32 [tilespmem:s21], [sflag:$0x3], $0x80, s0, s20, $0xb8;
	[tilespmem:$0x1E800] =	vst v63  }
0x60: {  	_ =	swait.ge [sflag:s18], $0x4000  }
0x61: {  	[sflag:s18] =	ssyncset.done $0x0  }
0x62: {  	s0 =	sadd.s32 $0x100, s29;
	[sflag:s18] =	ssyncadd.s32 $0xFFFFC000  }
0x63: {  	[tilespmem:s21], [sflag:$0x1] =	stream.indirect.gather [hbm4b:s4+s20], $0x80, s0, s20, $0xb8;
	[tilespmem:$0x1E800] =	vst v63  }
0x64: {  	_ =	swait.ge [sflag:s24], $0x4000  }
.Ltmp3:
0x65: {  	[sflag:s24] =	ssyncset.done $0x0;
	(pc) =	sbr.rel @p1 .LBB2_10-.Ltmp3, $4  }
0x66: {  	s0 =	sadd.s32 $0x1480, s29;
	[sflag:s24] =	ssyncadd.s32 $0xFFFFC000  }
0x67: {  	[spmem:s2] =	stream.indirect.scatter.add.f32 [tilespmem:s22], [sflag:$0x3], $0x80, s0, s20, $0xb8;
	[tilespmem:$0x1E800] =	vst v63  }
0x68: {  	_ =	swait.ge [sflag:s18], $0x4000  }
0x69: {  	s30 =	smov.u32 s31;
	s29 =	sshra.s32 s1, $0x2;
	[sflag:s18] =	ssyncset.done $0x0  }
.Ltmp4:
0x6a: {  	_ = 	snop;
	(pc) =	sbr.rel .LBB2_11-.Ltmp4, $1  }
0x6b: {  	_ =	sdelay $0x3  }
.LBB2_2:
0x6c: {  	s29 =	simm.s32 $0x0  }
0x6d: {  	[tilespmem:s29], [sflag:$0x3] =	stream.linear.gather [hbm4b:s7+s29], $0x1400, $0x38;
	[tilespmem:$0x1E800] =	vst v63  }
0x6e: {  	_ =	swait.ge [sflag:s18], $0x1400  }
0x6f: {  	[sflag:s18] =	ssyncset.done $0x0  }
0x70: {  	[sflag:s18] =	ssyncadd.s32 $0xFFFFEC00  }
0x71: {  	[tilespmem:s19], [sflag:$0x3] =	stream.linear.gather [hbm4b:s8+s29], $0x1400, $0x38;
	[tilespmem:$0x1E800] =	vst v63  }
0x72: {  	_ =	swait.ge [sflag:s18], $0x1400  }
0x73: {  	[sflag:s18] =	ssyncset.done $0x0  }
0x74: {  	[sflag:s18] =	ssyncadd.s32 $0xFFFFEC00  }
0x75: {  	[tilespmem:s21], [sflag:$0x1] =	stream.indirect.gather [hbm4b:s4+s20], $0x80, s29, s20, $0xb8;
	[tilespmem:$0x1E800] =	vst v63  }
0x76: {  	s29 =	simm.s32 $0x80  }
0x77: {  	[tilespmem:s22], [sflag:$0x2] =	stream.indirect.gather [hbm4b:s4+s20], $0x80, s29, s20, $0xb8;
	[tilespmem:$0x1E800] =	vst v63  }
0x78: {  	_ =	swait.ge [sflag:s23], $0x4000  }
0x79: {  	[sflag:s23] =	ssyncset.done $0x0  }
0x7a: {  	s29 =	simm.s32 $0x1400;
	[sflag:s23] =	ssyncadd.s32 $0xFFFFC000  }
0x7b: {  	[spmem:s2] =	stream.indirect.scatter.add.f32 [tilespmem:s21], [sflag:$0x3], $0x80, s29, s20, $0xb8;
	[tilespmem:$0x1E800] =	vst v63  }
0x7c: {  	_ =	swait.ge [sflag:s18], $0x4000  }
0x7d: {  	[sflag:s18] =	ssyncset.done $0x0  }
0x7e: {  	s29 =	simm.s32 $0x100;
	[sflag:s18] =	ssyncadd.s32 $0xFFFFC000  }
0x7f: {  	[tilespmem:s21], [sflag:$0x1] =	stream.indirect.gather [hbm4b:s4+s20], $0x80, s29, s20, $0xb8;
	[tilespmem:$0x1E800] =	vst v63  }
0x80: {  	_ =	swait.ge [sflag:s24], $0x4000  }
0x81: {  	[sflag:s24] =	ssyncset.done $0x0  }
0x82: {  	s29 =	simm.s32 $0x1480;
	[sflag:s24] =	ssyncadd.s32 $0xFFFFC000  }
0x83: {  	[spmem:s2] =	stream.indirect.scatter.add.f32 [tilespmem:s22], [sflag:$0x3], $0x80, s29, s20, $0xb8;
	[tilespmem:$0x1E800] =	vst v63  }
0x84: {  	_ =	swait.ge [sflag:s18], $0x4000  }
0x85: {  	s30 =	simm.s32 $0x800;
	s29 =	simm.s32 $0x100;
	[sflag:s18] =	ssyncset.done $0x0  }
.LBB2_3:
0x86: {  	s31 =	sadd.s32 $0x80, s29  }
0x87: {  	[sflag:s18] =	ssyncadd.s32 $0xFFFFC000;
	s0 =	smov.u32 s30;
	s1 =	sadd.s32 $0x400, s30  }
0x88: {  	[tilespmem:s22], [sflag:$0x2] =	stream.indirect.gather [hbm4b:s4+s20], $0x80, s31, s20, $0xb8;
	[tilespmem:$0x1E800] =	vst v63  }
0x89: {  	p1 =	sne.s32 s30, $0x4800;
	_ =	swait.ge [sflag:s23], $0x4000  }
0x8a: {  	[sflag:s23] =	ssyncset.done $0x0  }
0x8b: {  	s30 =	sadd.s32 $0x1400, s29;
	[sflag:s23] =	ssyncadd.s32 $0xFFFFC000  }
0x8c: {  	[spmem:s2] =	stream.indirect.scatter.add.f32 [tilespmem:s21], [sflag:$0x3], $0x80, s30, s20, $0xb8;
	[tilespmem:$0x1E800] =	vst v63  }
0x8d: {  	_ =	swait.ge [sflag:s18], $0x4000  }
0x8e: {  	[sflag:s18] =	ssyncset.done $0x0  }
0x8f: {  	s30 =	sadd.s32 $0x100, s29;
	[sflag:s18] =	ssyncadd.s32 $0xFFFFC000  }
0x90: {  	[tilespmem:s21], [sflag:$0x1] =	stream.indirect.gather [hbm4b:s4+s20], $0x80, s30, s20, $0xb8;
	[tilespmem:$0x1E800] =	vst v63  }
0x91: {  	_ =	swait.ge [sflag:s24], $0x4000  }
.Ltmp5:
0x92: {  	[sflag:s24] =	ssyncset.done $0x0;
	(pc) =	sbr.rel @p1 .LBB2_3-.Ltmp5, $4  }
0x93: {  	s29 =	sadd.s32 $0x1480, s29;
	[sflag:s24] =	ssyncadd.s32 $0xFFFFC000  }
0x94: {  	[spmem:s2] =	stream.indirect.scatter.add.f32 [tilespmem:s22], [sflag:$0x3], $0x80, s29, s20, $0xb8;
	[tilespmem:$0x1E800] =	vst v63  }
0x95: {  	_ =	swait.ge [sflag:s18], $0x4000  }
0x96: {  	s30 =	smov.u32 s1;
	s29 =	sshra.s32 s0, $0x2;
	[sflag:s18] =	ssyncset.done $0x0  }
0x97: {  	s0 =	sadd.s32 $0x80, s29;
	[sflag:s18] =	ssyncadd.s32 $0xFFFFC000  }
0x98: {  	[tilespmem:s22], [sflag:$0x2] =	stream.indirect.gather [hbm4b:s4+s20], $0x80, s0, s20, $0xb8;
	[tilespmem:$0x1E800] =	vst v63  }
0x99: {  	_ =	swait.ge [sflag:s23], $0x4000  }
0x9a: {  	[sflag:s23] =	ssyncset.done $0x0  }
0x9b: {  	s1 =	sadd.s32 $0x1400, s29;
	[sflag:s23] =	ssyncadd.s32 $0xFFFFC000  }
0x9c: {  	[spmem:s2] =	stream.indirect.scatter.add.f32 [tilespmem:s21], [sflag:$0x3], $0x80, s1, s20, $0xb8;
	[tilespmem:$0x1E800] =	vst v63  }
0x9d: {  	_ =	swait.ge [sflag:s18], $0x4000  }
0x9e: {  	[sflag:s18] =	ssyncset.done $0x0  }
0x9f: {  	s31 =	sadd.s32 $0x100, s29;
	[sflag:s18] =	ssyncadd.s32 $0xFFFFC000  }
0xa0: {  	[tilespmem:s21], [sflag:$0x1] =	stream.indirect.gather [hbm4b:s4+s20], $0x80, s31, s20, $0xb8;
	[tilespmem:$0x1E800] =	vst v63  }
0xa1: {  	_ =	swait.ge [sflag:s24], $0x4000  }
0xa2: {  	[sflag:s24] =	ssyncset.done $0x0  }
0xa3: {  	s1 =	sadd.s32 $0x1480, s29;
	[sflag:s24] =	ssyncadd.s32 $0xFFFFC000  }
0xa4: {  	[spmem:s2] =	stream.indirect.scatter.add.f32 [tilespmem:s22], [sflag:$0x3], $0x80, s1, s20, $0xb8;
	[tilespmem:$0x1E800] =	vst v63  }
0xa5: {  	_ =	swait.ge [sflag:s18], $0x4000  }
0xa6: {  	[sflag:s18] =	ssyncset.done $0x0  }
0xa7: {  	[sflag:s18] =	ssyncadd.s32 $0xFFFFC000  }
0xa8: {  	[tilespmem:s22], [sflag:$0x2] =	stream.indirect.gather [hbm4b:s4+s20], $0x80, s25, s20, $0xb8;
	[tilespmem:$0x1E800] =	vst v63  }
0xa9: {  	_ =	swait.ge [sflag:s23], $0x4000  }
0xaa: {  	[sflag:s23] =	ssyncset.done $0x0  }
0xab: {  	[sflag:s23] =	ssyncadd.s32 $0xFFFFC000  }
0xac: {  	[spmem:s2] =	stream.indirect.scatter.add.f32 [tilespmem:s21], [sflag:$0x3], $0x80, s26, s20, $0xb8;
	[tilespmem:$0x1E800] =	vst v63  }
0xad: {  	_ =	swait.ge [sflag:s18], $0x4000  }
0xae: {  	[sflag:s18] =	ssyncset.done $0x0  }
0xaf: {  	[sflag:s18] =	ssyncadd.s32 $0xFFFFC000  }
0xb0: {  	_ =	swait.ge [sflag:s24], $0x4000  }
0xb1: {  	[sflag:s24] =	ssyncset.done $0x0  }
0xb2: {  	[sflag:s24] =	ssyncadd.s32 $0xFFFFC000  }
0xb3: {  	[spmem:s2] =	stream.indirect.scatter.add.f32 [tilespmem:s22], [sflag:$0x3], $0x80, s28, s20, $0xb8;
	[tilespmem:$0x1E800] =	vst v63  }
0xb4: {  	_ =	swait.ge [sflag:s18], $0x4000  }
0xb5: {  	[sflag:s18] =	ssyncset.done $0x0  }
0xb6: {  	s31 =	simm.s32 $0x0;
	[sflag:s18] =	ssyncadd.s32 $0xFFFFC000  }
0xb7: {  	[tilespmem:s31], [sflag:$0x3] =	stream.linear.gather [hbm4b:s9+s31], $0x1400, $0x38;
	[tilespmem:$0x1E800] =	vst v63  }
0xb8: {  	_ =	swait.ge [sflag:s18], $0x1400  }
0xb9: {  	[sflag:s18] =	ssyncset.done $0x0  }
0xba: {  	[sflag:s18] =	ssyncadd.s32 $0xFFFFEC00  }
0xbb: {  	[tilespmem:s19], [sflag:$0x3] =	stream.linear.gather [hbm4b:s10+s31], $0x1400, $0x38;
	[tilespmem:$0x1E800] =	vst v63  }
0xbc: {  	_ =	swait.ge [sflag:s18], $0x1400  }
0xbd: {  	[sflag:s18] =	ssyncset.done $0x0  }
0xbe: {  	[sflag:s18] =	ssyncadd.s32 $0xFFFFEC00  }
0xbf: {  	[tilespmem:s21], [sflag:$0x1] =	stream.indirect.gather [hbm4b:s4+s20], $0x80, s31, s20, $0xb8;
	[tilespmem:$0x1E800] =	vst v63  }
0xc0: {  	s1 =	simm.s32 $0x80  }
0xc1: {  	[tilespmem:s22], [sflag:$0x2] =	stream.indirect.gather [hbm4b:s4+s20], $0x80, s1, s20, $0xb8;
	[tilespmem:$0x1E800] =	vst v63  }
0xc2: {  	_ =	swait.ge [sflag:s23], $0x4000  }
0xc3: {  	[sflag:s23] =	ssyncset.done $0x0  }
0xc4: {  	s31 =	simm.s32 $0x1400;
	[sflag:s23] =	ssyncadd.s32 $0xFFFFC000  }
0xc5: {  	[spmem:s2] =	stream.indirect.scatter.add.f32 [tilespmem:s21], [sflag:$0x3], $0x80, s31, s20, $0xb8;
	[tilespmem:$0x1E800] =	vst v63  }
0xc6: {  	_ =	swait.ge [sflag:s18], $0x4000  }
0xc7: {  	[sflag:s18] =	ssyncset.done $0x0  }
0xc8: {  	s1 =	simm.s32 $0x100;
	[sflag:s18] =	ssyncadd.s32 $0xFFFFC000  }
0xc9: {  	[tilespmem:s21], [sflag:$0x1] =	stream.indirect.gather [hbm4b:s4+s20], $0x80, s1, s20, $0xb8;
	[tilespmem:$0x1E800] =	vst v63  }
0xca: {  	_ =	swait.ge [sflag:s24], $0x4000  }
0xcb: {  	[sflag:s24] =	ssyncset.done $0x0  }
0xcc: {  	s31 =	simm.s32 $0x1480;
	[sflag:s24] =	ssyncadd.s32 $0xFFFFC000  }
0xcd: {  	[spmem:s2] =	stream.indirect.scatter.add.f32 [tilespmem:s22], [sflag:$0x3], $0x80, s31, s20, $0xb8;
	[tilespmem:$0x1E800] =	vst v63  }
0xce: {  	_ =	swait.ge [sflag:s18], $0x4000  }
0xcf: {  	s30 =	simm.s32 $0x800;
	s29 =	simm.s32 $0x100;
	[sflag:s18] =	ssyncset.done $0x0  }
.LBB2_5:
0xd0: {  	s0 =	sadd.s32 $0x80, s29  }
0xd1: {  	[sflag:s18] =	ssyncadd.s32 $0xFFFFC000;
	s1 =	smov.u32 s30;
	s31 =	sadd.s32 $0x400, s30  }
0xd2: {  	[tilespmem:s22], [sflag:$0x2] =	stream.indirect.gather [hbm4b:s4+s20], $0x80, s0, s20, $0xb8;
	[tilespmem:$0x1E800] =	vst v63  }
0xd3: {  	p1 =	sne.s32 s30, $0x4800;
	_ =	swait.ge [sflag:s23], $0x4000  }
0xd4: {  	[sflag:s23] =	ssyncset.done $0x0  }
0xd5: {  	s0 =	sadd.s32 $0x1400, s29;
	[sflag:s23] =	ssyncadd.s32 $0xFFFFC000  }
0xd6: {  	[spmem:s2] =	stream.indirect.scatter.add.f32 [tilespmem:s21], [sflag:$0x3], $0x80, s0, s20, $0xb8;
	[tilespmem:$0x1E800] =	vst v63  }
0xd7: {  	_ =	swait.ge [sflag:s18], $0x4000  }
0xd8: {  	[sflag:s18] =	ssyncset.done $0x0  }
0xd9: {  	s0 =	sadd.s32 $0x100, s29;
	[sflag:s18] =	ssyncadd.s32 $0xFFFFC000  }
0xda: {  	[tilespmem:s21], [sflag:$0x1] =	stream.indirect.gather [hbm4b:s4+s20], $0x80, s0, s20, $0xb8;
	[tilespmem:$0x1E800] =	vst v63  }
0xdb: {  	_ =	swait.ge [sflag:s24], $0x4000  }
.Ltmp6:
0xdc: {  	[sflag:s24] =	ssyncset.done $0x0;
	(pc) =	sbr.rel @p1 .LBB2_5-.Ltmp6, $4  }
0xdd: {  	s0 =	sadd.s32 $0x1480, s29;
	[sflag:s24] =	ssyncadd.s32 $0xFFFFC000  }
0xde: {  	[spmem:s2] =	stream.indirect.scatter.add.f32 [tilespmem:s22], [sflag:$0x3], $0x80, s0, s20, $0xb8;
	[tilespmem:$0x1E800] =	vst v63  }
0xdf: {  	_ =	swait.ge [sflag:s18], $0x4000  }
0xe0: {  	s30 =	smov.u32 s31;
	s29 =	sshra.s32 s1, $0x2;
	[sflag:s18] =	ssyncset.done $0x0  }
0xe1: {  	s0 =	sadd.s32 $0x80, s29;
	[sflag:s18] =	ssyncadd.s32 $0xFFFFC000  }
0xe2: {  	[tilespmem:s22], [sflag:$0x2] =	stream.indirect.gather [hbm4b:s4+s20], $0x80, s0, s20, $0xb8;
	[tilespmem:$0x1E800] =	vst v63  }
0xe3: {  	_ =	swait.ge [sflag:s23], $0x4000  }
0xe4: {  	[sflag:s23] =	ssyncset.done $0x0  }
0xe5: {  	s1 =	sadd.s32 $0x1400, s29;
	[sflag:s23] =	ssyncadd.s32 $0xFFFFC000  }
0xe6: {  	[spmem:s2] =	stream.indirect.scatter.add.f32 [tilespmem:s21], [sflag:$0x3], $0x80, s1, s20, $0xb8;
	[tilespmem:$0x1E800] =	vst v63  }
0xe7: {  	_ =	swait.ge [sflag:s18], $0x4000  }
0xe8: {  	[sflag:s18] =	ssyncset.done $0x0  }
0xe9: {  	s31 =	sadd.s32 $0x100, s29;
	[sflag:s18] =	ssyncadd.s32 $0xFFFFC000  }
0xea: {  	[tilespmem:s21], [sflag:$0x1] =	stream.indirect.gather [hbm4b:s4+s20], $0x80, s31, s20, $0xb8;
	[tilespmem:$0x1E800] =	vst v63  }
0xeb: {  	_ =	swait.ge [sflag:s24], $0x4000  }
0xec: {  	[sflag:s24] =	ssyncset.done $0x0  }
0xed: {  	s1 =	sadd.s32 $0x1480, s29;
	[sflag:s24] =	ssyncadd.s32 $0xFFFFC000  }
0xee: {  	[spmem:s2] =	stream.indirect.scatter.add.f32 [tilespmem:s22], [sflag:$0x3], $0x80, s1, s20, $0xb8;
	[tilespmem:$0x1E800] =	vst v63  }
0xef: {  	_ =	swait.ge [sflag:s18], $0x4000  }
0xf0: {  	[sflag:s18] =	ssyncset.done $0x0  }
0xf1: {  	[sflag:s18] =	ssyncadd.s32 $0xFFFFC000  }
0xf2: {  	[tilespmem:s22], [sflag:$0x2] =	stream.indirect.gather [hbm4b:s4+s20], $0x80, s25, s20, $0xb8;
	[tilespmem:$0x1E800] =	vst v63  }
0xf3: {  	_ =	swait.ge [sflag:s23], $0x4000  }
0xf4: {  	[sflag:s23] =	ssyncset.done $0x0  }
0xf5: {  	[sflag:s23] =	ssyncadd.s32 $0xFFFFC000  }
0xf6: {  	[spmem:s2] =	stream.indirect.scatter.add.f32 [tilespmem:s21], [sflag:$0x3], $0x80, s26, s20, $0xb8;
	[tilespmem:$0x1E800] =	vst v63  }
0xf7: {  	_ =	swait.ge [sflag:s18], $0x4000  }
0xf8: {  	[sflag:s18] =	ssyncset.done $0x0  }
0xf9: {  	[sflag:s18] =	ssyncadd.s32 $0xFFFFC000  }
0xfa: {  	_ =	swait.ge [sflag:s24], $0x4000  }
0xfb: {  	[sflag:s24] =	ssyncset.done $0x0  }
0xfc: {  	[sflag:s24] =	ssyncadd.s32 $0xFFFFC000  }
0xfd: {  	[spmem:s2] =	stream.indirect.scatter.add.f32 [tilespmem:s22], [sflag:$0x3], $0x80, s28, s20, $0xb8;
	[tilespmem:$0x1E800] =	vst v63  }
0xfe: {  	_ =	swait.ge [sflag:s18], $0x4000  }
0xff: {  	[sflag:s18] =	ssyncset.done $0x0  }
0x100: {  	s31 =	simm.s32 $0x0;
	[sflag:s18] =	ssyncadd.s32 $0xFFFFC000  }
0x101: {  	[tilespmem:s31], [sflag:$0x3] =	stream.linear.gather [hbm4b:s11+s31], $0x1400, $0x38;
	[tilespmem:$0x1E800] =	vst v63  }
0x102: {  	_ =	swait.ge [sflag:s18], $0x1400  }
0x103: {  	[sflag:s18] =	ssyncset.done $0x0  }
0x104: {  	[sflag:s18] =	ssyncadd.s32 $0xFFFFEC00  }
0x105: {  	[tilespmem:s19], [sflag:$0x3] =	stream.linear.gather [hbm4b:s12+s31], $0x1400, $0x38;
	[tilespmem:$0x1E800] =	vst v63  }
0x106: {  	_ =	swait.ge [sflag:s18], $0x1400  }
0x107: {  	[sflag:s18] =	ssyncset.done $0x0  }
0x108: {  	[sflag:s18] =	ssyncadd.s32 $0xFFFFEC00  }
0x109: {  	[tilespmem:s21], [sflag:$0x1] =	stream.indirect.gather [hbm4b:s4+s20], $0x80, s31, s20, $0xb8;
	[tilespmem:$0x1E800] =	vst v63  }
0x10a: {  	s1 =	simm.s32 $0x80  }
0x10b: {  	[tilespmem:s22], [sflag:$0x2] =	stream.indirect.gather [hbm4b:s4+s20], $0x80, s1, s20, $0xb8;
	[tilespmem:$0x1E800] =	vst v63  }
0x10c: {  	_ =	swait.ge [sflag:s23], $0x4000  }
0x10d: {  	[sflag:s23] =	ssyncset.done $0x0  }
0x10e: {  	s31 =	simm.s32 $0x1400;
	[sflag:s23] =	ssyncadd.s32 $0xFFFFC000  }
0x10f: {  	[spmem:s2] =	stream.indirect.scatter.add.f32 [tilespmem:s21], [sflag:$0x3], $0x80, s31, s20, $0xb8;
	[tilespmem:$0x1E800] =	vst v63  }
0x110: {  	_ =	swait.ge [sflag:s18], $0x4000  }
0x111: {  	[sflag:s18] =	ssyncset.done $0x0  }
0x112: {  	s1 =	simm.s32 $0x100;
	[sflag:s18] =	ssyncadd.s32 $0xFFFFC000  }
0x113: {  	[tilespmem:s21], [sflag:$0x1] =	stream.indirect.gather [hbm4b:s4+s20], $0x80, s1, s20, $0xb8;
	[tilespmem:$0x1E800] =	vst v63  }
0x114: {  	_ =	swait.ge [sflag:s24], $0x4000  }
0x115: {  	[sflag:s24] =	ssyncset.done $0x0  }
0x116: {  	s31 =	simm.s32 $0x1480;
	[sflag:s24] =	ssyncadd.s32 $0xFFFFC000  }
0x117: {  	[spmem:s2] =	stream.indirect.scatter.add.f32 [tilespmem:s22], [sflag:$0x3], $0x80, s31, s20, $0xb8;
	[tilespmem:$0x1E800] =	vst v63  }
0x118: {  	_ =	swait.ge [sflag:s18], $0x4000  }
0x119: {  	s30 =	simm.s32 $0x800;
	s29 =	simm.s32 $0x100;
	[sflag:s18] =	ssyncset.done $0x0  }
.LBB2_7:
0x11a: {  	s0 =	sadd.s32 $0x80, s29  }
0x11b: {  	[sflag:s18] =	ssyncadd.s32 $0xFFFFC000;
	s1 =	smov.u32 s30;
	s31 =	sadd.s32 $0x400, s30  }
0x11c: {  	[tilespmem:s22], [sflag:$0x2] =	stream.indirect.gather [hbm4b:s4+s20], $0x80, s0, s20, $0xb8;
	[tilespmem:$0x1E800] =	vst v63  }
0x11d: {  	p1 =	seq.s32 s30, $0x4800;
	_ =	swait.ge [sflag:s23], $0x4000  }
0x11e: {  	[sflag:s23] =	ssyncset.done $0x0  }
0x11f: {  	s0 =	sadd.s32 $0x1400, s29;
	[sflag:s23] =	ssyncadd.s32 $0xFFFFC000  }
0x120: {  	[spmem:s2] =	stream.indirect.scatter.add.f32 [tilespmem:s21], [sflag:$0x3], $0x80, s0, s20, $0xb8;
	[tilespmem:$0x1E800] =	vst v63  }
0x121: {  	_ =	swait.ge [sflag:s18], $0x4000  }
0x122: {  	[sflag:s18] =	ssyncset.done $0x0  }
0x123: {  	s0 =	sadd.s32 $0x100, s29;
	[sflag:s18] =	ssyncadd.s32 $0xFFFFC000  }
0x124: {  	[tilespmem:s21], [sflag:$0x1] =	stream.indirect.gather [hbm4b:s4+s20], $0x80, s0, s20, $0xb8;
	[tilespmem:$0x1E800] =	vst v63  }
0x125: {  	_ =	swait.ge [sflag:s24], $0x4000  }
.Ltmp7:
0x126: {  	[sflag:s24] =	ssyncset.done $0x0;
	(pc) =	sbr.rel @!p1 .LBB2_7-.Ltmp7, $4  }
0x127: {  	s0 =	sadd.s32 $0x1480, s29;
	[sflag:s24] =	ssyncadd.s32 $0xFFFFC000  }
0x128: {  	[spmem:s2] =	stream.indirect.scatter.add.f32 [tilespmem:s22], [sflag:$0x3], $0x80, s0, s20, $0xb8;
	[tilespmem:$0x1E800] =	vst v63  }
0x129: {  	_ =	swait.ge [sflag:s18], $0x4000  }
0x12a: {  	s30 =	smov.u32 s31;
	s29 =	sshra.s32 s1, $0x2;
	[sflag:s18] =	ssyncset.done $0x0  }
0x12b: {  	s0 =	sadd.s32 $0x80, s29;
	[sflag:s18] =	ssyncadd.s32 $0xFFFFC000  }
0x12c: {  	[tilespmem:s22], [sflag:$0x2] =	stream.indirect.gather [hbm4b:s4+s20], $0x80, s0, s20, $0xb8;
	[tilespmem:$0x1E800] =	vst v63  }
0x12d: {  	_ =	swait.ge [sflag:s23], $0x4000  }
0x12e: {  	[sflag:s23] =	ssyncset.done $0x0  }
0x12f: {  	s1 =	sadd.s32 $0x1400, s29;
	[sflag:s23] =	ssyncadd.s32 $0xFFFFC000  }
0x130: {  	[spmem:s2] =	stream.indirect.scatter.add.f32 [tilespmem:s21], [sflag:$0x3], $0x80, s1, s20, $0xb8;
	[tilespmem:$0x1E800] =	vst v63  }
0x131: {  	_ =	swait.ge [sflag:s18], $0x4000  }
0x132: {  	[sflag:s18] =	ssyncset.done $0x0  }
0x133: {  	s30 =	sadd.s32 $0x100, s29;
	[sflag:s18] =	ssyncadd.s32 $0xFFFFC000  }
0x134: {  	[tilespmem:s21], [sflag:$0x1] =	stream.indirect.gather [hbm4b:s4+s20], $0x80, s30, s20, $0xb8;
	[tilespmem:$0x1E800] =	vst v63  }
0x135: {  	_ =	swait.ge [sflag:s24], $0x4000  }
0x136: {  	[sflag:s24] =	ssyncset.done $0x0  }
.Ltmp8:
0x137: {  	s31 =	sadd.s32 $0x1480, s29;
	[sflag:s24] =	ssyncadd.s32 $0xFFFFC000;
	(pc) =	sbr.rel .LBB2_12-.Ltmp8, $4  }
0x138: {  	[spmem:s2] =	stream.indirect.scatter.add.f32 [tilespmem:s22], [sflag:$0x3], $0x80, s31, s20, $0xb8;
	[tilespmem:$0x1E800] =	vst v63  }
0x139: {  	_ =	swait.ge [sflag:s18], $0x4000  }
0x13a: {  	[sflag:s18] =	ssyncset.done $0x0  }
0x13b: {  	[sflag:s18] =	ssyncadd.s32 $0xFFFFC000  }
.LBB2_13:
0x13c: {  	_ =	sfence.sel $0x180000  }
0x13d: {  	[bflag:$0x0] =	sbarrier.arrive $0xFFFF  }
0x13e: {  	_ =	strace $0x9000004A  }
0x13f: {  	s0 =	stileid.u32;
	[bflag:$0x2] =	sbarrier.arrive $0xFFFF  }
0x140: {  	p0 =	sne.s32 s0, $0x0;
	s0 =	rddreg [dreg:$0x3]  }
0x141: {  	s0 =	sadd.s32 @!p0 $0x100000, s0  }
0x142: {  	[sflag:s0] =	ssyncadd.tile.s32 @!p0 $0x1;
	_ =	shalt  }
.Lfunc_end2:
_tile_overlayer_lowered:
.L_overlay_start_2:
0x143: {  	(tag) =	ssettag $0x2  }
0x144: {  	s0 =	rddreg [dreg:$0x0];
	s2 =	stileid.u32  }
0x145: {  	s1 =	rddreg [dreg:$0x1];
	p0 =	sne.s32 s2, $0x0  }
0x146: {  	s3 =	rddreg [dreg:$0x2];
	[bflag:$0x3] =	sbarrier.arrive $0xFFFF;
	s2 =	simm.s32 @!p0 $0x1C03  }
0x147: {  	[timem:s3], [sflag:s2] =	dma.local @!p0 [hbm:s0], s1  }
0x148: {  	s0 =	simm.s32 @!p0 $0x3  }
0x149: {  	_ =	swait.ge @!p0 [sflag:s0], s1  }
0x14a: {  	s1 =	ssub.s32 @!p0 $0x0, s1;
	[sflag:s0] =	ssyncset.done @!p0 $0x0  }
0x14b: {  	[sflag:s0] =	ssyncadd.s32 @!p0 s1  }
0x14c: {  	[bflag:$0x3] =	sbarrier.arrive $0xFFFF  }
0x14d: {  	_ =	shalt  }

// kernel: kernel.14.cloned.1.call-start
scs
__scs_entry_jumppad:
0x0: {  	(pc) =	sbr.rel $0x88, $3  }
0x1: {  	(tag) =	ssettag $0x0;
	lr =	simm.s32 $0x1  }
0x2: {  	[smem:$0x3F97] =	sst lr;
	_ =	strace $0xD0000000  }
0x3: {  	_ = 	snop  }
0x4: {  	_ = 	snop  }
0x5: {  	_ = 	snop  }
0x6: {  	_ = 	snop  }
0x7: {  	_ = 	snop  }
__scs_overlays_trampoline_lowered:
0x8: {  	[smem:$0x3FA6] =	sst s0  }
0x9: {  	[smem:$0x3FA7] =	sst s1  }
0xa: {  	[smem:$0x3FA8] =	sst s2  }
0xb: {  	[smem:$0x3FA9] =	sst s3  }
0xc: {  	[smem:$0x3FAA] =	sst s4  }
0xd: {  	[smem:$0x3FAB] =	sst s5  }
0xe: {  	[smem:$0x3FAC] =	sst s6  }
0xf: {  	[smem:$0x3FAD] =	sst s7  }
0x10: {  	[smem:$0x3FAE] =	sst s8  }
0x11: {  	[smem:$0x3FAF] =	sst s9;
	s0 =	simm.s32 @!p0 $0x0  }
0x12: {  	s1 =	sld [smem:$0x3F95];
	s0 =	simm.s32 @p0 $0x1  }
0x13: {  	[smem:$0x3FB0] =	sst s0;
	s0 =	simm.s32 @!p1 $0x0  }
0x14: {  	s2 =	sld [smem:$0x3F94];
	s0 =	simm.s32 @p1 $0x1  }
0x15: {  	[smem:$0x3FB1] =	sst s0;
	s0 =	simm.s32 @!p2 $0x0  }
0x16: {  	s3 =	sld [smem:$0x3FDB];
	s0 =	simm.s32 @p2 $0x1  }
0x17: {  	s4 =	simm.s32 $0x1BF5;
	[smem:$0x3FB3] =	sst s0  }
0x18: {  	s0 =	sld [smem:$0x3F96];
	_ =	swait.ge [sflag:s4], $0x0  }
0x19: {  	s7 =	sld [smem:$0x3F97]  }
0x1a: {  	s8 =	sadd.s32 $0xFFFFE003, lr  }
0x1b: {  	s9 =	sadd.s32 $0xFFFFFEF7, lr;
	s5 =	simm.s32 $0xFFFFFFFF;
	p2 =	slt.u32 s8, $0xFFFFF086  }
0x1c: {  	p1 =	slt.u32 s9, $0xF7A;
	s5 =	simm.s32 @!p2 $0x0  }
0x1d: {  	s5 =	simm.s32 @p1 $0x1;
	p0 =	seq.s32 s7, s2  }
0x1e: {  	s7 =	smul.u32 @!p0 $0xF7A, s2;
	p2 =	seq.s32 @!p0 s5, $0x0  }
0x1f: {  	s9 =	smul.u32 $0xF7A, s1;
	s8 =	simm.s32 @!p0 $0x1BF5;
	p2 =	por !p2, p0  }
0x20: {  	[sflag:s8] =	ssyncset.s32 @!p0 $0xFFFFF086;
	s6 =	sadd.s32 @!p0 s3, s7;
	s7 =	simm.s32 @!p0 $0x108  }
0x21: {  	s3 =	sadd.s32 s3, s9;
	s6 =	sadd.s32 @!p0 $0x88, s6;
	s7 =	simm.s32 @p2 $0x1082  }
0x22: {  	[simem:s7], [sflag:s8] =	dma.local @!p0 [hbm:s6], $0xF7A  }
0x23: {  	s9 =	sor.u32 $0xD0000000, s2;
	s6 =	simm.s32 $0x108;
	_ =	swait.ge @!p0 [sflag:s8], $0x0  }
0x24: {  	s3 =	sadd.s32 $0x88, s3;
	s6 =	simm.s32 @!p1 $0x1082;
	[sflag:s4] =	ssyncset.s32 $0xFFFFF086  }
0x25: {  	[simem:s6], [sflag:s4] =	dma.local [hbm:s3], $0xF7A  }
0x26: {  	[smem:$0x3F97] =	sst s1;
	(tag) =	ssettag s2;
	_ =	strace s9  }
0x27: {  	s1 =	sld [smem:$0x3FA7]  }
0x28: {  	s2 =	sld [smem:$0x3FA8]  }
0x29: {  	s4 =	sld [smem:$0x3FAA]  }
0x2a: {  	p0 =	seq.s32 s5, $0x0;
	s5 =	sld [smem:$0x3FAB]  }
0x2b: {  	s6 =	sld [smem:$0x3FAC]  }
0x2c: {  	s7 =	sld [smem:$0x3FAD]  }
0x2d: {  	s3 =	simm.s32 $0x108;
	s8 =	sld [smem:$0x3FAE]  }
0x2e: {  	s3 =	simm.s32 @!p0 $0x1082;
	s9 =	sld [smem:$0x3FAF]  }
0x2f: {  	lr =	sadd.s32 s0, s3;
	s0 =	sld [smem:$0x3FA6]  }
0x30: {  	s3 =	sld [smem:$0x3FA9]  }
0x31: {  	[smem:$0x3FB2] =	sst s10  }
0x32: {  	s10 =	sld [smem:$0x3FB0];
	_ =	sdelay $0x3  }
0x33: {  	p0 =	seq.s32 s10, $0x1;
	s10 =	sld [smem:$0x3FB2];
	_ =	sdelay $0x3  }
0x34: {  	[smem:$0x3FB2] =	sst s10  }
0x35: {  	s10 =	sld [smem:$0x3FB1];
	_ =	sdelay $0x3  }
0x36: {  	p1 =	seq.s32 s10, $0x1;
	s10 =	sld [smem:$0x3FB2];
	_ =	sdelay $0x3  }
0x37: {  	[smem:$0x3FB2] =	sst s10  }
0x38: {  	s10 =	sld [smem:$0x3FB3]  }
0x39: {  	_ = 	snop;
	(pc) =	sbr.ind lr, $3  }
0x3a: {  	_ = 	snop  }
0x3b: {  	_ = 	snop  }
0x3c: {  	p2 =	seq.s32 s10, $0x1;
	s10 =	sld [smem:$0x3FB2]  }
0x3d: {  	_ =	shalt  }
0x3e: {  	_ =	shalt  }
0x3f: {  	_ =	shalt  }
0x40: {  	_ =	shalt  }
0x41: {  	_ =	shalt  }
0x42: {  	_ =	shalt  }
0x43: {  	_ =	shalt  }
0x44: {  	_ =	shalt  }
0x45: {  	_ =	shalt  }
0x46: {  	_ =	shalt  }
0x47: {  	_ =	shalt  }
0x48: {  	_ =	shalt  }
0x49: {  	_ =	shalt  }
0x4a: {  	_ =	shalt  }
0x4b: {  	_ =	shalt  }
0x4c: {  	_ =	shalt  }
0x4d: {  	_ =	shalt  }
0x4e: {  	_ =	shalt  }
0x4f: {  	_ =	shalt  }
0x50: {  	_ =	shalt  }
0x51: {  	_ =	shalt  }
0x52: {  	_ =	shalt  }
0x53: {  	_ =	shalt  }
0x54: {  	_ =	shalt  }
0x55: {  	_ =	shalt  }
0x56: {  	_ =	shalt  }
0x57: {  	_ =	shalt  }
0x58: {  	_ =	shalt  }
0x59: {  	_ =	shalt  }
0x5a: {  	_ =	shalt  }
0x5b: {  	_ =	shalt  }
0x5c: {  	_ =	shalt  }
0x5d: {  	_ =	shalt  }
0x5e: {  	_ =	shalt  }
0x5f: {  	_ =	shalt  }
0x60: {  	_ =	shalt  }
0x61: {  	_ =	shalt  }
0x62: {  	_ =	shalt  }
0x63: {  	_ =	shalt  }
0x64: {  	_ =	shalt  }
0x65: {  	_ =	shalt  }
0x66: {  	_ =	shalt  }
0x67: {  	_ =	shalt  }
0x68: {  	_ =	shalt  }
0x69: {  	_ =	shalt  }
0x6a: {  	_ =	shalt  }
0x6b: {  	_ =	shalt  }
0x6c: {  	_ =	shalt  }
0x6d: {  	_ =	shalt  }
0x6e: {  	_ =	shalt  }
0x6f: {  	_ =	shalt  }
0x70: {  	_ =	shalt  }
0x71: {  	_ =	shalt  }
0x72: {  	_ =	shalt  }
0x73: {  	_ =	shalt  }
0x74: {  	_ =	shalt  }
0x75: {  	_ =	shalt  }
0x76: {  	_ =	shalt  }
0x77: {  	_ =	shalt  }
0x78: {  	_ =	shalt  }
0x79: {  	_ =	shalt  }
0x7a: {  	_ =	shalt  }
0x7b: {  	_ =	shalt  }
0x7c: {  	_ =	shalt  }
0x7d: {  	_ =	shalt  }
0x7e: {  	_ =	shalt  }
0x7f: {  	_ =	shalt  }
0x80: {  	_ =	shalt  }
0x81: {  	_ =	shalt  }
0x82: {  	_ =	shalt  }
0x83: {  	_ =	shalt  }
0x84: {  	_ =	shalt  }
0x85: {  	_ =	shalt  }
0x86: {  	_ =	shalt  }
0x87: {  	_ =	shalt  }
.Lfunc_end0:
.L_simem_size_0:
called_computation.2_lowered:
.L_overlay_start_0:
0x88: {  	s2 =	sld [smem:$0x3FD9]  }
0x89: {  	s3 =	sld [smem:$0x3FFE];
	_ =	sdelay $0x1  }
0x8a: {  	s1 =	srdreg.scid  }
0x8b: {  	s0 =	sand.u32 $0x1, s1  }
0x8c: {  	s17 =	sshll.u32 s0, $0xA;
	s2 =	sadd.s32 s3, s2  }
0x8d: {  	s2 =	sadd.s32 s2, s17  }
0x8e: {  	[smem:$0x3FBE] =	sst s2  }
0x8f: {  	_ = 	snop  }
0x90: {  	s2 =	sld [smem:$0x3FD0];
	(tm) =	ssettm $0x1  }
0x91: {  	s18 =	sld [smem:$0x3FFB];
	_ =	sdelay $0x3  }
0x92: {  	_ =	strace s18  }
0x93: {  	s3 =	sld [smem:$0x3FFC];
	_ =	sdelay $0x3  }
0x94: {  	_ =	strace s3  }
0x95: {  	s3 =	sld [smem:$0x3FFD];
	_ =	sdelay $0x3  }
0x96: {  	_ =	strace s3  }
0x97: {  	_ =	strace $0x8FFFFFFF  }
0x98: {  	s19 =	sld [smem:$0x3FDB];
	_ =	sdelay $0x1  }
0x99: {  	s4 =	simm.s32 $_scs_section_size  }
0x9a: {  	s5 =	simm.s32 $_size__tile_overlayer_lowered;
	s6 =	simm.s32 $_tile_overlayer_lowered  }
0x9b: {  	s22 =	simm.s32 $0x1BFF;
	s21 =	sshll.u32 s6, $0x1;
	s3 =	sadd.s32 s4, s19  }
0x9c: {  	s7 =	simm.s32 $0x0;
	s20 =	sshll.u32 s5, $0x1;
	s5 =	sadd.s32 s21, s3  }
0x9d: {  	[timem:s7], [sflag:s22] =	dma.local [hbm:s5], s20  }
0x9e: {  	_ =	swait.ge [sflag:s22], s20  }
0x9f: {  	s4 =	ssub.s32 $0x0, s20;
	[sflag:s22] =	ssyncset.done $0x0  }
0xa0: {  	[sflag:s22] =	ssyncadd.s32 s4;
	_ =	sdelay $0x1  }
0xa1: {  	s23 =	simm.s32 $0x1B8B  }
0xa2: {  	_ =	swait.ge [sflag:s23], $0x1  }
0xa3: {  	[sflag:s23] =	ssyncset.done $0x0  }
0xa4: {  	s25 =	simm.s32 $0x1B8E;
	s24 =	sld [smem:$0x3FFE];
	[sflag:s23] =	ssyncadd.s32 $0xFFFFFFFF  }
0xa5: {  	s26 =	simm.s32 $execute0_lowered;
	[smem:$0x3FD2] =	sst s25  }
0xa6: {  	s5 =	sshll.u32 s26, $0x1;
	_ =	strace $0x8000004C;
	[dreg:$0x1] =	wrdreg $0xFFFFFFFF  }
0xa7: {  	s28 =	simm.s32 $_size_execute0_lowered;
	s3 =	sadd.s32 s3, s5;
	[dreg:$0x0] =	wrdreg $0x0  }
0xa8: {  	s5 =	sshll.u32 s28, $0x1;
	[dreg:$0x2] =	wrdreg s3  }
0xa9: {  	[dreg:$0x3] =	wrdreg s5  }
0xaa: {  	[dreg:$0x4] =	wrdreg $0xC0  }
0xab: {  	_ =	task [dreg:s7], $0x5FFFF  }
0xac: {  	[dreg:$0x1] =	wrdreg $0xFFFFFFFF  }
0xad: {  	[dreg:$0x0] =	wrdreg $0x60  }
0xae: {  	[dreg:$0x2] =	wrdreg s24  }
0xaf: {  	[dreg:$0x3] =	wrdreg s2  }
0xb0: {  	[dreg:$0x4] =	wrdreg $0xA8000  }
0xb1: {  	[dreg:$0x5] =	wrdreg $0x9  }
0xb2: {  	_ =	task.clear_ibuf [dreg:s7], $0x6FFFF;
	_ =	strace $0x9000004C  }
0xb3: {  	s29 =	simm.s32 $0x9;
	_ =	strace $0x8000004E  }
0xb4: {  	_ =	swait.ge [sflag:s29], $0x1  }
0xb5: {  	[sflag:s29] =	ssyncadd.s32 $0xFFFFFFFF  }
0xb6: {  	_ =	strace $0x9000004E  }
0xb7: {  	_ =	sfence  }
0xb8: {  	s30 =	sld [smem:$0x0];
	_ =	sdelay $0x2  }
0xb9: {  	s31 =	sshll.u32 s1, $0xD;
	s1 =	sshrl.u32 s1, $0x2  }
0xba: {  	s3 =	sand.u32 $0x4000, s31;
	s1 =	sadd.s32 s1, s30  }
0xbb: {  	s0 =	sor.u32 s3, s0;
	s1 =	sshll.u32 s1, $0x11  }
0xbc: {  	s0 =	sor.u32 s1, s0  }
0xbd: {  	s0 =	sadd.s32 $0x8F2B, s0  }
0xbe: {  	[sflag:s0] =	ssyncadd.remote.s32 $0x1  }
0xbf: {  	_ =	sfence.sel $0xFFFF  }
0xc0: {  	[dreg:$0x0] =	wrdreg $0xFFFFFFFF;
	(pc) =	sbr.abs _section_cstart, $3  }
0xc1: {  	[dreg:$0x1] =	wrdreg $0xFFFFFFFF  }
0xc2: {  	_ =	task.clear_ibuf [dreg:s7], $0x2FFFF;
	_ =	strace $0x9FFFFFFF  }
0xc3: {  	(tm) =	ssettm $0x7FFFFFFF  }
tec
execute0_lowered:
.L_overlay_start_1:
0x0: {  	(tag) =	ssettag $0x1  }
0x1: {  	s6 =	rddreg [dreg:$0x0]  }
0x2: {  	s14 =	rddreg [dreg:$0x1];
	s0 =	srdreg.scid  }
0x3: {  	s2 =	rddreg [dreg:$0x2];
	s24 =	stileid.u32  }
0x4: {  	s3 =	simm.s32 $0x0;
	s20 =	simm.s32 $0x80;
	s8 =	smul.u32 $0x14000, s24  }
0x5: {  	s21 =	simm.s32 $0x2800;
	s22 =	simm.s32 $0x6800;
	s9 =	smul.u32 $0x50000, s24  }
0x6: {  	s23 =	simm.s32 $0x1;
	s28 =	simm.s32 $0x2780;
	s10 =	smul.u32 $0x3C00, s24  }
0x7: {  	s7 =	sand.u32 $0x1, s0;
	[smem:$0x7FF] =	sst s3;
	s30 =	smul.u32 $0x780, s24  }
0x8: {  	s4 =	sadd.s32 $0x22200, s6;
	s13 =	sadd.s32 $0x18200, s6;
	s12 =	smul.u32 $0x1400, s24  }
0x9: {  	s29 =	sshll.u32 s24, $0x6;
	s24 =	simm.s32 $0x2;
	s5 =	smul.u32 $0x140000, s7  }
0xa: {  	_ =	strace $0x8000004D;
	s25 =	ssub.s32 $0x2, s7;
	p0 =	seq.s32 s7, $0x1  }
0xb: {  	s26 =	sshrl.u32 s25, $0x1;
	s9 =	sshrl.u32 s9, $0x2;
	s11 =	sshrl.u32 s10, $0x3  }
0xc: {  	s7 =	sadd.s32 s13, s30;
	s19 =	sshrl.u32 s12, $0x3;
	s5 =	sadd.s32 s8, s5  }
0xd: {  	s16 =	ssub.s32 s25, s26;
	s17 =	sadd.s32 s9, s2;
	s10 =	sadd.s32 $0x280, s11  }
0xe: {  	s18 =	sadd.s32 $0x500, s11;
	s31 =	sadd.s32 $0x7800, s19;
	s19 =	simm.s32 $0x1400  }
0xf: {  	s25 =	simm.s32 $0x1380;
	s26 =	simm.s32 $0x2700;
	s8 =	sshrl.u32 s5, $0x3  }
.Ltmp0:
0x10: {  	s5 =	sadd.s32 $0x4200, s6;
	s9 =	sadd.s32 s13, s10;
	(pc) =	sbr.rel .LBB2_1-.Ltmp0, $4  }
0x11: {  	s10 =	sadd.s32 s14, s10;
	s11 =	sadd.s32 s13, s18;
	s12 =	sadd.s32 s14, s18  }
0x12: {  	s13 =	sadd.s32 s13, s31;
	s16 =	smax.u32 s16, $0x1;
	s17 =	sshrl.u32 s17, $0x3  }
0x13: {  	s18 =	simm.s32 $0x3;
	s15 =	sadd.s32 s8, s6;
	s6 =	sor.u32 $0x1C03, s29  }
0x14: {  	s8 =	sadd.s32 s14, s30;
	s14 =	sadd.s32 s14, s31;
	s15 =	sadd.s32 $0x72200, s15  }
.LBB2_11:
0x15: {  	s0 =	sadd.s32 $0x80, s29;
	[sflag:s18] =	ssyncadd.s32 $0xFFFFC000  }
0x16: {  	[tilespmem:s22], [sflag:$0x2] =	stream.indirect.gather [hbm4b:s4+s20], $0x80, s0, s20, $0xb8;
	[tilespmem:$0x1E800] =	vst v63  }
0x17: {  	_ =	swait.ge [sflag:s23], $0x4000  }
0x18: {  	[sflag:s23] =	ssyncset.done $0x0  }
0x19: {  	s1 =	sadd.s32 $0x1400, s29;
	[sflag:s23] =	ssyncadd.s32 $0xFFFFC000  }
0x1a: {  	[spmem:s2] =	stream.indirect.scatter.add.f32 [tilespmem:s21], [sflag:$0x3], $0x80, s1, s20, $0xb8;
	[tilespmem:$0x1E800] =	vst v63  }
0x1b: {  	_ =	swait.ge [sflag:s18], $0x4000  }
0x1c: {  	[sflag:s18] =	ssyncset.done $0x0  }
0x1d: {  	s30 =	sadd.s32 $0x100, s29;
	[sflag:s18] =	ssyncadd.s32 $0xFFFFC000  }
0x1e: {  	[tilespmem:s21], [sflag:$0x1] =	stream.indirect.gather [hbm4b:s4+s20], $0x80, s30, s20, $0xb8;
	[tilespmem:$0x1E800] =	vst v63  }
0x1f: {  	_ =	swait.ge [sflag:s24], $0x4000  }
0x20: {  	[sflag:s24] =	ssyncset.done $0x0  }
0x21: {  	s31 =	sadd.s32 $0x1480, s29;
	[sflag:s24] =	ssyncadd.s32 $0xFFFFC000  }
0x22: {  	[spmem:s2] =	stream.indirect.scatter.add.f32 [tilespmem:s22], [sflag:$0x3], $0x80, s31, s20, $0xb8;
	[tilespmem:$0x1E800] =	vst v63  }
0x23: {  	_ =	swait.ge [sflag:s18], $0x4000  }
0x24: {  	[sflag:s18] =	ssyncset.done $0x0  }
0x25: {  	[sflag:s18] =	ssyncadd.s32 $0xFFFFC000  }
.LBB2_12:
0x26: {  	[tilespmem:s22], [sflag:$0x2] =	stream.indirect.gather [hbm4b:s4+s20], $0x80, s25, s20, $0xb8;
	[tilespmem:$0x1E800] =	vst v63  }
0x27: {  	_ =	swait.ge [sflag:s23], $0x4000  }
0x28: {  	[sflag:s23] =	ssyncset.done $0x0  }
0x29: {  	[sflag:s23] =	ssyncadd.s32 $0xFFFFC000  }
0x2a: {  	[spmem:s2] =	stream.indirect.scatter.add.f32 [tilespmem:s21], [sflag:$0x3], $0x80, s26, s20, $0xb8;
	[tilespmem:$0x1E800] =	vst v63  }
0x2b: {  	_ =	swait.ge [sflag:s18], $0x4000  }
0x2c: {  	[sflag:s18] =	ssyncset.done $0x0  }
0x2d: {  	[sflag:s18] =	ssyncadd.s32 $0xFFFFC000  }
0x2e: {  	_ =	swait.ge [sflag:s24], $0x4000  }
0x2f: {  	[sflag:s24] =	ssyncset.done $0x0  }
0x30: {  	[sflag:s24] =	ssyncadd.s32 $0xFFFFC000  }
0x31: {  	[spmem:s2] =	stream.indirect.scatter.add.f32 [tilespmem:s22], [sflag:$0x3], $0x80, s28, s20, $0xb8;
	[tilespmem:$0x1E800] =	vst v63  }
0x32: {  	_ =	swait.ge [sflag:s18], $0x4000  }
0x33: {  	s3 =	sadd.s32 $0x1, s3;
	[sflag:s18] =	ssyncset.done $0x0  }
0x34: {  	p1 =	sne.s32 s3, s16;
	[sflag:s18] =	ssyncadd.s32 $0xFFFFC000  }
.Ltmp1:
0x35: {  	[bflag:$0x0] =	sbarrier.arrive $0xFFFF;
	(pc) =	sbr.rel @!p1 .LBB2_13-.Ltmp1, $4  }
0x36: {  	[hbm:s15], [sflag:s6] =	dma.local [spmem:s17], $0x2800  }
0x37: {  	_ =	swait.ge [sflag:s18], $0x2800  }
0x38: {  	[sflag:s18] =	ssyncset.done $0x0  }
0x39: {  	[sflag:s18] =	ssyncadd.s32 $0xFFFFD800  }
.LBB2_1:
0x3a: {  	[spmem:s17], [sflag:s6] =	dma.local [hbm:s5], $0x2800  }
.Ltmp2:
0x3b: {  	_ =	swait.ge [sflag:s18], $0x2800;
	(pc) =	sbr.rel @!p0 .LBB2_2-.Ltmp2, $3  }
0x3c: {  	[sflag:s18] =	ssyncset.done $0x0  }
0x3d: {  	[sflag:s18] =	ssyncadd.s32 $0xFFFFD800  }
0x3e: {  	[bflag:$0x0] =	sbarrier.arrive $0xFFFF;
	_ =	sdelay $0x1  }
0x3f: {  	s0 =	simm.s32 $0x0  }
0x40: {  	[tilespmem:s0], [sflag:$0x3] =	stream.linear.gather [hbm4b:s13+s0], $0x1400, $0x38;
	[tilespmem:$0x1E800] =	vst v63  }
0x41: {  	_ =	swait.ge [sflag:s18], $0x1400  }
0x42: {  	[sflag:s18] =	ssyncset.done $0x0  }
0x43: {  	[sflag:s18] =	ssyncadd.s32 $0xFFFFEC00  }
0x44: {  	[tilespmem:s19], [sflag:$0x3] =	stream.linear.gather [hbm4b:s14+s0], $0x1400, $0x38;
	[tilespmem:$0x1E800] =	vst v63  }
0x45: {  	_ =	swait.ge [sflag:s18], $0x1400  }
0x46: {  	[sflag:s18] =	ssyncset.done $0x0  }
0x47: {  	[sflag:s18] =	ssyncadd.s32 $0xFFFFEC00  }
0x48: {  	[tilespmem:s21], [sflag:$0x1] =	stream.indirect.gather [hbm4b:s4+s20], $0x80, s0, s20, $0xb8;
	[tilespmem:$0x1E800] =	vst v63  }
0x49: {  	s1 =	simm.s32 $0x80  }
0x4a: {  	[tilespmem:s22], [sflag:$0x2] =	stream.indirect.gather [hbm4b:s4+s20], $0x80, s1, s20, $0xb8;
	[tilespmem:$0x1E800] =	vst v63  }
0x4b: {  	_ =	swait.ge [sflag:s23], $0x4000  }
0x4c: {  	[sflag:s23] =	ssyncset.done $0x0  }
0x4d: {  	s31 =	simm.s32 $0x1400;
	[sflag:s23] =	ssyncadd.s32 $0xFFFFC000  }
0x4e: {  	[spmem:s2] =	stream.indirect.scatter.add.f32 [tilespmem:s21], [sflag:$0x3], $0x80, s31, s20, $0xb8;
	[tilespmem:$0x1E800] =	vst v63  }
0x4f: {  	_ =	swait.ge [sflag:s18], $0x4000  }
0x50: {  	[sflag:s18] =	ssyncset.done $0x0  }
0x51: {  	s1 =	simm.s32 $0x100;
	[sflag:s18] =	ssyncadd.s32 $0xFFFFC000  }
0x52: {  	[tilespmem:s21], [sflag:$0x1] =	stream.indirect.gather [hbm4b:s4+s20], $0x80, s1, s20, $0xb8;
	[tilespmem:$0x1E800] =	vst v63  }
0x53: {  	_ =	swait.ge [sflag:s24], $0x4000  }
0x54: {  	[sflag:s24] =	ssyncset.done $0x0  }
0x55: {  	s31 =	simm.s32 $0x1480;
	[sflag:s24] =	ssyncadd.s32 $0xFFFFC000  }
0x56: {  	[spmem:s2] =	stream.indirect.scatter.add.f32 [tilespmem:s22], [sflag:$0x3], $0x80, s31, s20, $0xb8;
	[tilespmem:$0x1E800] =	vst v63  }
0x57: {  	_ =	swait.ge [sflag:s18], $0x4000  }
0x58: {  	s30 =	simm.s32 $0x800;
	s29 =	simm.s32 $0x100;
	[sflag:s18] =	ssyncset.done $0x0  }
.LBB2_10:
0x59: {  	s0 =	sadd.s32 $0x80, s29  }
0x5a: {  	[sflag:s18] =	ssyncadd.s32 $0xFFFFC000;
	s1 =	smov.u32 s30;
	s31 =	sadd.s32 $0x400, s30  }
0x5b: {  	[tilespmem:s22], [sflag:$0x2] =	stream.indirect.gather [hbm4b:s4+s20], $0x80, s0, s20, $0xb8;
	[tilespmem:$0x1E800] =	vst v63  }
0x5c: {  	p1 =	sne.s32 s30, $0x4800;
	_ =	swait.ge [sflag:s23], $0x4000  }
0x5d: {  	[sflag:s23] =	ssyncset.done $0x0  }
0x5e: {  	s0 =	sadd.s32 $0x1400, s29;
	[sflag:s23] =	ssyncadd.s32 $0xFFFFC000  }
0x5f: {  	[spmem:s2] =	stream.indirect.scatter.add.f32 [tilespmem:s21], [sflag:$0x3], $0x80, s0, s20, $0xb8;
	[tilespmem:$0x1E800] =	vst v63  }
0x60: {  	_ =	swait.ge [sflag:s18], $0x4000  }
0x61: {  	[sflag:s18] =	ssyncset.done $0x0  }
0x62: {  	s0 =	sadd.s32 $0x100, s29;
	[sflag:s18] =	ssyncadd.s32 $0xFFFFC000  }
0x63: {  	[tilespmem:s21], [sflag:$0x1] =	stream.indirect.gather [hbm4b:s4+s20], $0x80, s0, s20, $0xb8;
	[tilespmem:$0x1E800] =	vst v63  }
0x64: {  	_ =	swait.ge [sflag:s24], $0x4000  }
.Ltmp3:
0x65: {  	[sflag:s24] =	ssyncset.done $0x0;
	(pc) =	sbr.rel @p1 .LBB2_10-.Ltmp3, $4  }
0x66: {  	s0 =	sadd.s32 $0x1480, s29;
	[sflag:s24] =	ssyncadd.s32 $0xFFFFC000  }
0x67: {  	[spmem:s2] =	stream.indirect.scatter.add.f32 [tilespmem:s22], [sflag:$0x3], $0x80, s0, s20, $0xb8;
	[tilespmem:$0x1E800] =	vst v63  }
0x68: {  	_ =	swait.ge [sflag:s18], $0x4000  }
0x69: {  	s30 =	smov.u32 s31;
	s29 =	sshra.s32 s1, $0x2;
	[sflag:s18] =	ssyncset.done $0x0  }
.Ltmp4:
0x6a: {  	_ = 	snop;
	(pc) =	sbr.rel .LBB2_11-.Ltmp4, $1  }
0x6b: {  	_ =	sdelay $0x3  }
.LBB2_2:
0x6c: {  	s29 =	simm.s32 $0x0  }
0x6d: {  	[tilespmem:s29], [sflag:$0x3] =	stream.linear.gather [hbm4b:s7+s29], $0x1400, $0x38;
	[tilespmem:$0x1E800] =	vst v63  }
0x6e: {  	_ =	swait.ge [sflag:s18], $0x1400  }
0x6f: {  	[sflag:s18] =	ssyncset.done $0x0  }
0x70: {  	[sflag:s18] =	ssyncadd.s32 $0xFFFFEC00  }
0x71: {  	[tilespmem:s19], [sflag:$0x3] =	stream.linear.gather [hbm4b:s8+s29], $0x1400, $0x38;
	[tilespmem:$0x1E800] =	vst v63  }
0x72: {  	_ =	swait.ge [sflag:s18], $0x1400  }
0x73: {  	[sflag:s18] =	ssyncset.done $0x0  }
0x74: {  	[sflag:s18] =	ssyncadd.s32 $0xFFFFEC00  }
0x75: {  	[tilespmem:s21], [sflag:$0x1] =	stream.indirect.gather [hbm4b:s4+s20], $0x80, s29, s20, $0xb8;
	[tilespmem:$0x1E800] =	vst v63  }
0x76: {  	s29 =	simm.s32 $0x80  }
0x77: {  	[tilespmem:s22], [sflag:$0x2] =	stream.indirect.gather [hbm4b:s4+s20], $0x80, s29, s20, $0xb8;
	[tilespmem:$0x1E800] =	vst v63  }
0x78: {  	_ =	swait.ge [sflag:s23], $0x4000  }
0x79: {  	[sflag:s23] =	ssyncset.done $0x0  }
0x7a: {  	s29 =	simm.s32 $0x1400;
	[sflag:s23] =	ssyncadd.s32 $0xFFFFC000  }
0x7b: {  	[spmem:s2] =	stream.indirect.scatter.add.f32 [tilespmem:s21], [sflag:$0x3], $0x80, s29, s20, $0xb8;
	[tilespmem:$0x1E800] =	vst v63  }
0x7c: {  	_ =	swait.ge [sflag:s18], $0x4000  }
0x7d: {  	[sflag:s18] =	ssyncset.done $0x0  }
0x7e: {  	s29 =	simm.s32 $0x100;
	[sflag:s18] =	ssyncadd.s32 $0xFFFFC000  }
0x7f: {  	[tilespmem:s21], [sflag:$0x1] =	stream.indirect.gather [hbm4b:s4+s20], $0x80, s29, s20, $0xb8;
	[tilespmem:$0x1E800] =	vst v63  }
0x80: {  	_ =	swait.ge [sflag:s24], $0x4000  }
0x81: {  	[sflag:s24] =	ssyncset.done $0x0  }
0x82: {  	s29 =	simm.s32 $0x1480;
	[sflag:s24] =	ssyncadd.s32 $0xFFFFC000  }
0x83: {  	[spmem:s2] =	stream.indirect.scatter.add.f32 [tilespmem:s22], [sflag:$0x3], $0x80, s29, s20, $0xb8;
	[tilespmem:$0x1E800] =	vst v63  }
0x84: {  	_ =	swait.ge [sflag:s18], $0x4000  }
0x85: {  	s30 =	simm.s32 $0x800;
	s29 =	simm.s32 $0x100;
	[sflag:s18] =	ssyncset.done $0x0  }
.LBB2_3:
0x86: {  	s31 =	sadd.s32 $0x80, s29  }
0x87: {  	[sflag:s18] =	ssyncadd.s32 $0xFFFFC000;
	s0 =	smov.u32 s30;
	s1 =	sadd.s32 $0x400, s30  }
0x88: {  	[tilespmem:s22], [sflag:$0x2] =	stream.indirect.gather [hbm4b:s4+s20], $0x80, s31, s20, $0xb8;
	[tilespmem:$0x1E800] =	vst v63  }
0x89: {  	p1 =	sne.s32 s30, $0x4800;
	_ =	swait.ge [sflag:s23], $0x4000  }
0x8a: {  	[sflag:s23] =	ssyncset.done $0x0  }
0x8b: {  	s30 =	sadd.s32 $0x1400, s29;
	[sflag:s23] =	ssyncadd.s32 $0xFFFFC000  }
0x8c: {  	[spmem:s2] =	stream.indirect.scatter.add.f32 [tilespmem:s21], [sflag:$0x3], $0x80, s30, s20, $0xb8;
	[tilespmem:$0x1E800] =	vst v63  }
0x8d: {  	_ =	swait.ge [sflag:s18], $0x4000  }
0x8e: {  	[sflag:s18] =	ssyncset.done $0x0  }
0x8f: {  	s30 =	sadd.s32 $0x100, s29;
	[sflag:s18] =	ssyncadd.s32 $0xFFFFC000  }
0x90: {  	[tilespmem:s21], [sflag:$0x1] =	stream.indirect.gather [hbm4b:s4+s20], $0x80, s30, s20, $0xb8;
	[tilespmem:$0x1E800] =	vst v63  }
0x91: {  	_ =	swait.ge [sflag:s24], $0x4000  }
.Ltmp5:
0x92: {  	[sflag:s24] =	ssyncset.done $0x0;
	(pc) =	sbr.rel @p1 .LBB2_3-.Ltmp5, $4  }
0x93: {  	s29 =	sadd.s32 $0x1480, s29;
	[sflag:s24] =	ssyncadd.s32 $0xFFFFC000  }
0x94: {  	[spmem:s2] =	stream.indirect.scatter.add.f32 [tilespmem:s22], [sflag:$0x3], $0x80, s29, s20, $0xb8;
	[tilespmem:$0x1E800] =	vst v63  }
0x95: {  	_ =	swait.ge [sflag:s18], $0x4000  }
0x96: {  	s30 =	smov.u32 s1;
	s29 =	sshra.s32 s0, $0x2;
	[sflag:s18] =	ssyncset.done $0x0  }
0x97: {  	s0 =	sadd.s32 $0x80, s29;
	[sflag:s18] =	ssyncadd.s32 $0xFFFFC000  }
0x98: {  	[tilespmem:s22], [sflag:$0x2] =	stream.indirect.gather [hbm4b:s4+s20], $0x80, s0, s20, $0xb8;
	[tilespmem:$0x1E800] =	vst v63  }
0x99: {  	_ =	swait.ge [sflag:s23], $0x4000  }
0x9a: {  	[sflag:s23] =	ssyncset.done $0x0  }
0x9b: {  	s1 =	sadd.s32 $0x1400, s29;
	[sflag:s23] =	ssyncadd.s32 $0xFFFFC000  }
0x9c: {  	[spmem:s2] =	stream.indirect.scatter.add.f32 [tilespmem:s21], [sflag:$0x3], $0x80, s1, s20, $0xb8;
	[tilespmem:$0x1E800] =	vst v63  }
0x9d: {  	_ =	swait.ge [sflag:s18], $0x4000  }
0x9e: {  	[sflag:s18] =	ssyncset.done $0x0  }
0x9f: {  	s31 =	sadd.s32 $0x100, s29;
	[sflag:s18] =	ssyncadd.s32 $0xFFFFC000  }
0xa0: {  	[tilespmem:s21], [sflag:$0x1] =	stream.indirect.gather [hbm4b:s4+s20], $0x80, s31, s20, $0xb8;
	[tilespmem:$0x1E800] =	vst v63  }
0xa1: {  	_ =	swait.ge [sflag:s24], $0x4000  }
0xa2: {  	[sflag:s24] =	ssyncset.done $0x0  }
0xa3: {  	s1 =	sadd.s32 $0x1480, s29;
	[sflag:s24] =	ssyncadd.s32 $0xFFFFC000  }
0xa4: {  	[spmem:s2] =	stream.indirect.scatter.add.f32 [tilespmem:s22], [sflag:$0x3], $0x80, s1, s20, $0xb8;
	[tilespmem:$0x1E800] =	vst v63  }
0xa5: {  	_ =	swait.ge [sflag:s18], $0x4000  }
0xa6: {  	[sflag:s18] =	ssyncset.done $0x0  }
0xa7: {  	[sflag:s18] =	ssyncadd.s32 $0xFFFFC000  }
0xa8: {  	[tilespmem:s22], [sflag:$0x2] =	stream.indirect.gather [hbm4b:s4+s20], $0x80, s25, s20, $0xb8;
	[tilespmem:$0x1E800] =	vst v63  }
0xa9: {  	_ =	swait.ge [sflag:s23], $0x4000  }
0xaa: {  	[sflag:s23] =	ssyncset.done $0x0  }
0xab: {  	[sflag:s23] =	ssyncadd.s32 $0xFFFFC000  }
0xac: {  	[spmem:s2] =	stream.indirect.scatter.add.f32 [tilespmem:s21], [sflag:$0x3], $0x80, s26, s20, $0xb8;
	[tilespmem:$0x1E800] =	vst v63  }
0xad: {  	_ =	swait.ge [sflag:s18], $0x4000  }
0xae: {  	[sflag:s18] =	ssyncset.done $0x0  }
0xaf: {  	[sflag:s18] =	ssyncadd.s32 $0xFFFFC000  }
0xb0: {  	_ =	swait.ge [sflag:s24], $0x4000  }
0xb1: {  	[sflag:s24] =	ssyncset.done $0x0  }
0xb2: {  	[sflag:s24] =	ssyncadd.s32 $0xFFFFC000  }
0xb3: {  	[spmem:s2] =	stream.indirect.scatter.add.f32 [tilespmem:s22], [sflag:$0x3], $0x80, s28, s20, $0xb8;
	[tilespmem:$0x1E800] =	vst v63  }
0xb4: {  	_ =	swait.ge [sflag:s18], $0x4000  }
0xb5: {  	[sflag:s18] =	ssyncset.done $0x0  }
0xb6: {  	s31 =	simm.s32 $0x0;
	[sflag:s18] =	ssyncadd.s32 $0xFFFFC000  }
0xb7: {  	[tilespmem:s31], [sflag:$0x3] =	stream.linear.gather [hbm4b:s9+s31], $0x1400, $0x38;
	[tilespmem:$0x1E800] =	vst v63  }
0xb8: {  	_ =	swait.ge [sflag:s18], $0x1400  }
0xb9: {  	[sflag:s18] =	ssyncset.done $0x0  }
0xba: {  	[sflag:s18] =	ssyncadd.s32 $0xFFFFEC00  }
0xbb: {  	[tilespmem:s19], [sflag:$0x3] =	stream.linear.gather [hbm4b:s10+s31], $0x1400, $0x38;
	[tilespmem:$0x1E800] =	vst v63  }
0xbc: {  	_ =	swait.ge [sflag:s18], $0x1400  }
0xbd: {  	[sflag:s18] =	ssyncset.done $0x0  }
0xbe: {  	[sflag:s18] =	ssyncadd.s32 $0xFFFFEC00  }
0xbf: {  	[tilespmem:s21], [sflag:$0x1] =	stream.indirect.gather [hbm4b:s4+s20], $0x80, s31, s20, $0xb8;
	[tilespmem:$0x1E800] =	vst v63  }
0xc0: {  	s1 =	simm.s32 $0x80  }
0xc1: {  	[tilespmem:s22], [sflag:$0x2] =	stream.indirect.gather [hbm4b:s4+s20], $0x80, s1, s20, $0xb8;
	[tilespmem:$0x1E800] =	vst v63  }
0xc2: {  	_ =	swait.ge [sflag:s23], $0x4000  }
0xc3: {  	[sflag:s23] =	ssyncset.done $0x0  }
0xc4: {  	s31 =	simm.s32 $0x1400;
	[sflag:s23] =	ssyncadd.s32 $0xFFFFC000  }
0xc5: {  	[spmem:s2] =	stream.indirect.scatter.add.f32 [tilespmem:s21], [sflag:$0x3], $0x80, s31, s20, $0xb8;
	[tilespmem:$0x1E800] =	vst v63  }
0xc6: {  	_ =	swait.ge [sflag:s18], $0x4000  }
0xc7: {  	[sflag:s18] =	ssyncset.done $0x0  }
0xc8: {  	s1 =	simm.s32 $0x100;
	[sflag:s18] =	ssyncadd.s32 $0xFFFFC000  }
0xc9: {  	[tilespmem:s21], [sflag:$0x1] =	stream.indirect.gather [hbm4b:s4+s20], $0x80, s1, s20, $0xb8;
	[tilespmem:$0x1E800] =	vst v63  }
0xca: {  	_ =	swait.ge [sflag:s24], $0x4000  }
0xcb: {  	[sflag:s24] =	ssyncset.done $0x0  }
0xcc: {  	s31 =	simm.s32 $0x1480;
	[sflag:s24] =	ssyncadd.s32 $0xFFFFC000  }
0xcd: {  	[spmem:s2] =	stream.indirect.scatter.add.f32 [tilespmem:s22], [sflag:$0x3], $0x80, s31, s20, $0xb8;
	[tilespmem:$0x1E800] =	vst v63  }
0xce: {  	_ =	swait.ge [sflag:s18], $0x4000  }
0xcf: {  	s30 =	simm.s32 $0x800;
	s29 =	simm.s32 $0x100;
	[sflag:s18] =	ssyncset.done $0x0  }
.LBB2_5:
0xd0: {  	s0 =	sadd.s32 $0x80, s29  }
0xd1: {  	[sflag:s18] =	ssyncadd.s32 $0xFFFFC000;
	s1 =	smov.u32 s30;
	s31 =	sadd.s32 $0x400, s30  }
0xd2: {  	[tilespmem:s22], [sflag:$0x2] =	stream.indirect.gather [hbm4b:s4+s20], $0x80, s0, s20, $0xb8;
	[tilespmem:$0x1E800] =	vst v63  }
0xd3: {  	p1 =	sne.s32 s30, $0x4800;
	_ =	swait.ge [sflag:s23], $0x4000  }
0xd4: {  	[sflag:s23] =	ssyncset.done $0x0  }
0xd5: {  	s0 =	sadd.s32 $0x1400, s29;
	[sflag:s23] =	ssyncadd.s32 $0xFFFFC000  }
0xd6: {  	[spmem:s2] =	stream.indirect.scatter.add.f32 [tilespmem:s21], [sflag:$0x3], $0x80, s0, s20, $0xb8;
	[tilespmem:$0x1E800] =	vst v63  }
0xd7: {  	_ =	swait.ge [sflag:s18], $0x4000  }
0xd8: {  	[sflag:s18] =	ssyncset.done $0x0  }
0xd9: {  	s0 =	sadd.s32 $0x100, s29;
	[sflag:s18] =	ssyncadd.s32 $0xFFFFC000  }
0xda: {  	[tilespmem:s21], [sflag:$0x1] =	stream.indirect.gather [hbm4b:s4+s20], $0x80, s0, s20, $0xb8;
	[tilespmem:$0x1E800] =	vst v63  }
0xdb: {  	_ =	swait.ge [sflag:s24], $0x4000  }
.Ltmp6:
0xdc: {  	[sflag:s24] =	ssyncset.done $0x0;
	(pc) =	sbr.rel @p1 .LBB2_5-.Ltmp6, $4  }
0xdd: {  	s0 =	sadd.s32 $0x1480, s29;
	[sflag:s24] =	ssyncadd.s32 $0xFFFFC000  }
0xde: {  	[spmem:s2] =	stream.indirect.scatter.add.f32 [tilespmem:s22], [sflag:$0x3], $0x80, s0, s20, $0xb8;
	[tilespmem:$0x1E800] =	vst v63  }
0xdf: {  	_ =	swait.ge [sflag:s18], $0x4000  }
0xe0: {  	s30 =	smov.u32 s31;
	s29 =	sshra.s32 s1, $0x2;
	[sflag:s18] =	ssyncset.done $0x0  }
0xe1: {  	s0 =	sadd.s32 $0x80, s29;
	[sflag:s18] =	ssyncadd.s32 $0xFFFFC000  }
0xe2: {  	[tilespmem:s22], [sflag:$0x2] =	stream.indirect.gather [hbm4b:s4+s20], $0x80, s0, s20, $0xb8;
	[tilespmem:$0x1E800] =	vst v63  }
0xe3: {  	_ =	swait.ge [sflag:s23], $0x4000  }
0xe4: {  	[sflag:s23] =	ssyncset.done $0x0  }
0xe5: {  	s1 =	sadd.s32 $0x1400, s29;
	[sflag:s23] =	ssyncadd.s32 $0xFFFFC000  }
0xe6: {  	[spmem:s2] =	stream.indirect.scatter.add.f32 [tilespmem:s21], [sflag:$0x3], $0x80, s1, s20, $0xb8;
	[tilespmem:$0x1E800] =	vst v63  }
0xe7: {  	_ =	swait.ge [sflag:s18], $0x4000  }
0xe8: {  	[sflag:s18] =	ssyncset.done $0x0  }
0xe9: {  	s31 =	sadd.s32 $0x100, s29;
	[sflag:s18] =	ssyncadd.s32 $0xFFFFC000  }
0xea: {  	[tilespmem:s21], [sflag:$0x1] =	stream.indirect.gather [hbm4b:s4+s20], $0x80, s31, s20, $0xb8;
	[tilespmem:$0x1E800] =	vst v63  }
0xeb: {  	_ =	swait.ge [sflag:s24], $0x4000  }
0xec: {  	[sflag:s24] =	ssyncset.done $0x0  }
0xed: {  	s1 =	sadd.s32 $0x1480, s29;
	[sflag:s24] =	ssyncadd.s32 $0xFFFFC000  }
0xee: {  	[spmem:s2] =	stream.indirect.scatter.add.f32 [tilespmem:s22], [sflag:$0x3], $0x80, s1, s20, $0xb8;
	[tilespmem:$0x1E800] =	vst v63  }
0xef: {  	_ =	swait.ge [sflag:s18], $0x4000  }
0xf0: {  	[sflag:s18] =	ssyncset.done $0x0  }
0xf1: {  	[sflag:s18] =	ssyncadd.s32 $0xFFFFC000  }
0xf2: {  	[tilespmem:s22], [sflag:$0x2] =	stream.indirect.gather [hbm4b:s4+s20], $0x80, s25, s20, $0xb8;
	[tilespmem:$0x1E800] =	vst v63  }
0xf3: {  	_ =	swait.ge [sflag:s23], $0x4000  }
0xf4: {  	[sflag:s23] =	ssyncset.done $0x0  }
0xf5: {  	[sflag:s23] =	ssyncadd.s32 $0xFFFFC000  }
0xf6: {  	[spmem:s2] =	stream.indirect.scatter.add.f32 [tilespmem:s21], [sflag:$0x3], $0x80, s26, s20, $0xb8;
	[tilespmem:$0x1E800] =	vst v63  }
0xf7: {  	_ =	swait.ge [sflag:s18], $0x4000  }
0xf8: {  	[sflag:s18] =	ssyncset.done $0x0  }
0xf9: {  	[sflag:s18] =	ssyncadd.s32 $0xFFFFC000  }
0xfa: {  	_ =	swait.ge [sflag:s24], $0x4000  }
0xfb: {  	[sflag:s24] =	ssyncset.done $0x0  }
0xfc: {  	[sflag:s24] =	ssyncadd.s32 $0xFFFFC000  }
0xfd: {  	[spmem:s2] =	stream.indirect.scatter.add.f32 [tilespmem:s22], [sflag:$0x3], $0x80, s28, s20, $0xb8;
	[tilespmem:$0x1E800] =	vst v63  }
0xfe: {  	_ =	swait.ge [sflag:s18], $0x4000  }
0xff: {  	[sflag:s18] =	ssyncset.done $0x0  }
0x100: {  	s31 =	simm.s32 $0x0;
	[sflag:s18] =	ssyncadd.s32 $0xFFFFC000  }
0x101: {  	[tilespmem:s31], [sflag:$0x3] =	stream.linear.gather [hbm4b:s11+s31], $0x1400, $0x38;
	[tilespmem:$0x1E800] =	vst v63  }
0x102: {  	_ =	swait.ge [sflag:s18], $0x1400  }
0x103: {  	[sflag:s18] =	ssyncset.done $0x0  }
0x104: {  	[sflag:s18] =	ssyncadd.s32 $0xFFFFEC00  }
0x105: {  	[tilespmem:s19], [sflag:$0x3] =	stream.linear.gather [hbm4b:s12+s31], $0x1400, $0x38;
	[tilespmem:$0x1E800] =	vst v63  }
0x106: {  	_ =	swait.ge [sflag:s18], $0x1400  }
0x107: {  	[sflag:s18] =	ssyncset.done $0x0  }
0x108: {  	[sflag:s18] =	ssyncadd.s32 $0xFFFFEC00  }
0x109: {  	[tilespmem:s21], [sflag:$0x1] =	stream.indirect.gather [hbm4b:s4+s20], $0x80, s31, s20, $0xb8;
	[tilespmem:$0x1E800] =	vst v63  }
0x10a: {  	s1 =	simm.s32 $0x80  }
0x10b: {  	[tilespmem:s22], [sflag:$0x2] =	stream.indirect.gather [hbm4b:s4+s20], $0x80, s1, s20, $0xb8;
	[tilespmem:$0x1E800] =	vst v63  }
0x10c: {  	_ =	swait.ge [sflag:s23], $0x4000  }
0x10d: {  	[sflag:s23] =	ssyncset.done $0x0  }
0x10e: {  	s31 =	simm.s32 $0x1400;
	[sflag:s23] =	ssyncadd.s32 $0xFFFFC000  }
0x10f: {  	[spmem:s2] =	stream.indirect.scatter.add.f32 [tilespmem:s21], [sflag:$0x3], $0x80, s31, s20, $0xb8;
	[tilespmem:$0x1E800] =	vst v63  }
0x110: {  	_ =	swait.ge [sflag:s18], $0x4000  }
0x111: {  	[sflag:s18] =	ssyncset.done $0x0  }
0x112: {  	s1 =	simm.s32 $0x100;
	[sflag:s18] =	ssyncadd.s32 $0xFFFFC000  }
0x113: {  	[tilespmem:s21], [sflag:$0x1] =	stream.indirect.gather [hbm4b:s4+s20], $0x80, s1, s20, $0xb8;
	[tilespmem:$0x1E800] =	vst v63  }
0x114: {  	_ =	swait.ge [sflag:s24], $0x4000  }
0x115: {  	[sflag:s24] =	ssyncset.done $0x0  }
0x116: {  	s31 =	simm.s32 $0x1480;
	[sflag:s24] =	ssyncadd.s32 $0xFFFFC000  }
0x117: {  	[spmem:s2] =	stream.indirect.scatter.add.f32 [tilespmem:s22], [sflag:$0x3], $0x80, s31, s20, $0xb8;
	[tilespmem:$0x1E800] =	vst v63  }
0x118: {  	_ =	swait.ge [sflag:s18], $0x4000  }
0x119: {  	s30 =	simm.s32 $0x800;
	s29 =	simm.s32 $0x100;
	[sflag:s18] =	ssyncset.done $0x0  }
.LBB2_7:
0x11a: {  	s0 =	sadd.s32 $0x80, s29  }
0x11b: {  	[sflag:s18] =	ssyncadd.s32 $0xFFFFC000;
	s1 =	smov.u32 s30;
	s31 =	sadd.s32 $0x400, s30  }
0x11c: {  	[tilespmem:s22], [sflag:$0x2] =	stream.indirect.gather [hbm4b:s4+s20], $0x80, s0, s20, $0xb8;
	[tilespmem:$0x1E800] =	vst v63  }
0x11d: {  	p1 =	seq.s32 s30, $0x4800;
	_ =	swait.ge [sflag:s23], $0x4000  }
0x11e: {  	[sflag:s23] =	ssyncset.done $0x0  }
0x11f: {  	s0 =	sadd.s32 $0x1400, s29;
	[sflag:s23] =	ssyncadd.s32 $0xFFFFC000  }
0x120: {  	[spmem:s2] =	stream.indirect.scatter.add.f32 [tilespmem:s21], [sflag:$0x3], $0x80, s0, s20, $0xb8;
	[tilespmem:$0x1E800] =	vst v63  }
0x121: {  	_ =	swait.ge [sflag:s18], $0x4000  }
0x122: {  	[sflag:s18] =	ssyncset.done $0x0  }
0x123: {  	s0 =	sadd.s32 $0x100, s29;
	[sflag:s18] =	ssyncadd.s32 $0xFFFFC000  }
0x124: {  	[tilespmem:s21], [sflag:$0x1] =	stream.indirect.gather [hbm4b:s4+s20], $0x80, s0, s20, $0xb8;
	[tilespmem:$0x1E800] =	vst v63  }
0x125: {  	_ =	swait.ge [sflag:s24], $0x4000  }
.Ltmp7:
0x126: {  	[sflag:s24] =	ssyncset.done $0x0;
	(pc) =	sbr.rel @!p1 .LBB2_7-.Ltmp7, $4  }
0x127: {  	s0 =	sadd.s32 $0x1480, s29;
	[sflag:s24] =	ssyncadd.s32 $0xFFFFC000  }
0x128: {  	[spmem:s2] =	stream.indirect.scatter.add.f32 [tilespmem:s22], [sflag:$0x3], $0x80, s0, s20, $0xb8;
	[tilespmem:$0x1E800] =	vst v63  }
0x129: {  	_ =	swait.ge [sflag:s18], $0x4000  }
0x12a: {  	s30 =	smov.u32 s31;
	s29 =	sshra.s32 s1, $0x2;
	[sflag:s18] =	ssyncset.done $0x0  }
0x12b: {  	s0 =	sadd.s32 $0x80, s29;
	[sflag:s18] =	ssyncadd.s32 $0xFFFFC000  }
0x12c: {  	[tilespmem:s22], [sflag:$0x2] =	stream.indirect.gather [hbm4b:s4+s20], $0x80, s0, s20, $0xb8;
	[tilespmem:$0x1E800] =	vst v63  }
0x12d: {  	_ =	swait.ge [sflag:s23], $0x4000  }
0x12e: {  	[sflag:s23] =	ssyncset.done $0x0  }
0x12f: {  	s1 =	sadd.s32 $0x1400, s29;
	[sflag:s23] =	ssyncadd.s32 $0xFFFFC000  }
0x130: {  	[spmem:s2] =	stream.indirect.scatter.add.f32 [tilespmem:s21], [sflag:$0x3], $0x80, s1, s20, $0xb8;
	[tilespmem:$0x1E800] =	vst v63  }
0x131: {  	_ =	swait.ge [sflag:s18], $0x4000  }
0x132: {  	[sflag:s18] =	ssyncset.done $0x0  }
0x133: {  	s30 =	sadd.s32 $0x100, s29;
	[sflag:s18] =	ssyncadd.s32 $0xFFFFC000  }
0x134: {  	[tilespmem:s21], [sflag:$0x1] =	stream.indirect.gather [hbm4b:s4+s20], $0x80, s30, s20, $0xb8;
	[tilespmem:$0x1E800] =	vst v63  }
0x135: {  	_ =	swait.ge [sflag:s24], $0x4000  }
0x136: {  	[sflag:s24] =	ssyncset.done $0x0  }
.Ltmp8:
0x137: {  	s31 =	sadd.s32 $0x1480, s29;
	[sflag:s24] =	ssyncadd.s32 $0xFFFFC000;
	(pc) =	sbr.rel .LBB2_12-.Ltmp8, $4  }
0x138: {  	[spmem:s2] =	stream.indirect.scatter.add.f32 [tilespmem:s22], [sflag:$0x3], $0x80, s31, s20, $0xb8;
	[tilespmem:$0x1E800] =	vst v63  }
0x139: {  	_ =	swait.ge [sflag:s18], $0x4000  }
0x13a: {  	[sflag:s18] =	ssyncset.done $0x0  }
0x13b: {  	[sflag:s18] =	ssyncadd.s32 $0xFFFFC000  }
.LBB2_13:
0x13c: {  	_ =	sfence.sel $0x180000  }
0x13d: {  	[bflag:$0x0] =	sbarrier.arrive $0xFFFF  }
0x13e: {  	_ =	strace $0x9000004D  }
0x13f: {  	s0 =	stileid.u32;
	[bflag:$0x2] =	sbarrier.arrive $0xFFFF  }
0x140: {  	p0 =	sne.s32 s0, $0x0;
	s0 =	rddreg [dreg:$0x3]  }
0x141: {  	s0 =	sadd.s32 @!p0 $0x100000, s0  }
0x142: {  	[sflag:s0] =	ssyncadd.tile.s32 @!p0 $0x1;
	_ =	shalt  }
.Lfunc_end2:
_tile_overlayer_lowered:
.L_overlay_start_2:
0x143: {  	(tag) =	ssettag $0x2  }
0x144: {  	s0 =	rddreg [dreg:$0x0];
	s2 =	stileid.u32  }
0x145: {  	s1 =	rddreg [dreg:$0x1];
	p0 =	sne.s32 s2, $0x0  }
0x146: {  	s3 =	rddreg [dreg:$0x2];
	[bflag:$0x3] =	sbarrier.arrive $0xFFFF;
	s2 =	simm.s32 @!p0 $0x1C03  }
0x147: {  	[timem:s3], [sflag:s2] =	dma.local @!p0 [hbm:s0], s1  }
0x148: {  	s0 =	simm.s32 @!p0 $0x3  }
0x149: {  	_ =	swait.ge @!p0 [sflag:s0], s1  }
0x14a: {  	s1 =	ssub.s32 @!p0 $0x0, s1;
	[sflag:s0] =	ssyncset.done @!p0 $0x0  }
0x14b: {  	[sflag:s0] =	ssyncadd.s32 @!p0 s1  }
0x14c: {  	[bflag:$0x3] =	sbarrier.arrive $0xFFFF  }
0x14d: {  	_ =	shalt  }

// kernel: kernel.8.cloned.1.call-start
scs
__scs_entry_jumppad:
0x0: {  	(pc) =	sbr.rel $0x88, $3  }
0x1: {  	(tag) =	ssettag $0x0;
	lr =	simm.s32 $0x1  }
0x2: {  	[smem:$0x3F97] =	sst lr;
	_ =	strace $0xD0000000  }
0x3: {  	_ = 	snop  }
0x4: {  	_ = 	snop  }
0x5: {  	_ = 	snop  }
0x6: {  	_ = 	snop  }
0x7: {  	_ = 	snop  }
__scs_overlays_trampoline_lowered:
0x8: {  	[smem:$0x3FA6] =	sst s0  }
0x9: {  	[smem:$0x3FA7] =	sst s1  }
0xa: {  	[smem:$0x3FA8] =	sst s2  }
0xb: {  	[smem:$0x3FA9] =	sst s3  }
0xc: {  	[smem:$0x3FAA] =	sst s4  }
0xd: {  	[smem:$0x3FAB] =	sst s5  }
0xe: {  	[smem:$0x3FAC] =	sst s6  }
0xf: {  	[smem:$0x3FAD] =	sst s7  }
0x10: {  	[smem:$0x3FAE] =	sst s8  }
0x11: {  	[smem:$0x3FAF] =	sst s9;
	s0 =	simm.s32 @!p0 $0x0  }
0x12: {  	s1 =	sld [smem:$0x3F95];
	s0 =	simm.s32 @p0 $0x1  }
0x13: {  	[smem:$0x3FB0] =	sst s0;
	s0 =	simm.s32 @!p1 $0x0  }
0x14: {  	s2 =	sld [smem:$0x3F94];
	s0 =	simm.s32 @p1 $0x1  }
0x15: {  	[smem:$0x3FB1] =	sst s0;
	s0 =	simm.s32 @!p2 $0x0  }
0x16: {  	s3 =	sld [smem:$0x3FDB];
	s0 =	simm.s32 @p2 $0x1  }
0x17: {  	s4 =	simm.s32 $0x1BF5;
	[smem:$0x3FB3] =	sst s0  }
0x18: {  	s0 =	sld [smem:$0x3F96];
	_ =	swait.ge [sflag:s4], $0x0  }
0x19: {  	s7 =	sld [smem:$0x3F97]  }
0x1a: {  	s8 =	sadd.s32 $0xFFFFE003, lr  }
0x1b: {  	s9 =	sadd.s32 $0xFFFFFEF7, lr;
	s5 =	simm.s32 $0xFFFFFFFF;
	p2 =	slt.u32 s8, $0xFFFFF086  }
0x1c: {  	p1 =	slt.u32 s9, $0xF7A;
	s5 =	simm.s32 @!p2 $0x0  }
0x1d: {  	s5 =	simm.s32 @p1 $0x1;
	p0 =	seq.s32 s7, s2  }
0x1e: {  	s7 =	smul.u32 @!p0 $0xF7A, s2;
	p2 =	seq.s32 @!p0 s5, $0x0  }
0x1f: {  	s9 =	smul.u32 $0xF7A, s1;
	s8 =	simm.s32 @!p0 $0x1BF5;
	p2 =	por !p2, p0  }
0x20: {  	[sflag:s8] =	ssyncset.s32 @!p0 $0xFFFFF086;
	s6 =	sadd.s32 @!p0 s3, s7;
	s7 =	simm.s32 @!p0 $0x108  }
0x21: {  	s3 =	sadd.s32 s3, s9;
	s6 =	sadd.s32 @!p0 $0x88, s6;
	s7 =	simm.s32 @p2 $0x1082  }
0x22: {  	[simem:s7], [sflag:s8] =	dma.local @!p0 [hbm:s6], $0xF7A  }
0x23: {  	s9 =	sor.u32 $0xD0000000, s2;
	s6 =	simm.s32 $0x108;
	_ =	swait.ge @!p0 [sflag:s8], $0x0  }
0x24: {  	s3 =	sadd.s32 $0x88, s3;
	s6 =	simm.s32 @!p1 $0x1082;
	[sflag:s4] =	ssyncset.s32 $0xFFFFF086  }
0x25: {  	[simem:s6], [sflag:s4] =	dma.local [hbm:s3], $0xF7A  }
0x26: {  	[smem:$0x3F97] =	sst s1;
	(tag) =	ssettag s2;
	_ =	strace s9  }
0x27: {  	s1 =	sld [smem:$0x3FA7]  }
0x28: {  	s2 =	sld [smem:$0x3FA8]  }
0x29: {  	s4 =	sld [smem:$0x3FAA]  }
0x2a: {  	p0 =	seq.s32 s5, $0x0;
	s5 =	sld [smem:$0x3FAB]  }
0x2b: {  	s6 =	sld [smem:$0x3FAC]  }
0x2c: {  	s7 =	sld [smem:$0x3FAD]  }
0x2d: {  	s3 =	simm.s32 $0x108;
	s8 =	sld [smem:$0x3FAE]  }
0x2e: {  	s3 =	simm.s32 @!p0 $0x1082;
	s9 =	sld [smem:$0x3FAF]  }
0x2f: {  	lr =	sadd.s32 s0, s3;
	s0 =	sld [smem:$0x3FA6]  }
0x30: {  	s3 =	sld [smem:$0x3FA9]  }
0x31: {  	[smem:$0x3FB2] =	sst s10  }
0x32: {  	s10 =	sld [smem:$0x3FB0];
	_ =	sdelay $0x3  }
0x33: {  	p0 =	seq.s32 s10, $0x1;
	s10 =	sld [smem:$0x3FB2];
	_ =	sdelay $0x3  }
0x34: {  	[smem:$0x3FB2] =	sst s10  }
0x35: {  	s10 =	sld [smem:$0x3FB1];
	_ =	sdelay $0x3  }
0x36: {  	p1 =	seq.s32 s10, $0x1;
	s10 =	sld [smem:$0x3FB2];
	_ =	sdelay $0x3  }
0x37: {  	[smem:$0x3FB2] =	sst s10  }
0x38: {  	s10 =	sld [smem:$0x3FB3]  }
0x39: {  	_ = 	snop;
	(pc) =	sbr.ind lr, $3  }
0x3a: {  	_ = 	snop  }
0x3b: {  	_ = 	snop  }
0x3c: {  	p2 =	seq.s32 s10, $0x1;
	s10 =	sld [smem:$0x3FB2]  }
0x3d: {  	_ =	shalt  }
0x3e: {  	_ =	shalt  }
0x3f: {  	_ =	shalt  }
0x40: {  	_ =	shalt  }
0x41: {  	_ =	shalt  }
0x42: {  	_ =	shalt  }
0x43: {  	_ =	shalt  }
0x44: {  	_ =	shalt  }
0x45: {  	_ =	shalt  }
0x46: {  	_ =	shalt  }
0x47: {  	_ =	shalt  }
0x48: {  	_ =	shalt  }
0x49: {  	_ =	shalt  }
0x4a: {  	_ =	shalt  }
0x4b: {  	_ =	shalt  }
0x4c: {  	_ =	shalt  }
0x4d: {  	_ =	shalt  }
0x4e: {  	_ =	shalt  }
0x4f: {  	_ =	shalt  }
0x50: {  	_ =	shalt  }
0x51: {  	_ =	shalt  }
0x52: {  	_ =	shalt  }
0x53: {  	_ =	shalt  }
0x54: {  	_ =	shalt  }
0x55: {  	_ =	shalt  }
0x56: {  	_ =	shalt  }
0x57: {  	_ =	shalt  }
0x58: {  	_ =	shalt  }
0x59: {  	_ =	shalt  }
0x5a: {  	_ =	shalt  }
0x5b: {  	_ =	shalt  }
0x5c: {  	_ =	shalt  }
0x5d: {  	_ =	shalt  }
0x5e: {  	_ =	shalt  }
0x5f: {  	_ =	shalt  }
0x60: {  	_ =	shalt  }
0x61: {  	_ =	shalt  }
0x62: {  	_ =	shalt  }
0x63: {  	_ =	shalt  }
0x64: {  	_ =	shalt  }
0x65: {  	_ =	shalt  }
0x66: {  	_ =	shalt  }
0x67: {  	_ =	shalt  }
0x68: {  	_ =	shalt  }
0x69: {  	_ =	shalt  }
0x6a: {  	_ =	shalt  }
0x6b: {  	_ =	shalt  }
0x6c: {  	_ =	shalt  }
0x6d: {  	_ =	shalt  }
0x6e: {  	_ =	shalt  }
0x6f: {  	_ =	shalt  }
0x70: {  	_ =	shalt  }
0x71: {  	_ =	shalt  }
0x72: {  	_ =	shalt  }
0x73: {  	_ =	shalt  }
0x74: {  	_ =	shalt  }
0x75: {  	_ =	shalt  }
0x76: {  	_ =	shalt  }
0x77: {  	_ =	shalt  }
0x78: {  	_ =	shalt  }
0x79: {  	_ =	shalt  }
0x7a: {  	_ =	shalt  }
0x7b: {  	_ =	shalt  }
0x7c: {  	_ =	shalt  }
0x7d: {  	_ =	shalt  }
0x7e: {  	_ =	shalt  }
0x7f: {  	_ =	shalt  }
0x80: {  	_ =	shalt  }
0x81: {  	_ =	shalt  }
0x82: {  	_ =	shalt  }
0x83: {  	_ =	shalt  }
0x84: {  	_ =	shalt  }
0x85: {  	_ =	shalt  }
0x86: {  	_ =	shalt  }
0x87: {  	_ =	shalt  }
.Lfunc_end0:
.L_simem_size_0:
called_computation_lowered:
.L_overlay_start_0:
0x88: {  	s2 =	sld [smem:$0x3FD9]  }
0x89: {  	s3 =	sld [smem:$0x3FFE];
	_ =	sdelay $0x1  }
0x8a: {  	s1 =	srdreg.scid  }
0x8b: {  	s0 =	sand.u32 $0x1, s1  }
0x8c: {  	s16 =	sshll.u32 s0, $0xA;
	s2 =	sadd.s32 s3, s2  }
0x8d: {  	s2 =	sadd.s32 s2, s16  }
0x8e: {  	[smem:$0x3FBE] =	sst s2  }
0x8f: {  	_ = 	snop  }
0x90: {  	(tm) =	ssettm $0x1  }
0x91: {  	s17 =	sld [smem:$0x3FFB];
	_ =	sdelay $0x3  }
0x92: {  	_ =	strace s17  }
0x93: {  	s2 =	sld [smem:$0x3FFC];
	_ =	sdelay $0x3  }
0x94: {  	_ =	strace s2  }
0x95: {  	s2 =	sld [smem:$0x3FFD];
	_ =	sdelay $0x3  }
0x96: {  	_ =	strace s2  }
0x97: {  	_ =	strace $0x8FFFFFFF  }
0x98: {  	s18 =	sld [smem:$0x3FDB];
	_ =	sdelay $0x1  }
0x99: {  	s19 =	simm.s32 $_scs_section_size  }
0x9a: {  	s4 =	simm.s32 $_size__tile_overlayer_lowered;
	s5 =	simm.s32 $_tile_overlayer_lowered  }
0x9b: {  	s22 =	simm.s32 $0x1BFF;
	s21 =	sshll.u32 s5, $0x1;
	s2 =	sadd.s32 s19, s18  }
0x9c: {  	s6 =	simm.s32 $0x0;
	s20 =	sshll.u32 s4, $0x1;
	s4 =	sadd.s32 s21, s2  }
0x9d: {  	[timem:s6], [sflag:s22] =	dma.local [hbm:s4], s20  }
0x9e: {  	_ =	swait.ge [sflag:s22], s20  }
0x9f: {  	s3 =	ssub.s32 $0x0, s20;
	[sflag:s22] =	ssyncset.done $0x0  }
0xa0: {  	[sflag:s22] =	ssyncadd.s32 s3;
	_ =	sdelay $0x1  }
0xa1: {  	s23 =	simm.s32 $0x1B8B  }
0xa2: {  	_ =	swait.ge [sflag:s23], $0x1  }
0xa3: {  	[sflag:s23] =	ssyncset.done $0x0  }
0xa4: {  	s25 =	simm.s32 $0x1B8E;
	s24 =	sld [smem:$0x3FFE];
	[sflag:s23] =	ssyncadd.s32 $0xFFFFFFFF  }
0xa5: {  	s26 =	simm.s32 $execute0_lowered;
	[smem:$0x3FD2] =	sst s25  }
0xa6: {  	s4 =	sshll.u32 s26, $0x1;
	_ =	strace $0x80000046;
	[dreg:$0x1] =	wrdreg $0xFFFFFFFF  }
0xa7: {  	s28 =	simm.s32 $_size_execute0_lowered;
	s2 =	sadd.s32 s2, s4;
	[dreg:$0x0] =	wrdreg $0x0  }
0xa8: {  	s4 =	sshll.u32 s28, $0x1;
	[dreg:$0x2] =	wrdreg s2  }
0xa9: {  	[dreg:$0x3] =	wrdreg s4  }
0xaa: {  	[dreg:$0x4] =	wrdreg $0xC0  }
0xab: {  	_ =	task [dreg:s6], $0x5FFFF  }
0xac: {  	[dreg:$0x1] =	wrdreg $0xFFFFFFFF  }
0xad: {  	[dreg:$0x0] =	wrdreg $0x60  }
0xae: {  	[dreg:$0x2] =	wrdreg s24  }
0xaf: {  	[dreg:$0x3] =	wrdreg $0x9  }
0xb0: {  	_ =	task.clear_ibuf [dreg:s6], $0x4FFFF;
	_ =	strace $0x90000046  }
0xb1: {  	s29 =	simm.s32 $0x9;
	_ =	strace $0x80000048  }
0xb2: {  	_ =	swait.ge [sflag:s29], $0x1  }
0xb3: {  	[sflag:s29] =	ssyncadd.s32 $0xFFFFFFFF  }
0xb4: {  	_ =	strace $0x90000048  }
0xb5: {  	_ =	sfence  }
0xb6: {  	s30 =	sld [smem:$0x0];
	_ =	sdelay $0x2  }
0xb7: {  	s31 =	sshll.u32 s1, $0xD;
	s1 =	sshrl.u32 s1, $0x2  }
0xb8: {  	s3 =	sand.u32 $0x4000, s31;
	s1 =	sadd.s32 s1, s30  }
0xb9: {  	s0 =	sor.u32 s3, s0;
	s1 =	sshll.u32 s1, $0x11  }
0xba: {  	s0 =	sor.u32 s1, s0  }
0xbb: {  	s0 =	sadd.s32 $0x8F2B, s0  }
0xbc: {  	[sflag:s0] =	ssyncadd.remote.s32 $0x1  }
0xbd: {  	_ =	sfence.sel $0xFFFF  }
0xbe: {  	[dreg:$0x0] =	wrdreg $0xFFFFFFFF;
	(pc) =	sbr.abs _section_cstart, $3  }
0xbf: {  	[dreg:$0x1] =	wrdreg $0xFFFFFFFF  }
0xc0: {  	_ =	task.clear_ibuf [dreg:s6], $0x2FFFF;
	_ =	strace $0x9FFFFFFF  }
0xc1: {  	(tm) =	ssettm $0x7FFFFFFF  }
tec
execute0_lowered:
.L_overlay_start_1:
0x0: {  	(tag) =	ssettag $0x1  }
0x1: {  	s1 =	srdreg.scid  }
0x2: {  	s0 =	stileid.u32;
	s5 =	rddreg [dreg:$0x0]  }
0x3: {  	s2 =	simm.s32 $0x0;
	s8 =	simm.s32 $0x80;
	s9 =	simm.s32 $0x400  }
0x4: {  	s10 =	simm.s32 $0x0;
	s3 =	sand.u32 $0x1, s1;
	s29 =	sshll.u32 s0, $0x1  }
0x5: {  	s30 =	sshrl.u32 s0, $0x2;
	s1 =	rddreg [dreg:$0x1];
	s4 =	sor.u32 s3, s29  }
0x6: {  	[smem:$0x7FF] =	sst s2;
	s6 =	smul.u32 $0x14000, s30;
	s7 =	sshll.u32 s4, $0x7  }
0x7: {  	s3 =	ssub.s32 $0x2, s3;
	s4 =	smul.u32 $0x500, s4;
	s7 =	sand.u32 $0x380, s7  }
0x8: {  	_ =	strace $0x80000047;
	s31 =	sshrl.u32 s3, $0x1;
	s6 =	sor.u32 s6, s7  }
0x9: {  	s4 =	sadd.s32 s4, s5;
	s7 =	simm.s32 $0x2800;
	s6 =	sshrl.u32 s6, $0x3  }
0xa: {  	s5 =	sadd.s32 s6, s5;
	s6 =	ssub.s32 s3, s31;
	s3 =	sadd.s32 $0x4200, s4  }
0xb: {  	v0 =	vimm.f32 $0.0e+00;
	v1 =	vimm.f32 $1.000000000e+00;
	s4 =	sadd.s32 $0xE200, s5;
	s5 =	smax.u32 s6, $0x1;
	s6 =	simm.s32 $0x1  }
.LBB2_1:
0xc: {  	[tilespmem:s2], [sflag:$0x1] =	stream.linear.gather [hbm4b:s3+s2], $0x2800, $0x38;
	[tilespmem:$0x5000] =	vst v63  }
0xd: {  	_ =	swait.ge [sflag:s6], $0x2800  }
0xe: {  	[sflag:s6] =	ssyncset.done $0x0  }
0xf: {  	s11 =	simm.s32 $0x0;
	[sflag:s6] =	ssyncadd.s32 $0xFFFFD800  }
.LBB2_2:
0x10: {  	p0 =	sne.s32 s11, $0x9FC0  }
.Ltmp0:
0x11: {  	_ = 	snop;
	(pc) =	sbr.rel @p0 .LBB2_2-.Ltmp0, $3  }
0x12: {  	_ =	sdelay $0x1  }
0x13: {  	s12 =	sshra.s32 s11, $0x2  }
0x14: {  	s11 =	sadd.s32 $0x40, s11;
	[tilespmem:s12+$0x2800] =	vst v0  }
0x15: {  	s11 =	simm.s32 $0x0  }
.LBB2_4:
0x16: {  	s12 =	sshra.s32 s11, $0x2  }
0x17: {  	v2 =	vld [tilespmem:s12+$0x0];
	_ =	sdelay $0x7  }
0x18: {  	[tilespmem:v2+s7+$0x0] =	vst.idx.add.f32.msk $0xffff, v1  }
0x19: {  	v2 =	vld [tilespmem:s12+$0x10];
	_ =	sdelay $0x7  }
0x1a: {  	[tilespmem:v2+s7+$0x0] =	vst.idx.add.f32.msk $0xffff, v1  }
0x1b: {  	v2 =	vld [tilespmem:s12+$0x20];
	_ =	sdelay $0x7  }
0x1c: {  	[tilespmem:v2+s7+$0x0] =	vst.idx.add.f32.msk $0xffff, v1  }
0x1d: {  	v2 =	vld [tilespmem:s12+$0x30];
	_ =	sdelay $0x7  }
0x1e: {  	[tilespmem:v2+s7+$0x0] =	vst.idx.add.f32.msk $0xffff, v1  }
0x1f: {  	v2 =	vld [tilespmem:s12+$0x40];
	_ =	sdelay $0x7  }
0x20: {  	[tilespmem:v2+s7+$0x0] =	vst.idx.add.f32.msk $0xffff, v1  }
0x21: {  	v2 =	vld [tilespmem:s12+$0x50];
	_ =	sdelay $0x7  }
0x22: {  	[tilespmem:v2+s7+$0x0] =	vst.idx.add.f32.msk $0xffff, v1  }
0x23: {  	v2 =	vld [tilespmem:s12+$0x60];
	_ =	sdelay $0x7  }
0x24: {  	[tilespmem:v2+s7+$0x0] =	vst.idx.add.f32.msk $0xffff, v1  }
0x25: {  	v2 =	vld [tilespmem:s12+$0x70];
	_ =	sdelay $0x2  }
0x26: {  	p0 =	sne.s32 s11, $0x9E00  }
.Ltmp1:
0x27: {  	_ = 	snop;
	(pc) =	sbr.rel @p0 .LBB2_4-.Ltmp1, $2  }
0x28: {  	_ =	sdelay $0x2  }
0x29: {  	s11 =	sadd.s32 $0x200, s11;
	[tilespmem:v2+s7+$0x0] =	vst.idx.add.f32.msk $0xffff, v1  }
0x2a: {  	s10 =	sadd.s32 $0x1, s10  }
0x2b: {  	p0 =	sne.s32 s10, s5  }
.Ltmp2:
0x2c: {  	_ = 	snop;
	(pc) =	sbr.rel @p0 .LBB2_1-.Ltmp2, $4  }
0x2d: {  	[hbm4b:s4+s8] =	stream.strided.scatter [tilespmem:s7], [sflag:$0x1], $0x2800, s9, s8, $0x38;
	[tilespmem:$0x5000] =	vst v63  }
0x2e: {  	_ =	swait.ge [sflag:s6], $0x2800  }
0x2f: {  	[sflag:s6] =	ssyncset.done $0x0  }
0x30: {  	[sflag:s6] =	ssyncadd.s32 $0xFFFFD800  }
0x31: {  	_ =	sfence.sel $0x180000  }
0x32: {  	[bflag:$0x0] =	sbarrier.arrive $0xFFFF  }
0x33: {  	p0 =	sne.s32 s0, $0x0;
	_ =	strace $0x90000047  }
0x34: {  	s0 =	sadd.s32 @!p0 $0x100000, s1;
	[bflag:$0x2] =	sbarrier.arrive $0xFFFF  }
0x35: {  	[sflag:s0] =	ssyncadd.tile.s32 @!p0 $0x1;
	_ =	shalt  }
.Lfunc_end2:
_tile_overlayer_lowered:
.L_overlay_start_2:
0x36: {  	(tag) =	ssettag $0x2  }
0x37: {  	s0 =	rddreg [dreg:$0x0];
	s2 =	stileid.u32  }
0x38: {  	s1 =	rddreg [dreg:$0x1];
	p0 =	sne.s32 s2, $0x0  }
0x39: {  	s3 =	rddreg [dreg:$0x2];
	[bflag:$0x3] =	sbarrier.arrive $0xFFFF;
	s2 =	simm.s32 @!p0 $0x1C01  }
0x3a: {  	[timem:s3], [sflag:s2] =	dma.local @!p0 [hbm:s0], s1  }
0x3b: {  	s0 =	simm.s32 @!p0 $0x1  }
0x3c: {  	_ =	swait.ge @!p0 [sflag:s0], s1  }
0x3d: {  	s1 =	ssub.s32 @!p0 $0x0, s1;
	[sflag:s0] =	ssyncset.done @!p0 $0x0  }
0x3e: {  	[sflag:s0] =	ssyncadd.s32 @!p0 s1  }
0x3f: {  	[bflag:$0x3] =	sbarrier.arrive $0xFFFF  }
0x40: {  	_ =	shalt  }

</sc_bundles>
